<compile_context>
chip_gen: v7x
topology: tpu7x:2x2x1
jax: 0.10.2.dev20260603
libtpu: 0.0.44.dev20260713+nightly
codegen_flags: <defaults>
</compile_context>

<pallas_src>
import functools

import jax
import jax.numpy as jnp
from jax import lax
from jax.experimental import pallas as pl
from jax.experimental.pallas import tpu as pltpu
from jax.experimental.pallas import tpu_sc as plsc

N = 10000
E = 320000
F = 128
H = 4
C = 16

D = 16
NW = 32
CH = 128
NCH = 2 * (-(-E // (NW * CH * 2)))
EPW = NCH * CH
EPAD = NW * EPW
NGARB = N
ZR = 640
NP = ZR * 16
FW = NP // NW

_mesh = plsc.VectorSubcoreMesh(core_axis_name="c", subcore_axis_name="s")
_sc_params = pltpu.CompilerParams(use_tc_tiling_on_sc=False,
                                  needs_layout_passes=False)


def _newton_rsqrt(d):
    i = lax.bitcast_convert_type(d, jnp.int32)
    i = jnp.int32(0x5F3759DF) - lax.shift_right_arithmetic(i, 1)
    y = lax.bitcast_convert_type(i, jnp.float32)
    for _ in range(4):
        y = y * (1.5 - 0.5 * d * y * y)
    return y


def _zero_fill(zb):
    def zrow(i, c):
        zb[i, :] = jnp.zeros((D,), jnp.float32)
        return c

    lax.fori_loop(0, ZR, zrow, 0)


def _edge_pass(wid, src_hbm, dst_hbm, srcv, dstv, rows0, rows1, ytab_sh, acc,
               sem0, sem1):
    def fire(j, buf, sem):
        pltpu.async_copy(ytab_sh.at[srcv.at[j]], buf, sem)

    def drain(buf, sem):
        pltpu.make_async_copy(ytab_sh.at[srcv.at[0]], buf, sem).wait()

    def scat(j, buf):
        pltpu.sync_copy(buf, acc.at[dstv.at[j]], add=True)

    pltpu.sync_copy(src_hbm.at[wid], srcv)
    pltpu.sync_copy(dst_hbm.at[wid], dstv)
    fire(0, rows0, sem0)
    fire(1, rows1, sem1)

    def pair(j2, c):
        a = 2 * j2
        drain(rows0, sem0)
        scat(a, rows0)
        fire(a + 2, rows0, sem0)
        drain(rows1, sem1)
        scat(a + 1, rows1)
        fire(a + 3, rows1, sem1)
        return c

    lax.fori_loop(0, NCH // 2 - 1, pair, 0)
    drain(rows0, sem0)
    scat(NCH - 2, rows0)
    drain(rows1, sem1)
    scat(NCH - 1, rows1)


@functools.partial(
    pl.kernel,
    out_type=jax.ShapeDtypeStruct((2, NP, D), jnp.float32),
    mesh=_mesh,
    compiler_params=_sc_params,
    scratch_types=[
        pltpu.VMEM((NCH, CH), jnp.int32),
        pltpu.VMEM((CH, D), jnp.float32),
        pltpu.VMEM((ZR, D), jnp.float32),
        pltpu.VMEM_SHARED((NP, D), jnp.float32),
    ],
)
def _sc_degree(dst_hbm, out_hbm, dstv, rows, zb, acc):
    cid = lax.axis_index("c")
    sid = lax.axis_index("s")
    wid = sid * 2 + cid
    sl = pl.ds(sid * ZR, ZR)

    _zero_fill(zb)
    pltpu.sync_copy(zb, acc.at[sl])
    plsc.subcore_barrier()

    pltpu.sync_copy(dst_hbm.at[wid], dstv)

    def orow(i, c):
        rows[i, :] = jnp.ones((D,), jnp.float32)
        return c

    lax.fori_loop(0, CH, orow, 0)

    def step(j, c):
        pltpu.sync_copy(rows, acc.at[dstv.at[j]], add=True)
        return c

    lax.fori_loop(0, NCH, step, 0)

    plsc.subcore_barrier()
    pltpu.sync_copy(acc.at[sl], zb)
    pltpu.sync_copy(zb, out_hbm.at[cid, sl])


@functools.partial(
    pl.kernel,
    out_type=[
        jax.ShapeDtypeStruct((2, NP, D), jnp.float32),
        jax.ShapeDtypeStruct((NP, D), jnp.float32),
        jax.ShapeDtypeStruct((NP, D), jnp.float32),
    ],
    mesh=_mesh,
    compiler_params=_sc_params,
    scratch_types=[
        pltpu.VMEM((NCH, CH), jnp.int32),
        pltpu.VMEM((NCH, CH), jnp.int32),
        pltpu.VMEM((CH, D), jnp.float32),
        pltpu.VMEM((CH, D), jnp.float32),
        pltpu.VMEM((ZR, D), jnp.float32),
        pltpu.VMEM((ZR, D), jnp.float32),
        pltpu.VMEM((ZR, D), jnp.float32),
        pltpu.VMEM((ZR, D), jnp.float32),
        pltpu.VMEM((ZR, D), jnp.float32),
        pltpu.VMEM_SHARED((NP, D), jnp.float32),
        pltpu.VMEM_SHARED((NP, D), jnp.float32),
        pltpu.SemaphoreType.DMA,
        pltpu.SemaphoreType.DMA,
    ],
)
def _sc_layer1(src_hbm, dst_hbm, xw_hbm, degp_hbm, out_hbm, y1_hbm, dis_hbm,
               srcv, dstv, rows0, rows1, zb, xwv, dg0, dg1, y1v, acc, ytab_sh,
               sem0, sem1):
    cid = lax.axis_index("c")
    sid = lax.axis_index("s")
    wid = sid * 2 + cid
    sl = pl.ds(sid * ZR, ZR)

    _zero_fill(zb)
    pltpu.sync_copy(zb, acc.at[sl])
    pltpu.sync_copy(xw_hbm.at[sl], xwv)
    pltpu.sync_copy(degp_hbm.at[0, sl], dg0)
    pltpu.sync_copy(degp_hbm.at[1, sl], dg1)

    def rowfn(r, c):
        d = dg0[r, :] + dg1[r, :] + 1.0
        q = _newton_rsqrt(d)
        dg0[r, :] = q
        y1v[r, :] = q * xwv[r, :]
        return c

    lax.fori_loop(0, ZR, rowfn, 0)
    pltpu.sync_copy(y1v, ytab_sh.at[sl])

    @pl.when(cid == 0)
    def _():
        pltpu.sync_copy(y1v, y1_hbm.at[sl])
        pltpu.sync_copy(dg0, dis_hbm.at[sl])

    plsc.subcore_barrier()
    _edge_pass(wid, src_hbm, dst_hbm, srcv, dstv, rows0, rows1, ytab_sh, acc,
               sem0, sem1)
    plsc.subcore_barrier()
    pltpu.sync_copy(acc.at[sl], zb)
    pltpu.sync_copy(zb, out_hbm.at[cid, sl])


@functools.partial(
    pl.kernel,
    out_type=[
        jax.ShapeDtypeStruct((2, NP, D), jnp.float32),
        jax.ShapeDtypeStruct((NP, D), jnp.float32),
    ],
    mesh=_mesh,
    compiler_params=_sc_params,
    scratch_types=[
        pltpu.VMEM((NCH, CH), jnp.int32),
        pltpu.VMEM((NCH, CH), jnp.int32),
        pltpu.VMEM((CH, D), jnp.float32),
        pltpu.VMEM((CH, D), jnp.float32),
        pltpu.VMEM((ZR, D), jnp.float32),
        pltpu.VMEM((ZR, D), jnp.float32),
        pltpu.VMEM((ZR, D), jnp.float32),
        pltpu.VMEM((ZR, D), jnp.float32),
        pltpu.VMEM((ZR, D), jnp.float32),
        pltpu.VMEM((D, D), jnp.float32),
        pltpu.VMEM((D,), jnp.float32),
        pltpu.VMEM((2 * D,), jnp.float32),
        pltpu.VMEM_SHARED((NP, D), jnp.float32),
        pltpu.VMEM_SHARED((NP, D), jnp.float32),
        pltpu.SemaphoreType.DMA,
        pltpu.SemaphoreType.DMA,
    ],
)
def _sc_layer2(src_hbm, dst_hbm, y1_hbm, dis_hbm, ag1_hbm, w2_hbm, b1_hbm,
               out_hbm, y2_hbm, srcv, dstv, rows0, rows1, zb, y1v, dsv, a0,
               a1, w2v, b1v, hrow, acc, ytab_sh, sem0, sem1):
    cid = lax.axis_index("c")
    sid = lax.axis_index("s")
    wid = sid * 2 + cid
    sl = pl.ds(sid * ZR, ZR)

    _zero_fill(zb)
    pltpu.sync_copy(zb, acc.at[sl])
    pltpu.sync_copy(y1_hbm.at[sl], y1v)
    pltpu.sync_copy(dis_hbm.at[sl], dsv)
    pltpu.sync_copy(ag1_hbm.at[0, sl], a0)
    pltpu.sync_copy(ag1_hbm.at[1, sl], a1)
    pltpu.sync_copy(w2_hbm, w2v)
    pltpu.sync_copy(b1_hbm, b1v)

    def rowfn(r, c):
        pre = dsv[r, :] * (a0[r, :] + a1[r, :] + y1v[r, :]) + b1v[:]
        hrow[pl.ds(8, D)] = jnp.maximum(pre, 0.0)
        o = jnp.zeros((D,), jnp.float32)
        for j in range(H):
            hj = plsc.load_gather(hrow, [jnp.full((D,), 8 + j, jnp.int32)])
            o = o + hj * w2v[j, :]
        y1v[r, :] = dsv[r, :] * o
        return c

    lax.fori_loop(0, ZR, rowfn, 0)
    pltpu.sync_copy(y1v, ytab_sh.at[sl])

    @pl.when(cid == 0)
    def _():
        pltpu.sync_copy(y1v, y2_hbm.at[sl])

    plsc.subcore_barrier()
    _edge_pass(wid, src_hbm, dst_hbm, srcv, dstv, rows0, rows1, ytab_sh, acc,
               sem0, sem1)
    plsc.subcore_barrier()
    pltpu.sync_copy(acc.at[sl], zb)
    pltpu.sync_copy(zb, out_hbm.at[cid, sl])


@functools.partial(
    pl.kernel,
    out_type=[
        jax.ShapeDtypeStruct((NP, D), jnp.float32),
        jax.ShapeDtypeStruct((NP, D), jnp.float32),
    ],
    mesh=_mesh,
    compiler_params=_sc_params,
    scratch_types=[
        pltpu.VMEM((FW, D), jnp.float32),
        pltpu.VMEM((FW, D), jnp.float32),
        pltpu.VMEM((FW, D), jnp.float32),
        pltpu.VMEM((FW, D), jnp.float32),
        pltpu.VMEM((FW, D), jnp.float32),
        pltpu.VMEM((FW, D), jnp.float32),
        pltpu.VMEM((D,), jnp.float32),
    ],
)
def _sc_finalize(y2_hbm, dis_hbm, ag2_hbm, b2_hbm, lg_hbm, pb_hbm, y2v, dsv,
                 a0, a1, lgv, pbv, b2v):
    cid = lax.axis_index("c")
    sid = lax.axis_index("s")
    wid = sid * 2 + cid
    fsl = pl.ds(wid * FW, FW)

    pltpu.sync_copy(y2_hbm.at[fsl], y2v)
    pltpu.sync_copy(dis_hbm.at[fsl], dsv)
    pltpu.sync_copy(ag2_hbm.at[0, fsl], a0)
    pltpu.sync_copy(ag2_hbm.at[1, fsl], a1)
    pltpu.sync_copy(b2_hbm, b2v)

    def rowfn(r, c):
        lg = dsv[r, :] * (a0[r, :] + a1[r, :] + y2v[r, :]) + b2v[:]
        lgv[r, :] = lg
        m = jnp.max(lg)
        e = jnp.exp(lg - m)
        s = jnp.sum(e)
        pbv[r, :] = e / s
        return c

    lax.fori_loop(0, FW, rowfn, 0)
    pltpu.sync_copy(lgv, lg_hbm.at[fsl])
    pltpu.sync_copy(pbv, pb_hbm.at[fsl])


def _k1a_body(x_ref, w1_ref, o_ref):
    o_ref[: N, :] = jnp.dot(x_ref[...], w1_ref[...],
                            preferred_element_type=jnp.float32)
    o_ref[N:, :] = jnp.zeros((NP - N, D), jnp.float32)


_k1a = pl.pallas_call(
    _k1a_body,
    out_shape=jax.ShapeDtypeStruct((NP, D), jnp.float32),
)


def kernel(x, edge_index, W1, b1, W2, b2):
    src = edge_index[0]
    dst = edge_index[1]
    pad = EPAD - E
    srcp = jnp.concatenate([src, jnp.zeros((pad,), jnp.int32)])
    srcp = srcp.reshape(NW, NCH, CH)
    dstp = jnp.concatenate([dst, jnp.full((pad,), NGARB, jnp.int32)])
    dstp = dstp.reshape(NW, NCH, CH)

    W1p = jnp.pad(W1, ((0, 0), (0, D - H)))
    b1p = jnp.pad(b1, (0, D - H))
    W2p = jnp.pad(W2, ((0, D - H), (0, 0)))

    degp = _sc_degree(dstp)
    xw = _k1a(x, W1p)
    agg1p, y1tab, distab = _sc_layer1(srcp, dstp, xw, degp)
    agg2p, y2tab = _sc_layer2(srcp, dstp, y1tab, distab, agg1p, W2p, b1p)
    lg, pb = _sc_finalize(y2tab, distab, agg2p, b2)
    return lg[: N], pb[: N]

# --- scband reference (transcript-rebuilt; emitter-appended) ---
"""Pipeline reference for scband-gcn-27865747817169 (READ-ONLY COPY).

The authoritative reference and input builder live on the scoring server;
editing this copy changes nothing except your own understanding.
"""

import jax, jax.numpy as jnp
import numpy as np

N = 10000
E = 320000
F = 128
H = 4
C = 16


def setup_inputs(seed: int = 0) -> dict:
    key = jax.random.key(seed)
    k1, k2, k3, k4 = jax.random.split(key, 4)
    x = jax.random.normal(k1, (N, F), dtype=jnp.float32)
    edge_index = jax.random.randint(k2, (2, E), 0, N, dtype=jnp.int32)
    W1 = jax.random.normal(k3, (F, H), dtype=jnp.float32) * (1.0 / np.sqrt(F))
    b1 = jnp.zeros((H,), dtype=jnp.float32)
    W2 = jax.random.normal(k4, (H, C), dtype=jnp.float32) * (1.0 / np.sqrt(H))
    b2 = jnp.zeros((C,), dtype=jnp.float32)
    return {"x": x, "edge_index": edge_index, "W1": W1, "b1": b1, "W2": W2, "b2": b2}


def gcn_conv(x, edge_index, W, b):
    # GCNConv: out = D^{-1/2} (A + I) D^{-1/2} (X W) + b
    n = x.shape[0]
    xw = x @ W
    loop = jnp.arange(n, dtype=edge_index.dtype)
    src = jnp.concatenate([edge_index[0], loop])
    dst = jnp.concatenate([edge_index[1], loop])
    deg = jax.ops.segment_sum(jnp.ones(src.shape[0], dtype=xw.dtype), dst, num_segments=n)
    deg_inv_sqrt = jnp.where(deg > 0, 1.0 / jnp.sqrt(deg), 0.0)
    norm = deg_inv_sqrt[src] * deg_inv_sqrt[dst]
    msg = xw[src] * norm[:, None]
    out = jax.ops.segment_sum(msg, dst, num_segments=n)
    return out + b


def reference(x, edge_index, W1, b1, W2, b2):
    h = gcn_conv(x, edge_index, W1, b1)
    h = jax.nn.relu(h)
    logits = gcn_conv(h, edge_index, W2, b2)
    return logits, jax.nn.softmax(logits, axis=1)

if __name__ == "__main__":
    import jax
    _d = setup_inputs()
    print(jax.jit(kernel)(*tuple(_d.values())))

</pallas_src>

<mosaic_0001>
#map = affine_map<(d0, d1) -> (0, 0, 0)>
#map1 = affine_map<(d0, d1) -> (0, 0)>
module attributes {stable_mosaic.version = 14 : i64} {
  func.func @_sc_layer1(%arg0: i32, %arg1: i32, %arg2: memref<32x80x128xi32, #tpu.memory_space<hbm>>, %arg3: memref<32x80x128xi32, #tpu.memory_space<hbm>>, %arg4: memref<10240x16xf32, #tpu.memory_space<hbm>>, %arg5: memref<2x10240x16xf32, #tpu.memory_space<hbm>>, %arg6: memref<2x10240x16xf32, #tpu.memory_space<hbm>>, %arg7: memref<10240x16xf32, #tpu.memory_space<hbm>>, %arg8: memref<10240x16xf32, #tpu.memory_space<hbm>>, %arg9: memref<80x128xi32, #tpu.memory_space<vmem>>, %arg10: memref<80x128xi32, #tpu.memory_space<vmem>>, %arg11: memref<128x16xf32, #tpu.memory_space<vmem>>, %arg12: memref<128x16xf32, #tpu.memory_space<vmem>>, %arg13: memref<640x16xf32, #tpu.memory_space<vmem>>, %arg14: memref<640x16xf32, #tpu.memory_space<vmem>>, %arg15: memref<640x16xf32, #tpu.memory_space<vmem>>, %arg16: memref<640x16xf32, #tpu.memory_space<vmem>>, %arg17: memref<640x16xf32, #tpu.memory_space<vmem>>, %arg18: memref<10240x16xf32, #tpu.memory_space<vmem_shared>>, %arg19: memref<10240x16xf32, #tpu.memory_space<vmem_shared>>, %arg20: memref<!tpu.dma_semaphore, #tpu.memory_space<semaphore_mem>>, %arg21: memref<!tpu.dma_semaphore, #tpu.memory_space<semaphore_mem>>) attributes {dimension_semantics = [#tpu.dimension_semantics<core_parallel>, #tpu.dimension_semantics<subcore_parallel>], iteration_bounds = array<i64: 2, 16>, scalar_prefetch = 0 : i64, scratch_operands = 13 : i64, tpu.core_type = #tpu.core_type<sc_vector_subcore>, window_params = [{transform_indices = #map}, {transform_indices = #map}, {transform_indices = #map1}, {transform_indices = #map}, {transform_indices = #map}, {transform_indices = #map1}, {transform_indices = #map1}]} {
    %mul3A = arith.constant 2 : i32
    %mul3A_0 = arith.muli %arg1, %mul3A : i32
    %add3A = arith.addi %mul3A_0, %arg0 : i32
    %mul3A_1 = arith.constant 640 : i32
    %mul3A_2 = arith.muli %arg1, %mul3A_1 : i32
    %scan3A = arith.constant 0 : i32
    %scan3A_3 = arith.constant 0 : i32
    %scan3A_4 = arith.constant 640 : i32
    %scan3A_5 = arith.addi %scan3A_3, %scan3A_4 : i32
    %scan3A_6 = arith.constant 1 : i32
    scf.for %scan3A_52 = %scan3A_3 to %scan3A_5 step %scan3A_6  : i32 {
      %broadcast_in_dim3A = arith.constant 0.000000e+00 : f32
      %broadcast_in_dim3A_53 = vector.broadcast %broadcast_in_dim3A : f32 to vector<16xf32>
      %swap3A = arith.index_cast %scan3A_52 : i32 to index
      %swap3A_54 = arith.constant 0 : index
      %swap3A_55 = tpu.vector_load %arg13[%swap3A, %swap3A_54] {strides = array<i32>} : memref<640x16xf32, #tpu.memory_space<vmem>>, vector<16xf32>,
      tpu.vector_store %arg13[%swap3A, %swap3A_54], %broadcast_in_dim3A_53 {strides = array<i32>} : memref<640x16xf32, #tpu.memory_space<vmem>>, vector<16xf32>,
    }
    %scan3A_7 = arith.constant 640 : i32
    "tpu.region"() ({
      %run_scoped3A_52 = tpu.sem_alloc : memref<!tpu.dma_semaphore, #tpu.memory_space<semaphore_mem>>
      %dma_start3A_53 = arith.constant 0 : i32
      %dma_start3A_54 = tpu.memref_slice %arg18[%mul3A_2, %dma_start3A_53] : memref<10240x16xf32, #tpu.memory_space<vmem_shared>> -> memref<640x16xf32, #tpu.memory_space<vmem_shared>>
      %dma_start3A_55 = arith.constant 0 : i32
      %dma_start3A_56 = tpu.memref_slice %arg18[%mul3A_2, %dma_start3A_55] : memref<10240x16xf32, #tpu.memory_space<vmem_shared>> -> memref<640x16xf32, #tpu.memory_space<vmem_shared>>
      tpu.enqueue_dma source(%arg13 : memref<640x16xf32, #tpu.memory_space<vmem>>) target(%dma_start3A_56 : memref<640x16xf32, #tpu.memory_space<vmem_shared>>) target_semaphore(%run_scoped3A_52 : memref<!tpu.dma_semaphore, #tpu.memory_space<semaphore_mem>>)
      %dma_wait3A_57 = arith.constant 0 : i32
      %dma_wait3A_58 = tpu.memref_slice %arg18[%mul3A_2, %dma_wait3A_57] : memref<10240x16xf32, #tpu.memory_space<vmem_shared>> -> memref<640x16xf32, #tpu.memory_space<vmem_shared>>
      %dma_wait3A_59 = arith.constant 0 : i32
      %dma_wait3A_60 = tpu.memref_slice %arg18[%mul3A_2, %dma_wait3A_59] : memref<10240x16xf32, #tpu.memory_space<vmem_shared>> -> memref<640x16xf32, #tpu.memory_space<vmem_shared>>
      tpu.wait_dma2 semaphore(%run_scoped3A_52 : memref<!tpu.dma_semaphore, #tpu.memory_space<semaphore_mem>>) src(%arg13 : memref<640x16xf32, #tpu.memory_space<vmem>>) dst(%dma_wait3A_60 : memref<640x16xf32, #tpu.memory_space<vmem_shared>>)
      tpu.yield
    }) : () -> ()
    "tpu.region"() ({
      %run_scoped3A_52 = tpu.sem_alloc : memref<!tpu.dma_semaphore, #tpu.memory_space<semaphore_mem>>
      %dma_start3A_53 = arith.constant 0 : i32
      %dma_start3A_54 = tpu.memref_slice %arg4[%mul3A_2, %dma_start3A_53] : memref<10240x16xf32, #tpu.memory_space<hbm>> -> memref<640x16xf32, #tpu.memory_space<hbm>>
      %dma_start3A_55 = arith.constant 0 : i32
      %dma_start3A_56 = tpu.memref_slice %arg4[%mul3A_2, %dma_start3A_55] : memref<10240x16xf32, #tpu.memory_space<hbm>> -> memref<640x16xf32, #tpu.memory_space<hbm>>
      tpu.enqueue_dma source(%dma_start3A_56 : memref<640x16xf32, #tpu.memory_space<hbm>>) target(%arg14 : memref<640x16xf32, #tpu.memory_space<vmem>>) target_semaphore(%run_scoped3A_52 : memref<!tpu.dma_semaphore, #tpu.memory_space<semaphore_mem>>)
      %dma_wait3A_57 = arith.constant 0 : i32
      %dma_wait3A_58 = tpu.memref_slice %arg4[%mul3A_2, %dma_wait3A_57] : memref<10240x16xf32, #tpu.memory_space<hbm>> -> memref<640x16xf32, #tpu.memory_space<hbm>>
      %dma_wait3A_59 = arith.constant 0 : i32
      %dma_wait3A_60 = tpu.memref_slice %arg4[%mul3A_2, %dma_wait3A_59] : memref<10240x16xf32, #tpu.memory_space<hbm>> -> memref<640x16xf32, #tpu.memory_space<hbm>>
      tpu.wait_dma2 semaphore(%run_scoped3A_52 : memref<!tpu.dma_semaphore, #tpu.memory_space<semaphore_mem>>) src(%dma_wait3A_60 : memref<640x16xf32, #tpu.memory_space<hbm>>) dst(%arg14 : memref<640x16xf32, #tpu.memory_space<vmem>>)
      tpu.yield
    }) : () -> ()
    %run_scoped3A = arith.constant 0 : i32
    "tpu.region"() ({
      %run_scoped3A_52 = tpu.sem_alloc : memref<!tpu.dma_semaphore, #tpu.memory_space<semaphore_mem>>
      %dma_start3A_53 = arith.constant 0 : i32
      %dma_start3A_54 = tpu.memref_slice %arg5[%run_scoped3A, %mul3A_2, %dma_start3A_53] : memref<2x10240x16xf32, #tpu.memory_space<hbm>> -> memref<1x640x16xf32, #tpu.memory_space<hbm>>
      %dma_start3A_55 = tpu.memref_squeeze %dma_start3A_54 : memref<1x640x16xf32, #tpu.memory_space<hbm>> -> memref<640x16xf32, #tpu.memory_space<hbm>>
      %dma_start3A_56 = arith.constant 0 : i32
      %dma_start3A_57 = tpu.memref_slice %arg5[%run_scoped3A, %mul3A_2, %dma_start3A_56] : memref<2x10240x16xf32, #tpu.memory_space<hbm>> -> memref<1x640x16xf32, #tpu.memory_space<hbm>>
      %dma_start3A_58 = tpu.memref_squeeze %dma_start3A_57 : memref<1x640x16xf32, #tpu.memory_space<hbm>> -> memref<640x16xf32, #tpu.memory_space<hbm>>
      tpu.enqueue_dma source(%dma_start3A_58 : memref<640x16xf32, #tpu.memory_space<hbm>>) target(%arg15 : memref<640x16xf32, #tpu.memory_space<vmem>>) target_semaphore(%run_scoped3A_52 : memref<!tpu.dma_semaphore, #tpu.memory_space<semaphore_mem>>)
      %dma_wait3A_59 = arith.constant 0 : i32
      %dma_wait3A_60 = tpu.memref_slice %arg5[%run_scoped3A, %mul3A_2, %dma_wait3A_59] : memref<2x10240x16xf32, #tpu.memory_space<hbm>> -> memref<1x640x16xf32, #tpu.memory_space<hbm>>
      %dma_wait3A_61 = tpu.memref_squeeze %dma_wait3A_60 : memref<1x640x16xf32, #tpu.memory_space<hbm>> -> memref<640x16xf32, #tpu.memory_space<hbm>>
      %dma_wait3A_62 = arith.constant 0 : i32
      %dma_wait3A_63 = tpu.memref_slice %arg5[%run_scoped3A, %mul3A_2, %dma_wait3A_62] : memref<2x10240x16xf32, #tpu.memory_space<hbm>> -> memref<1x640x16xf32, #tpu.memory_space<hbm>>
      %dma_wait3A_64 = tpu.memref_squeeze %dma_wait3A_63 : memref<1x640x16xf32, #tpu.memory_space<hbm>> -> memref<640x16xf32, #tpu.memory_space<hbm>>
      tpu.wait_dma2 semaphore(%run_scoped3A_52 : memref<!tpu.dma_semaphore, #tpu.memory_space<semaphore_mem>>) src(%dma_wait3A_64 : memref<640x16xf32, #tpu.memory_space<hbm>>) dst(%arg15 : memref<640x16xf32, #tpu.memory_space<vmem>>)
      tpu.yield
    }) : () -> ()
    %run_scoped3A_8 = arith.constant 1 : i32
    "tpu.region"() ({
      %run_scoped3A_52 = tpu.sem_alloc : memref<!tpu.dma_semaphore, #tpu.memory_space<semaphore_mem>>
      %dma_start3A_53 = arith.constant 0 : i32
      %dma_start3A_54 = tpu.memref_slice %arg5[%run_scoped3A_8, %mul3A_2, %dma_start3A_53] : memref<2x10240x16xf32, #tpu.memory_space<hbm>> -> memref<1x640x16xf32, #tpu.memory_space<hbm>>
      %dma_start3A_55 = tpu.memref_squeeze %dma_start3A_54 : memref<1x640x16xf32, #tpu.memory_space<hbm>> -> memref<640x16xf32, #tpu.memory_space<hbm>>
      %dma_start3A_56 = arith.constant 0 : i32
      %dma_start3A_57 = tpu.memref_slice %arg5[%run_scoped3A_8, %mul3A_2, %dma_start3A_56] : memref<2x10240x16xf32, #tpu.memory_space<hbm>> -> memref<1x640x16xf32, #tpu.memory_space<hbm>>
      %dma_start3A_58 = tpu.memref_squeeze %dma_start3A_57 : memref<1x640x16xf32, #tpu.memory_space<hbm>> -> memref<640x16xf32, #tpu.memory_space<hbm>>
      tpu.enqueue_dma source(%dma_start3A_58 : memref<640x16xf32, #tpu.memory_space<hbm>>) target(%arg16 : memref<640x16xf32, #tpu.memory_space<vmem>>) target_semaphore(%run_scoped3A_52 : memref<!tpu.dma_semaphore, #tpu.memory_space<semaphore_mem>>)
      %dma_wait3A_59 = arith.constant 0 : i32
      %dma_wait3A_60 = tpu.memref_slice %arg5[%run_scoped3A_8, %mul3A_2, %dma_wait3A_59] : memref<2x10240x16xf32, #tpu.memory_space<hbm>> -> memref<1x640x16xf32, #tpu.memory_space<hbm>>
      %dma_wait3A_61 = tpu.memref_squeeze %dma_wait3A_60 : memref<1x640x16xf32, #tpu.memory_space<hbm>> -> memref<640x16xf32, #tpu.memory_space<hbm>>
      %dma_wait3A_62 = arith.constant 0 : i32
      %dma_wait3A_63 = tpu.memref_slice %arg5[%run_scoped3A_8, %mul3A_2, %dma_wait3A_62] : memref<2x10240x16xf32, #tpu.memory_space<hbm>> -> memref<1x640x16xf32, #tpu.memory_space<hbm>>
      %dma_wait3A_64 = tpu.memref_squeeze %dma_wait3A_63 : memref<1x640x16xf32, #tpu.memory_space<hbm>> -> memref<640x16xf32, #tpu.memory_space<hbm>>
      tpu.wait_dma2 semaphore(%run_scoped3A_52 : memref<!tpu.dma_semaphore, #tpu.memory_space<semaphore_mem>>) src(%dma_wait3A_64 : memref<640x16xf32, #tpu.memory_space<hbm>>) dst(%arg16 : memref<640x16xf32, #tpu.memory_space<vmem>>)
      tpu.yield
    }) : () -> ()
    %scan3A_9 = arith.constant 0 : i32
    %scan3A_10 = arith.constant 0 : i32
    %scan3A_11 = arith.constant 640 : i32
    %scan3A_12 = arith.addi %scan3A_10, %scan3A_11 : i32
    %scan3A_13 = arith.constant 1 : i32
    scf.for %scan3A_52 = %scan3A_10 to %scan3A_12 step %scan3A_13  : i32 {
      %get3A = arith.index_cast %scan3A_52 : i32 to index
      %get3A_53 = arith.constant 0 : index
      %get3A_54 = tpu.vector_load %arg15[%get3A, %get3A_53] {strides = array<i32>} : memref<640x16xf32, #tpu.memory_space<vmem>>, vector<16xf32>,
      %get3A_55 = arith.index_cast %scan3A_52 : i32 to index
      %get3A_56 = arith.constant 0 : index
      %get3A_57 = tpu.vector_load %arg16[%get3A_55, %get3A_56] {strides = array<i32>} : memref<640x16xf32, #tpu.memory_space<vmem>>, vector<16xf32>,
      %add3A_58 = arith.addf %get3A_54, %get3A_57 : vector<16xf32>
      %add3A_59 = arith.constant 1.000000e+00 : f32
      %add3A_60 = vector.broadcast %add3A_59 : f32 to vector<16xf32>
      %add3A_61 = arith.addf %add3A_58, %add3A_60 : vector<16xf32>
      %bitcast_convert_type3A = tpu.bitcast %add3A_61 : vector<16xf32> -> vector<16xi32>
      %shift_right_arithmetic3A = arith.constant 1 : i32
      %shift_right_arithmetic3A_62 = vector.broadcast %shift_right_arithmetic3A : i32 to vector<16xi32>
      %shift_right_arithmetic3A_63 = arith.shrsi %bitcast_convert_type3A, %shift_right_arithmetic3A_62 : vector<16xi32>
      %sub3A = arith.constant 1597463007 : i32
      %sub3A_64 = vector.broadcast %sub3A : i32 to vector<16xi32>
      %sub3A_65 = arith.subi %sub3A_64, %shift_right_arithmetic3A_63 : vector<16xi32>
      %bitcast_convert_type3A_66 = tpu.bitcast %sub3A_65 : vector<16xi32> -> vector<16xf32>
      %mul3A_67 = arith.constant 5.000000e-01 : f32
      %mul3A_68 = vector.broadcast %mul3A_67 : f32 to vector<16xf32>
      %mul3A_69 = arith.mulf %mul3A_68, %add3A_61 : vector<16xf32>
      %mul3A_70 = arith.mulf %mul3A_69, %bitcast_convert_type3A_66 : vector<16xf32>
      %mul3A_71 = arith.mulf %mul3A_70, %bitcast_convert_type3A_66 : vector<16xf32>
      %sub3A_72 = arith.constant 1.500000e+00 : f32
      %sub3A_73 = vector.broadcast %sub3A_72 : f32 to vector<16xf32>
      %sub3A_74 = arith.subf %sub3A_73, %mul3A_71 : vector<16xf32>
      %mul3A_75 = arith.mulf %bitcast_convert_type3A_66, %sub3A_74 : vector<16xf32>
      %mul3A_76 = arith.constant 5.000000e-01 : f32
      %mul3A_77 = vector.broadcast %mul3A_76 : f32 to vector<16xf32>
      %mul3A_78 = arith.mulf %mul3A_77, %add3A_61 : vector<16xf32>
      %mul3A_79 = arith.mulf %mul3A_78, %mul3A_75 : vector<16xf32>
      %mul3A_80 = arith.mulf %mul3A_79, %mul3A_75 : vector<16xf32>
      %sub3A_81 = arith.constant 1.500000e+00 : f32
      %sub3A_82 = vector.broadcast %sub3A_81 : f32 to vector<16xf32>
      %sub3A_83 = arith.subf %sub3A_82, %mul3A_80 : vector<16xf32>
      %mul3A_84 = arith.mulf %mul3A_75, %sub3A_83 : vector<16xf32>
      %mul3A_85 = arith.constant 5.000000e-01 : f32
      %mul3A_86 = vector.broadcast %mul3A_85 : f32 to vector<16xf32>
      %mul3A_87 = arith.mulf %mul3A_86, %add3A_61 : vector<16xf32>
      %mul3A_88 = arith.mulf %mul3A_87, %mul3A_84 : vector<16xf32>
      %mul3A_89 = arith.mulf %mul3A_88, %mul3A_84 : vector<16xf32>
      %sub3A_90 = arith.constant 1.500000e+00 : f32
      %sub3A_91 = vector.broadcast %sub3A_90 : f32 to vector<16xf32>
      %sub3A_92 = arith.subf %sub3A_91, %mul3A_89 : vector<16xf32>
      %mul3A_93 = arith.mulf %mul3A_84, %sub3A_92 : vector<16xf32>
      %mul3A_94 = arith.constant 5.000000e-01 : f32
      %mul3A_95 = vector.broadcast %mul3A_94 : f32 to vector<16xf32>
      %mul3A_96 = arith.mulf %mul3A_95, %add3A_61 : vector<16xf32>
      %mul3A_97 = arith.mulf %mul3A_96, %mul3A_93 : vector<16xf32>
      %mul3A_98 = arith.mulf %mul3A_97, %mul3A_93 : vector<16xf32>
      %sub3A_99 = arith.constant 1.500000e+00 : f32
      %sub3A_100 = vector.broadcast %sub3A_99 : f32 to vector<16xf32>
      %sub3A_101 = arith.subf %sub3A_100, %mul3A_98 : vector<16xf32>
      %mul3A_102 = arith.mulf %mul3A_93, %sub3A_101 : vector<16xf32>
      %swap3A = arith.index_cast %scan3A_52 : i32 to index
      %swap3A_103 = arith.constant 0 : index
      %swap3A_104 = tpu.vector_load %arg15[%swap3A, %swap3A_103] {strides = array<i32>} : memref<640x16xf32, #tpu.memory_space<vmem>>, vector<16xf32>,
      tpu.vector_store %arg15[%swap3A, %swap3A_103], %mul3A_102 {strides = array<i32>} : memref<640x16xf32, #tpu.memory_space<vmem>>, vector<16xf32>,
      %get3A_105 = arith.index_cast %scan3A_52 : i32 to index
      %get3A_106 = arith.constant 0 : index
      %get3A_107 = tpu.vector_load %arg14[%get3A_105, %get3A_106] {strides = array<i32>} : memref<640x16xf32, #tpu.memory_space<vmem>>, vector<16xf32>,
      %mul3A_108 = arith.mulf %mul3A_102, %get3A_107 : vector<16xf32>
      %swap3A_109 = arith.index_cast %scan3A_52 : i32 to index
      %swap3A_110 = arith.constant 0 : index
      %swap3A_111 = tpu.vector_load %arg17[%swap3A_109, %swap3A_110] {strides = array<i32>} : memref<640x16xf32, #tpu.memory_space<vmem>>, vector<16xf32>,
      tpu.vector_store %arg17[%swap3A_109, %swap3A_110], %mul3A_108 {strides = array<i32>} : memref<640x16xf32, #tpu.memory_space<vmem>>, vector<16xf32>,
    }
    %scan3A_14 = arith.constant 640 : i32
    "tpu.region"() ({
      %run_scoped3A_52 = tpu.sem_alloc : memref<!tpu.dma_semaphore, #tpu.memory_space<semaphore_mem>>
      %dma_start3A_53 = arith.constant 0 : i32
      %dma_start3A_54 = tpu.memref_slice %arg19[%mul3A_2, %dma_start3A_53] : memref<10240x16xf32, #tpu.memory_space<vmem_shared>> -> memref<640x16xf32, #tpu.memory_space<vmem_shared>>
      %dma_start3A_55 = arith.constant 0 : i32
      %dma_start3A_56 = tpu.memref_slice %arg19[%mul3A_2, %dma_start3A_55] : memref<10240x16xf32, #tpu.memory_space<vmem_shared>> -> memref<640x16xf32, #tpu.memory_space<vmem_shared>>
      tpu.enqueue_dma source(%arg17 : memref<640x16xf32, #tpu.memory_space<vmem>>) target(%dma_start3A_56 : memref<640x16xf32, #tpu.memory_space<vmem_shared>>) target_semaphore(%run_scoped3A_52 : memref<!tpu.dma_semaphore, #tpu.memory_space<semaphore_mem>>)
      %dma_wait3A_57 = arith.constant 0 : i32
      %dma_wait3A_58 = tpu.memref_slice %arg19[%mul3A_2, %dma_wait3A_57] : memref<10240x16xf32, #tpu.memory_space<vmem_shared>> -> memref<640x16xf32, #tpu.memory_space<vmem_shared>>
      %dma_wait3A_59 = arith.constant 0 : i32
      %dma_wait3A_60 = tpu.memref_slice %arg19[%mul3A_2, %dma_wait3A_59] : memref<10240x16xf32, #tpu.memory_space<vmem_shared>> -> memref<640x16xf32, #tpu.memory_space<vmem_shared>>
      tpu.wait_dma2 semaphore(%run_scoped3A_52 : memref<!tpu.dma_semaphore, #tpu.memory_space<semaphore_mem>>) src(%arg17 : memref<640x16xf32, #tpu.memory_space<vmem>>) dst(%dma_wait3A_60 : memref<640x16xf32, #tpu.memory_space<vmem_shared>>)
      tpu.yield
    }) : () -> ()
    %eq3A = arith.constant 0 : i32
    %eq3A_15 = arith.cmpi eq, %arg0, %eq3A : i32
    %convert_element_type3A = arith.extui %eq3A_15 : i1 to i32
    %cond3A = arith.constant 0 : i32
    %cond3A_16 = arith.cmpi ne, %convert_element_type3A, %cond3A : i32
    scf.if %cond3A_16 {
      "tpu.region"() ({
        %run_scoped3A_52 = tpu.sem_alloc : memref<!tpu.dma_semaphore, #tpu.memory_space<semaphore_mem>>
        %dma_start3A_53 = arith.constant 0 : i32
        %dma_start3A_54 = tpu.memref_slice %arg7[%mul3A_2, %dma_start3A_53] : memref<10240x16xf32, #tpu.memory_space<hbm>> -> memref<640x16xf32, #tpu.memory_space<hbm>>
        %dma_start3A_55 = arith.constant 0 : i32
        %dma_start3A_56 = tpu.memref_slice %arg7[%mul3A_2, %dma_start3A_55] : memref<10240x16xf32, #tpu.memory_space<hbm>> -> memref<640x16xf32, #tpu.memory_space<hbm>>
        tpu.enqueue_dma source(%arg17 : memref<640x16xf32, #tpu.memory_space<vmem>>) target(%dma_start3A_56 : memref<640x16xf32, #tpu.memory_space<hbm>>) target_semaphore(%run_scoped3A_52 : memref<!tpu.dma_semaphore, #tpu.memory_space<semaphore_mem>>)
        %dma_wait3A_57 = arith.constant 0 : i32
        %dma_wait3A_58 = tpu.memref_slice %arg7[%mul3A_2, %dma_wait3A_57] : memref<10240x16xf32, #tpu.memory_space<hbm>> -> memref<640x16xf32, #tpu.memory_space<hbm>>
        %dma_wait3A_59 = arith.constant 0 : i32
        %dma_wait3A_60 = tpu.memref_slice %arg7[%mul3A_2, %dma_wait3A_59] : memref<10240x16xf32, #tpu.memory_space<hbm>> -> memref<640x16xf32, #tpu.memory_space<hbm>>
        tpu.wait_dma2 semaphore(%run_scoped3A_52 : memref<!tpu.dma_semaphore, #tpu.memory_space<semaphore_mem>>) src(%arg17 : memref<640x16xf32, #tpu.memory_space<vmem>>) dst(%dma_wait3A_60 : memref<640x16xf32, #tpu.memory_space<hbm>>)
        tpu.yield
      }) : () -> ()
      "tpu.region"() ({
        %run_scoped3A_52 = tpu.sem_alloc : memref<!tpu.dma_semaphore, #tpu.memory_space<semaphore_mem>>
        %dma_start3A_53 = arith.constant 0 : i32
        %dma_start3A_54 = tpu.memref_slice %arg8[%mul3A_2, %dma_start3A_53] : memref<10240x16xf32, #tpu.memory_space<hbm>> -> memref<640x16xf32, #tpu.memory_space<hbm>>
        %dma_start3A_55 = arith.constant 0 : i32
        %dma_start3A_56 = tpu.memref_slice %arg8[%mul3A_2, %dma_start3A_55] : memref<10240x16xf32, #tpu.memory_space<hbm>> -> memref<640x16xf32, #tpu.memory_space<hbm>>
        tpu.enqueue_dma source(%arg15 : memref<640x16xf32, #tpu.memory_space<vmem>>) target(%dma_start3A_56 : memref<640x16xf32, #tpu.memory_space<hbm>>) target_semaphore(%run_scoped3A_52 : memref<!tpu.dma_semaphore, #tpu.memory_space<semaphore_mem>>)
        %dma_wait3A_57 = arith.constant 0 : i32
        %dma_wait3A_58 = tpu.memref_slice %arg8[%mul3A_2, %dma_wait3A_57] : memref<10240x16xf32, #tpu.memory_space<hbm>> -> memref<640x16xf32, #tpu.memory_space<hbm>>
        %dma_wait3A_59 = arith.constant 0 : i32
        %dma_wait3A_60 = tpu.memref_slice %arg8[%mul3A_2, %dma_wait3A_59] : memref<10240x16xf32, #tpu.memory_space<hbm>> -> memref<640x16xf32, #tpu.memory_space<hbm>>
        tpu.wait_dma2 semaphore(%run_scoped3A_52 : memref<!tpu.dma_semaphore, #tpu.memory_space<semaphore_mem>>) src(%arg15 : memref<640x16xf32, #tpu.memory_space<vmem>>) dst(%dma_wait3A_60 : memref<640x16xf32, #tpu.memory_space<hbm>>)
        tpu.yield
      }) : () -> ()
    } else {
    }
    %barrier3A = arith.constant 0 : index
    tpu.barrier barrier_id(%barrier3A)
    "tpu.region"() ({
      %run_scoped3A_52 = tpu.sem_alloc : memref<!tpu.dma_semaphore, #tpu.memory_space<semaphore_mem>>
      %dma_start3A_53 = arith.constant 0 : i32
      %dma_start3A_54 = arith.constant 0 : i32
      %dma_start3A_55 = tpu.memref_slice %arg2[%add3A, %dma_start3A_53, %dma_start3A_54] : memref<32x80x128xi32, #tpu.memory_space<hbm>> -> memref<1x80x128xi32, #tpu.memory_space<hbm>>
      %dma_start3A_56 = tpu.memref_squeeze %dma_start3A_55 : memref<1x80x128xi32, #tpu.memory_space<hbm>> -> memref<80x128xi32, #tpu.memory_space<hbm>>
      %dma_start3A_57 = arith.constant 0 : i32
      %dma_start3A_58 = arith.constant 0 : i32
      %dma_start3A_59 = tpu.memref_slice %arg2[%add3A, %dma_start3A_57, %dma_start3A_58] : memref<32x80x128xi32, #tpu.memory_space<hbm>> -> memref<1x80x128xi32, #tpu.memory_space<hbm>>
      %dma_start3A_60 = tpu.memref_squeeze %dma_start3A_59 : memref<1x80x128xi32, #tpu.memory_space<hbm>> -> memref<80x128xi32, #tpu.memory_space<hbm>>
      tpu.enqueue_dma source(%dma_start3A_60 : memref<80x128xi32, #tpu.memory_space<hbm>>) target(%arg9 : memref<80x128xi32, #tpu.memory_space<vmem>>) target_semaphore(%run_scoped3A_52 : memref<!tpu.dma_semaphore, #tpu.memory_space<semaphore_mem>>)
      %dma_wait3A_61 = arith.constant 0 : i32
      %dma_wait3A_62 = arith.constant 0 : i32
      %dma_wait3A_63 = tpu.memref_slice %arg2[%add3A, %dma_wait3A_61, %dma_wait3A_62] : memref<32x80x128xi32, #tpu.memory_space<hbm>> -> memref<1x80x128xi32, #tpu.memory_space<hbm>>
      %dma_wait3A_64 = tpu.memref_squeeze %dma_wait3A_63 : memref<1x80x128xi32, #tpu.memory_space<hbm>> -> memref<80x128xi32, #tpu.memory_space<hbm>>
      %dma_wait3A_65 = arith.constant 0 : i32
      %dma_wait3A_66 = arith.constant 0 : i32
      %dma_wait3A_67 = tpu.memref_slice %arg2[%add3A, %dma_wait3A_65, %dma_wait3A_66] : memref<32x80x128xi32, #tpu.memory_space<hbm>> -> memref<1x80x128xi32, #tpu.memory_space<hbm>>
      %dma_wait3A_68 = tpu.memref_squeeze %dma_wait3A_67 : memref<1x80x128xi32, #tpu.memory_space<hbm>> -> memref<80x128xi32, #tpu.memory_space<hbm>>
      tpu.wait_dma2 semaphore(%run_scoped3A_52 : memref<!tpu.dma_semaphore, #tpu.memory_space<semaphore_mem>>) src(%dma_wait3A_68 : memref<80x128xi32, #tpu.memory_space<hbm>>) dst(%arg9 : memref<80x128xi32, #tpu.memory_space<vmem>>)
      tpu.yield
    }) : () -> ()
    "tpu.region"() ({
      %run_scoped3A_52 = tpu.sem_alloc : memref<!tpu.dma_semaphore, #tpu.memory_space<semaphore_mem>>
      %dma_start3A_53 = arith.constant 0 : i32
      %dma_start3A_54 = arith.constant 0 : i32
      %dma_start3A_55 = tpu.memref_slice %arg3[%add3A, %dma_start3A_53, %dma_start3A_54] : memref<32x80x128xi32, #tpu.memory_space<hbm>> -> memref<1x80x128xi32, #tpu.memory_space<hbm>>
      %dma_start3A_56 = tpu.memref_squeeze %dma_start3A_55 : memref<1x80x128xi32, #tpu.memory_space<hbm>> -> memref<80x128xi32, #tpu.memory_space<hbm>>
      %dma_start3A_57 = arith.constant 0 : i32
      %dma_start3A_58 = arith.constant 0 : i32
      %dma_start3A_59 = tpu.memref_slice %arg3[%add3A, %dma_start3A_57, %dma_start3A_58] : memref<32x80x128xi32, #tpu.memory_space<hbm>> -> memref<1x80x128xi32, #tpu.memory_space<hbm>>
      %dma_start3A_60 = tpu.memref_squeeze %dma_start3A_59 : memref<1x80x128xi32, #tpu.memory_space<hbm>> -> memref<80x128xi32, #tpu.memory_space<hbm>>
      tpu.enqueue_dma source(%dma_start3A_60 : memref<80x128xi32, #tpu.memory_space<hbm>>) target(%arg10 : memref<80x128xi32, #tpu.memory_space<vmem>>) target_semaphore(%run_scoped3A_52 : memref<!tpu.dma_semaphore, #tpu.memory_space<semaphore_mem>>)
      %dma_wait3A_61 = arith.constant 0 : i32
      %dma_wait3A_62 = arith.constant 0 : i32
      %dma_wait3A_63 = tpu.memref_slice %arg3[%add3A, %dma_wait3A_61, %dma_wait3A_62] : memref<32x80x128xi32, #tpu.memory_space<hbm>> -> memref<1x80x128xi32, #tpu.memory_space<hbm>>
      %dma_wait3A_64 = tpu.memref_squeeze %dma_wait3A_63 : memref<1x80x128xi32, #tpu.memory_space<hbm>> -> memref<80x128xi32, #tpu.memory_space<hbm>>
      %dma_wait3A_65 = arith.constant 0 : i32
      %dma_wait3A_66 = arith.constant 0 : i32
      %dma_wait3A_67 = tpu.memref_slice %arg3[%add3A, %dma_wait3A_65, %dma_wait3A_66] : memref<32x80x128xi32, #tpu.memory_space<hbm>> -> memref<1x80x128xi32, #tpu.memory_space<hbm>>
      %dma_wait3A_68 = tpu.memref_squeeze %dma_wait3A_67 : memref<1x80x128xi32, #tpu.memory_space<hbm>> -> memref<80x128xi32, #tpu.memory_space<hbm>>
      tpu.wait_dma2 semaphore(%run_scoped3A_52 : memref<!tpu.dma_semaphore, #tpu.memory_space<semaphore_mem>>) src(%dma_wait3A_68 : memref<80x128xi32, #tpu.memory_space<hbm>>) dst(%arg10 : memref<80x128xi32, #tpu.memory_space<vmem>>)
      tpu.yield
    }) : () -> ()
    %dma_start3A = arith.constant 0 : i32
    %dma_start3A_17 = arith.constant 0 : i32
    %dma_start3A_18 = tpu.memref_slice %arg9[%dma_start3A, %dma_start3A_17] : memref<80x128xi32, #tpu.memory_space<vmem>> -> memref<1x128xi32, #tpu.memory_space<vmem>>
    %dma_start3A_19 = tpu.memref_squeeze %dma_start3A_18 : memref<1x128xi32, #tpu.memory_space<vmem>> -> memref<128xi32, #tpu.memory_space<vmem>>
    %dma_start3A_20 = arith.constant 0 : i32
    %dma_start3A_21 = arith.constant 0 : i32
    %dma_start3A_22 = tpu.memref_slice %arg19[%dma_start3A_20, %dma_start3A_21] : memref<10240x16xf32, #tpu.memory_space<vmem_shared>> -> memref<10240x16xf32, #tpu.memory_space<vmem_shared>>
    tpu.enqueue_indirect_dma source(%dma_start3A_22 : memref<10240x16xf32, #tpu.memory_space<vmem_shared>>) target(%arg11 : memref<128x16xf32, #tpu.memory_space<vmem>>) offsets(%dma_start3A_19 : memref<128xi32, #tpu.memory_space<vmem>>) semaphore(%arg20 : memref<!tpu.dma_semaphore, #tpu.memory_space<semaphore_mem>>)
    %dma_start3A_23 = arith.constant 1 : i32
    %dma_start3A_24 = arith.constant 0 : i32
    %dma_start3A_25 = tpu.memref_slice %arg9[%dma_start3A_23, %dma_start3A_24] : memref<80x128xi32, #tpu.memory_space<vmem>> -> memref<1x128xi32, #tpu.memory_space<vmem>>
    %dma_start3A_26 = tpu.memref_squeeze %dma_start3A_25 : memref<1x128xi32, #tpu.memory_space<vmem>> -> memref<128xi32, #tpu.memory_space<vmem>>
    %dma_start3A_27 = arith.constant 0 : i32
    %dma_start3A_28 = arith.constant 0 : i32
    %dma_start3A_29 = tpu.memref_slice %arg19[%dma_start3A_27, %dma_start3A_28] : memref<10240x16xf32, #tpu.memory_space<vmem_shared>> -> memref<10240x16xf32, #tpu.memory_space<vmem_shared>>
    tpu.enqueue_indirect_dma source(%dma_start3A_29 : memref<10240x16xf32, #tpu.memory_space<vmem_shared>>) target(%arg12 : memref<128x16xf32, #tpu.memory_space<vmem>>) offsets(%dma_start3A_26 : memref<128xi32, #tpu.memory_space<vmem>>) semaphore(%arg21 : memref<!tpu.dma_semaphore, #tpu.memory_space<semaphore_mem>>)
    %scan3A_30 = arith.constant 0 : i32
    %scan3A_31 = arith.constant 0 : i32
    %scan3A_32 = arith.constant 39 : i32
    %scan3A_33 = arith.addi %scan3A_31, %scan3A_32 : i32
    %scan3A_34 = arith.constant 1 : i32
    scf.for %scan3A_52 = %scan3A_31 to %scan3A_33 step %scan3A_34  : i32 {
      %mul3A_53 = arith.constant 2 : i32
      %mul3A_54 = arith.muli %mul3A_53, %scan3A_52 : i32
      %dma_wait3A_55 = arith.constant 0 : i32
      %dma_wait3A_56 = arith.constant 0 : i32
      %dma_wait3A_57 = tpu.memref_slice %arg9[%dma_wait3A_55, %dma_wait3A_56] : memref<80x128xi32, #tpu.memory_space<vmem>> -> memref<1x128xi32, #tpu.memory_space<vmem>>
      %dma_wait3A_58 = tpu.memref_squeeze %dma_wait3A_57 : memref<1x128xi32, #tpu.memory_space<vmem>> -> memref<128xi32, #tpu.memory_space<vmem>>
      %dma_wait3A_59 = arith.constant 0 : i32
      %dma_wait3A_60 = arith.constant 0 : i32
      %dma_wait3A_61 = tpu.memref_slice %arg19[%dma_wait3A_59, %dma_wait3A_60] : memref<10240x16xf32, #tpu.memory_space<vmem_shared>> -> memref<10240x16xf32, #tpu.memory_space<vmem_shared>>
      tpu.wait_indirect_dma semaphore(%arg20 : memref<!tpu.dma_semaphore, #tpu.memory_space<semaphore_mem>>) src(%dma_wait3A_61 : memref<10240x16xf32, #tpu.memory_space<vmem_shared>>) dst(%arg11 : memref<128x16xf32, #tpu.memory_space<vmem>>)
      "tpu.region"() ({
        %run_scoped3A_87 = tpu.sem_alloc : memref<!tpu.dma_semaphore, #tpu.memory_space<semaphore_mem>>
        %dma_start3A_88 = arith.constant 0 : i32
        %dma_start3A_89 = tpu.memref_slice %arg10[%mul3A_54, %dma_start3A_88] : memref<80x128xi32, #tpu.memory_space<vmem>> -> memref<1x128xi32, #tpu.memory_space<vmem>>
        %dma_start3A_90 = tpu.memref_squeeze %dma_start3A_89 : memref<1x128xi32, #tpu.memory_space<vmem>> -> memref<128xi32, #tpu.memory_space<vmem>>
        %dma_start3A_91 = arith.constant 0 : i32
        %dma_start3A_92 = arith.constant 0 : i32
        %dma_start3A_93 = tpu.memref_slice %arg18[%dma_start3A_91, %dma_start3A_92] : memref<10240x16xf32, #tpu.memory_space<vmem_shared>> -> memref<10240x16xf32, #tpu.memory_space<vmem_shared>>
        tpu.enqueue_indirect_dma source(%arg11 : memref<128x16xf32, #tpu.memory_space<vmem>>) target(%dma_start3A_93 : memref<10240x16xf32, #tpu.memory_space<vmem_shared>>) offsets(%dma_start3A_90 : memref<128xi32, #tpu.memory_space<vmem>>) semaphore(%run_scoped3A_87 : memref<!tpu.dma_semaphore, #tpu.memory_space<semaphore_mem>>) {add = true}
        %dma_wait3A_94 = arith.constant 0 : i32
        %dma_wait3A_95 = tpu.memref_slice %arg10[%mul3A_54, %dma_wait3A_94] : memref<80x128xi32, #tpu.memory_space<vmem>> -> memref<1x128xi32, #tpu.memory_space<vmem>>
        %dma_wait3A_96 = tpu.memref_squeeze %dma_wait3A_95 : memref<1x128xi32, #tpu.memory_space<vmem>> -> memref<128xi32, #tpu.memory_space<vmem>>
        %dma_wait3A_97 = arith.constant 0 : i32
        %dma_wait3A_98 = arith.constant 0 : i32
        %dma_wait3A_99 = tpu.memref_slice %arg18[%dma_wait3A_97, %dma_wait3A_98] : memref<10240x16xf32, #tpu.memory_space<vmem_shared>> -> memref<10240x16xf32, #tpu.memory_space<vmem_shared>>
        tpu.wait_indirect_dma semaphore(%run_scoped3A_87 : memref<!tpu.dma_semaphore, #tpu.memory_space<semaphore_mem>>) src(%arg11 : memref<128x16xf32, #tpu.memory_space<vmem>>) dst(%dma_wait3A_99 : memref<10240x16xf32, #tpu.memory_space<vmem_shared>>)
        tpu.yield
      }) : () -> ()
      %add3A_62 = arith.constant 2 : i32
      %add3A_63 = arith.addi %mul3A_54, %add3A_62 : i32
      %dma_start3A_64 = arith.constant 0 : i32
      %dma_start3A_65 = tpu.memref_slice %arg9[%add3A_63, %dma_start3A_64] : memref<80x128xi32, #tpu.memory_space<vmem>> -> memref<1x128xi32, #tpu.memory_space<vmem>>
      %dma_start3A_66 = tpu.memref_squeeze %dma_start3A_65 : memref<1x128xi32, #tpu.memory_space<vmem>> -> memref<128xi32, #tpu.memory_space<vmem>>
      %dma_start3A_67 = arith.constant 0 : i32
      %dma_start3A_68 = arith.constant 0 : i32
      %dma_start3A_69 = tpu.memref_slice %arg19[%dma_start3A_67, %dma_start3A_68] : memref<10240x16xf32, #tpu.memory_space<vmem_shared>> -> memref<10240x16xf32, #tpu.memory_space<vmem_shared>>
      tpu.enqueue_indirect_dma source(%dma_start3A_69 : memref<10240x16xf32, #tpu.memory_space<vmem_shared>>) target(%arg11 : memref<128x16xf32, #tpu.memory_space<vmem>>) offsets(%dma_start3A_66 : memref<128xi32, #tpu.memory_space<vmem>>) semaphore(%arg20 : memref<!tpu.dma_semaphore, #tpu.memory_space<semaphore_mem>>)
      %dma_wait3A_70 = arith.constant 0 : i32
      %dma_wait3A_71 = arith.constant 0 : i32
      %dma_wait3A_72 = tpu.memref_slice %arg9[%dma_wait3A_70, %dma_wait3A_71] : memref<80x128xi32, #tpu.memory_space<vmem>> -> memref<1x128xi32, #tpu.memory_space<vmem>>
      %dma_wait3A_73 = tpu.memref_squeeze %dma_wait3A_72 : memref<1x128xi32, #tpu.memory_space<vmem>> -> memref<128xi32, #tpu.memory_space<vmem>>
      %dma_wait3A_74 = arith.constant 0 : i32
      %dma_wait3A_75 = arith.constant 0 : i32
      %dma_wait3A_76 = tpu.memref_slice %arg19[%dma_wait3A_74, %dma_wait3A_75] : memref<10240x16xf32, #tpu.memory_space<vmem_shared>> -> memref<10240x16xf32, #tpu.memory_space<vmem_shared>>
      tpu.wait_indirect_dma semaphore(%arg21 : memref<!tpu.dma_semaphore, #tpu.memory_space<semaphore_mem>>) src(%dma_wait3A_76 : memref<10240x16xf32, #tpu.memory_space<vmem_shared>>) dst(%arg12 : memref<128x16xf32, #tpu.memory_space<vmem>>)
      %add3A_77 = arith.constant 1 : i32
      %add3A_78 = arith.addi %mul3A_54, %add3A_77 : i32
      "tpu.region"() ({
        %run_scoped3A_87 = tpu.sem_alloc : memref<!tpu.dma_semaphore, #tpu.memory_space<semaphore_mem>>
        %dma_start3A_88 = arith.constant 0 : i32
        %dma_start3A_89 = tpu.memref_slice %arg10[%add3A_78, %dma_start3A_88] : memref<80x128xi32, #tpu.memory_space<vmem>> -> memref<1x128xi32, #tpu.memory_space<vmem>>
        %dma_start3A_90 = tpu.memref_squeeze %dma_start3A_89 : memref<1x128xi32, #tpu.memory_space<vmem>> -> memref<128xi32, #tpu.memory_space<vmem>>
        %dma_start3A_91 = arith.constant 0 : i32
        %dma_start3A_92 = arith.constant 0 : i32
        %dma_start3A_93 = tpu.memref_slice %arg18[%dma_start3A_91, %dma_start3A_92] : memref<10240x16xf32, #tpu.memory_space<vmem_shared>> -> memref<10240x16xf32, #tpu.memory_space<vmem_shared>>
        tpu.enqueue_indirect_dma source(%arg12 : memref<128x16xf32, #tpu.memory_space<vmem>>) target(%dma_start3A_93 : memref<10240x16xf32, #tpu.memory_space<vmem_shared>>) offsets(%dma_start3A_90 : memref<128xi32, #tpu.memory_space<vmem>>) semaphore(%run_scoped3A_87 : memref<!tpu.dma_semaphore, #tpu.memory_space<semaphore_mem>>) {add = true}
        %dma_wait3A_94 = arith.constant 0 : i32
        %dma_wait3A_95 = tpu.memref_slice %arg10[%add3A_78, %dma_wait3A_94] : memref<80x128xi32, #tpu.memory_space<vmem>> -> memref<1x128xi32, #tpu.memory_space<vmem>>
        %dma_wait3A_96 = tpu.memref_squeeze %dma_wait3A_95 : memref<1x128xi32, #tpu.memory_space<vmem>> -> memref<128xi32, #tpu.memory_space<vmem>>
        %dma_wait3A_97 = arith.constant 0 : i32
        %dma_wait3A_98 = arith.constant 0 : i32
        %dma_wait3A_99 = tpu.memref_slice %arg18[%dma_wait3A_97, %dma_wait3A_98] : memref<10240x16xf32, #tpu.memory_space<vmem_shared>> -> memref<10240x16xf32, #tpu.memory_space<vmem_shared>>
        tpu.wait_indirect_dma semaphore(%run_scoped3A_87 : memref<!tpu.dma_semaphore, #tpu.memory_space<semaphore_mem>>) src(%arg12 : memref<128x16xf32, #tpu.memory_space<vmem>>) dst(%dma_wait3A_99 : memref<10240x16xf32, #tpu.memory_space<vmem_shared>>)
        tpu.yield
      }) : () -> ()
      %add3A_79 = arith.constant 3 : i32
      %add3A_80 = arith.addi %mul3A_54, %add3A_79 : i32
      %dma_start3A_81 = arith.constant 0 : i32
      %dma_start3A_82 = tpu.memref_slice %arg9[%add3A_80, %dma_start3A_81] : memref<80x128xi32, #tpu.memory_space<vmem>> -> memref<1x128xi32, #tpu.memory_space<vmem>>
      %dma_start3A_83 = tpu.memref_squeeze %dma_start3A_82 : memref<1x128xi32, #tpu.memory_space<vmem>> -> memref<128xi32, #tpu.memory_space<vmem>>
      %dma_start3A_84 = arith.constant 0 : i32
      %dma_start3A_85 = arith.constant 0 : i32
      %dma_start3A_86 = tpu.memref_slice %arg19[%dma_start3A_84, %dma_start3A_85] : memref<10240x16xf32, #tpu.memory_space<vmem_shared>> -> memref<10240x16xf32, #tpu.memory_space<vmem_shared>>
      tpu.enqueue_indirect_dma source(%dma_start3A_86 : memref<10240x16xf32, #tpu.memory_space<vmem_shared>>) target(%arg12 : memref<128x16xf32, #tpu.memory_space<vmem>>) offsets(%dma_start3A_83 : memref<128xi32, #tpu.memory_space<vmem>>) semaphore(%arg21 : memref<!tpu.dma_semaphore, #tpu.memory_space<semaphore_mem>>)
    }
    %scan3A_35 = arith.constant 39 : i32
    %dma_wait3A = arith.constant 0 : i32
    %dma_wait3A_36 = arith.constant 0 : i32
    %dma_wait3A_37 = tpu.memref_slice %arg9[%dma_wait3A, %dma_wait3A_36] : memref<80x128xi32, #tpu.memory_space<vmem>> -> memref<1x128xi32, #tpu.memory_space<vmem>>
    %dma_wait3A_38 = tpu.memref_squeeze %dma_wait3A_37 : memref<1x128xi32, #tpu.memory_space<vmem>> -> memref<128xi32, #tpu.memory_space<vmem>>
    %dma_wait3A_39 = arith.constant 0 : i32
    %dma_wait3A_40 = arith.constant 0 : i32
    %dma_wait3A_41 = tpu.memref_slice %arg19[%dma_wait3A_39, %dma_wait3A_40] : memref<10240x16xf32, #tpu.memory_space<vmem_shared>> -> memref<10240x16xf32, #tpu.memory_space<vmem_shared>>
    tpu.wait_indirect_dma semaphore(%arg20 : memref<!tpu.dma_semaphore, #tpu.memory_space<semaphore_mem>>) src(%dma_wait3A_41 : memref<10240x16xf32, #tpu.memory_space<vmem_shared>>) dst(%arg11 : memref<128x16xf32, #tpu.memory_space<vmem>>)
    %run_scoped3A_42 = arith.constant 78 : i32
    "tpu.region"() ({
      %run_scoped3A_52 = tpu.sem_alloc : memref<!tpu.dma_semaphore, #tpu.memory_space<semaphore_mem>>
      %dma_start3A_53 = arith.constant 0 : i32
      %dma_start3A_54 = tpu.memref_slice %arg10[%run_scoped3A_42, %dma_start3A_53] : memref<80x128xi32, #tpu.memory_space<vmem>> -> memref<1x128xi32, #tpu.memory_space<vmem>>
      %dma_start3A_55 = tpu.memref_squeeze %dma_start3A_54 : memref<1x128xi32, #tpu.memory_space<vmem>> -> memref<128xi32, #tpu.memory_space<vmem>>
      %dma_start3A_56 = arith.constant 0 : i32
      %dma_start3A_57 = arith.constant 0 : i32
      %dma_start3A_58 = tpu.memref_slice %arg18[%dma_start3A_56, %dma_start3A_57] : memref<10240x16xf32, #tpu.memory_space<vmem_shared>> -> memref<10240x16xf32, #tpu.memory_space<vmem_shared>>
      tpu.enqueue_indirect_dma source(%arg11 : memref<128x16xf32, #tpu.memory_space<vmem>>) target(%dma_start3A_58 : memref<10240x16xf32, #tpu.memory_space<vmem_shared>>) offsets(%dma_start3A_55 : memref<128xi32, #tpu.memory_space<vmem>>) semaphore(%run_scoped3A_52 : memref<!tpu.dma_semaphore, #tpu.memory_space<semaphore_mem>>) {add = true}
      %dma_wait3A_59 = arith.constant 0 : i32
      %dma_wait3A_60 = tpu.memref_slice %arg10[%run_scoped3A_42, %dma_wait3A_59] : memref<80x128xi32, #tpu.memory_space<vmem>> -> memref<1x128xi32, #tpu.memory_space<vmem>>
      %dma_wait3A_61 = tpu.memref_squeeze %dma_wait3A_60 : memref<1x128xi32, #tpu.memory_space<vmem>> -> memref<128xi32, #tpu.memory_space<vmem>>
      %dma_wait3A_62 = arith.constant 0 : i32
      %dma_wait3A_63 = arith.constant 0 : i32
      %dma_wait3A_64 = tpu.memref_slice %arg18[%dma_wait3A_62, %dma_wait3A_63] : memref<10240x16xf32, #tpu.memory_space<vmem_shared>> -> memref<10240x16xf32, #tpu.memory_space<vmem_shared>>
      tpu.wait_indirect_dma semaphore(%run_scoped3A_52 : memref<!tpu.dma_semaphore, #tpu.memory_space<semaphore_mem>>) src(%arg11 : memref<128x16xf32, #tpu.memory_space<vmem>>) dst(%dma_wait3A_64 : memref<10240x16xf32, #tpu.memory_space<vmem_shared>>)
      tpu.yield
    }) : () -> ()
    %dma_wait3A_43 = arith.constant 0 : i32
    %dma_wait3A_44 = arith.constant 0 : i32
    %dma_wait3A_45 = tpu.memref_slice %arg9[%dma_wait3A_43, %dma_wait3A_44] : memref<80x128xi32, #tpu.memory_space<vmem>> -> memref<1x128xi32, #tpu.memory_space<vmem>>
    %dma_wait3A_46 = tpu.memref_squeeze %dma_wait3A_45 : memref<1x128xi32, #tpu.memory_space<vmem>> -> memref<128xi32, #tpu.memory_space<vmem>>
    %dma_wait3A_47 = arith.constant 0 : i32
    %dma_wait3A_48 = arith.constant 0 : i32
    %dma_wait3A_49 = tpu.memref_slice %arg19[%dma_wait3A_47, %dma_wait3A_48] : memref<10240x16xf32, #tpu.memory_space<vmem_shared>> -> memref<10240x16xf32, #tpu.memory_space<vmem_shared>>
    tpu.wait_indirect_dma semaphore(%arg21 : memref<!tpu.dma_semaphore, #tpu.memory_space<semaphore_mem>>) src(%dma_wait3A_49 : memref<10240x16xf32, #tpu.memory_space<vmem_shared>>) dst(%arg12 : memref<128x16xf32, #tpu.memory_space<vmem>>)
    %run_scoped3A_50 = arith.constant 79 : i32
    "tpu.region"() ({
      %run_scoped3A_52 = tpu.sem_alloc : memref<!tpu.dma_semaphore, #tpu.memory_space<semaphore_mem>>
      %dma_start3A_53 = arith.constant 0 : i32
      %dma_start3A_54 = tpu.memref_slice %arg10[%run_scoped3A_50, %dma_start3A_53] : memref<80x128xi32, #tpu.memory_space<vmem>> -> memref<1x128xi32, #tpu.memory_space<vmem>>
      %dma_start3A_55 = tpu.memref_squeeze %dma_start3A_54 : memref<1x128xi32, #tpu.memory_space<vmem>> -> memref<128xi32, #tpu.memory_space<vmem>>
      %dma_start3A_56 = arith.constant 0 : i32
      %dma_start3A_57 = arith.constant 0 : i32
      %dma_start3A_58 = tpu.memref_slice %arg18[%dma_start3A_56, %dma_start3A_57] : memref<10240x16xf32, #tpu.memory_space<vmem_shared>> -> memref<10240x16xf32, #tpu.memory_space<vmem_shared>>
      tpu.enqueue_indirect_dma source(%arg12 : memref<128x16xf32, #tpu.memory_space<vmem>>) target(%dma_start3A_58 : memref<10240x16xf32, #tpu.memory_space<vmem_shared>>) offsets(%dma_start3A_55 : memref<128xi32, #tpu.memory_space<vmem>>) semaphore(%run_scoped3A_52 : memref<!tpu.dma_semaphore, #tpu.memory_space<semaphore_mem>>) {add = true}
      %dma_wait3A_59 = arith.constant 0 : i32
      %dma_wait3A_60 = tpu.memref_slice %arg10[%run_scoped3A_50, %dma_wait3A_59] : memref<80x128xi32, #tpu.memory_space<vmem>> -> memref<1x128xi32, #tpu.memory_space<vmem>>
      %dma_wait3A_61 = tpu.memref_squeeze %dma_wait3A_60 : memref<1x128xi32, #tpu.memory_space<vmem>> -> memref<128xi32, #tpu.memory_space<vmem>>
      %dma_wait3A_62 = arith.constant 0 : i32
      %dma_wait3A_63 = arith.constant 0 : i32
      %dma_wait3A_64 = tpu.memref_slice %arg18[%dma_wait3A_62, %dma_wait3A_63] : memref<10240x16xf32, #tpu.memory_space<vmem_shared>> -> memref<10240x16xf32, #tpu.memory_space<vmem_shared>>
      tpu.wait_indirect_dma semaphore(%run_scoped3A_52 : memref<!tpu.dma_semaphore, #tpu.memory_space<semaphore_mem>>) src(%arg12 : memref<128x16xf32, #tpu.memory_space<vmem>>) dst(%dma_wait3A_64 : memref<10240x16xf32, #tpu.memory_space<vmem_shared>>)
      tpu.yield
    }) : () -> ()
    %barrier3A_51 = arith.constant 0 : index
    tpu.barrier barrier_id(%barrier3A_51)
    "tpu.region"() ({
      %run_scoped3A_52 = tpu.sem_alloc : memref<!tpu.dma_semaphore, #tpu.memory_space<semaphore_mem>>
      %dma_start3A_53 = arith.constant 0 : i32
      %dma_start3A_54 = tpu.memref_slice %arg18[%mul3A_2, %dma_start3A_53] : memref<10240x16xf32, #tpu.memory_space<vmem_shared>> -> memref<640x16xf32, #tpu.memory_space<vmem_shared>>
      %dma_start3A_55 = arith.constant 0 : i32
      %dma_start3A_56 = tpu.memref_slice %arg18[%mul3A_2, %dma_start3A_55] : memref<10240x16xf32, #tpu.memory_space<vmem_shared>> -> memref<640x16xf32, #tpu.memory_space<vmem_shared>>
      tpu.enqueue_dma source(%dma_start3A_56 : memref<640x16xf32, #tpu.memory_space<vmem_shared>>) target(%arg13 : memref<640x16xf32, #tpu.memory_space<vmem>>) target_semaphore(%run_scoped3A_52 : memref<!tpu.dma_semaphore, #tpu.memory_space<semaphore_mem>>)
      %dma_wait3A_57 = arith.constant 0 : i32
      %dma_wait3A_58 = tpu.memref_slice %arg18[%mul3A_2, %dma_wait3A_57] : memref<10240x16xf32, #tpu.memory_space<vmem_shared>> -> memref<640x16xf32, #tpu.memory_space<vmem_shared>>
      %dma_wait3A_59 = arith.constant 0 : i32
      %dma_wait3A_60 = tpu.memref_slice %arg18[%mul3A_2, %dma_wait3A_59] : memref<10240x16xf32, #tpu.memory_space<vmem_shared>> -> memref<640x16xf32, #tpu.memory_space<vmem_shared>>
      tpu.wait_dma2 semaphore(%run_scoped3A_52 : memref<!tpu.dma_semaphore, #tpu.memory_space<semaphore_mem>>) src(%dma_wait3A_60 : memref<640x16xf32, #tpu.memory_space<vmem_shared>>) dst(%arg13 : memref<640x16xf32, #tpu.memory_space<vmem>>)
      tpu.yield
    }) : () -> ()
    "tpu.region"() ({
      %run_scoped3A_52 = tpu.sem_alloc : memref<!tpu.dma_semaphore, #tpu.memory_space<semaphore_mem>>
      %dma_start3A_53 = arith.constant 0 : i32
      %dma_start3A_54 = tpu.memref_slice %arg6[%arg0, %mul3A_2, %dma_start3A_53] : memref<2x10240x16xf32, #tpu.memory_space<hbm>> -> memref<1x640x16xf32, #tpu.memory_space<hbm>>
      %dma_start3A_55 = tpu.memref_squeeze %dma_start3A_54 : memref<1x640x16xf32, #tpu.memory_space<hbm>> -> memref<640x16xf32, #tpu.memory_space<hbm>>
      %dma_start3A_56 = arith.constant 0 : i32
      %dma_start3A_57 = tpu.memref_slice %arg6[%arg0, %mul3A_2, %dma_start3A_56] : memref<2x10240x16xf32, #tpu.memory_space<hbm>> -> memref<1x640x16xf32, #tpu.memory_space<hbm>>
      %dma_start3A_58 = tpu.memref_squeeze %dma_start3A_57 : memref<1x640x16xf32, #tpu.memory_space<hbm>> -> memref<640x16xf32, #tpu.memory_space<hbm>>
      tpu.enqueue_dma source(%arg13 : memref<640x16xf32, #tpu.memory_space<vmem>>) target(%dma_start3A_58 : memref<640x16xf32, #tpu.memory_space<hbm>>) target_semaphore(%run_scoped3A_52 : memref<!tpu.dma_semaphore, #tpu.memory_space<semaphore_mem>>)
      %dma_wait3A_59 = arith.constant 0 : i32
      %dma_wait3A_60 = tpu.memref_slice %arg6[%arg0, %mul3A_2, %dma_wait3A_59] : memref<2x10240x16xf32, #tpu.memory_space<hbm>> -> memref<1x640x16xf32, #tpu.memory_space<hbm>>
      %dma_wait3A_61 = tpu.memref_squeeze %dma_wait3A_60 : memref<1x640x16xf32, #tpu.memory_space<hbm>> -> memref<640x16xf32, #tpu.memory_space<hbm>>
      %dma_wait3A_62 = arith.constant 0 : i32
      %dma_wait3A_63 = tpu.memref_slice %arg6[%arg0, %mul3A_2, %dma_wait3A_62] : memref<2x10240x16xf32, #tpu.memory_space<hbm>> -> memref<1x640x16xf32, #tpu.memory_space<hbm>>
      %dma_wait3A_64 = tpu.memref_squeeze %dma_wait3A_63 : memref<1x640x16xf32, #tpu.memory_space<hbm>> -> memref<640x16xf32, #tpu.memory_space<hbm>>
      tpu.wait_dma2 semaphore(%run_scoped3A_52 : memref<!tpu.dma_semaphore, #tpu.memory_space<semaphore_mem>>) src(%arg13 : memref<640x16xf32, #tpu.memory_space<vmem>>) dst(%dma_wait3A_64 : memref<640x16xf32, #tpu.memory_space<hbm>>)
      tpu.yield
    }) : () -> ()
    return
  }
}

#map = affine_map<(d0, d1) -> (0, 0, 0)>
#map1 = affine_map<(d0, d1) -> (0, 0)>
#map2 = affine_map<(d0, d1) -> (0)>
module attributes {stable_mosaic.version = 14 : i64} {
  func.func @_sc_layer2(%arg0: i32, %arg1: i32, %arg2: memref<32x80x128xi32, #tpu.memory_space<hbm>>, %arg3: memref<32x80x128xi32, #tpu.memory_space<hbm>>, %arg4: memref<10240x16xf32, #tpu.memory_space<hbm>>, %arg5: memref<10240x16xf32, #tpu.memory_space<hbm>>, %arg6: memref<2x10240x16xf32, #tpu.memory_space<hbm>>, %arg7: memref<16x16xf32, #tpu.memory_space<hbm>>, %arg8: memref<16xf32, #tpu.memory_space<hbm>>, %arg9: memref<2x10240x16xf32, #tpu.memory_space<hbm>>, %arg10: memref<10240x16xf32, #tpu.memory_space<hbm>>, %arg11: memref<80x128xi32, #tpu.memory_space<vmem>>, %arg12: memref<80x128xi32, #tpu.memory_space<vmem>>, %arg13: memref<128x16xf32, #tpu.memory_space<vmem>>, %arg14: memref<128x16xf32, #tpu.memory_space<vmem>>, %arg15: memref<640x16xf32, #tpu.memory_space<vmem>>, %arg16: memref<640x16xf32, #tpu.memory_space<vmem>>, %arg17: memref<640x16xf32, #tpu.memory_space<vmem>>, %arg18: memref<640x16xf32, #tpu.memory_space<vmem>>, %arg19: memref<640x16xf32, #tpu.memory_space<vmem>>, %arg20: memref<16x16xf32, #tpu.memory_space<vmem>>, %arg21: memref<16xf32, #tpu.memory_space<vmem>>, %arg22: memref<32xf32, #tpu.memory_space<vmem>>, %arg23: memref<10240x16xf32, #tpu.memory_space<vmem_shared>>, %arg24: memref<10240x16xf32, #tpu.memory_space<vmem_shared>>, %arg25: memref<!tpu.dma_semaphore, #tpu.memory_space<semaphore_mem>>, %arg26: memref<!tpu.dma_semaphore, #tpu.memory_space<semaphore_mem>>) attributes {dimension_semantics = [#tpu.dimension_semantics<core_parallel>, #tpu.dimension_semantics<subcore_parallel>], iteration_bounds = array<i64: 2, 16>, scalar_prefetch = 0 : i64, scratch_operands = 16 : i64, tpu.core_type = #tpu.core_type<sc_vector_subcore>, window_params = [{transform_indices = #map}, {transform_indices = #map}, {transform_indices = #map1}, {transform_indices = #map1}, {transform_indices = #map}, {transform_indices = #map1}, {transform_indices = #map2}, {transform_indices = #map}, {transform_indices = #map1}]} {
    %mul3A = arith.constant 2 : i32
    %mul3A_0 = arith.muli %arg1, %mul3A : i32
    %add3A = arith.addi %mul3A_0, %arg0 : i32
    %mul3A_1 = arith.constant 640 : i32
    %mul3A_2 = arith.muli %arg1, %mul3A_1 : i32
    %scan3A = arith.constant 0 : i32
    %scan3A_3 = arith.constant 0 : i32
    %scan3A_4 = arith.constant 640 : i32
    %scan3A_5 = arith.addi %scan3A_3, %scan3A_4 : i32
    %scan3A_6 = arith.constant 1 : i32
    scf.for %scan3A_52 = %scan3A_3 to %scan3A_5 step %scan3A_6  : i32 {
      %broadcast_in_dim3A = arith.constant 0.000000e+00 : f32
      %broadcast_in_dim3A_53 = vector.broadcast %broadcast_in_dim3A : f32 to vector<16xf32>
      %swap3A = arith.index_cast %scan3A_52 : i32 to index
      %swap3A_54 = arith.constant 0 : index
      %swap3A_55 = tpu.vector_load %arg15[%swap3A, %swap3A_54] {strides = array<i32>} : memref<640x16xf32, #tpu.memory_space<vmem>>, vector<16xf32>,
      tpu.vector_store %arg15[%swap3A, %swap3A_54], %broadcast_in_dim3A_53 {strides = array<i32>} : memref<640x16xf32, #tpu.memory_space<vmem>>, vector<16xf32>,
    }
    %scan3A_7 = arith.constant 640 : i32
    "tpu.region"() ({
      %run_scoped3A_52 = tpu.sem_alloc : memref<!tpu.dma_semaphore, #tpu.memory_space<semaphore_mem>>
      %dma_start3A_53 = arith.constant 0 : i32
      %dma_start3A_54 = tpu.memref_slice %arg23[%mul3A_2, %dma_start3A_53] : memref<10240x16xf32, #tpu.memory_space<vmem_shared>> -> memref<640x16xf32, #tpu.memory_space<vmem_shared>>
      %dma_start3A_55 = arith.constant 0 : i32
      %dma_start3A_56 = tpu.memref_slice %arg23[%mul3A_2, %dma_start3A_55] : memref<10240x16xf32, #tpu.memory_space<vmem_shared>> -> memref<640x16xf32, #tpu.memory_space<vmem_shared>>
      tpu.enqueue_dma source(%arg15 : memref<640x16xf32, #tpu.memory_space<vmem>>) target(%dma_start3A_56 : memref<640x16xf32, #tpu.memory_space<vmem_shared>>) target_semaphore(%run_scoped3A_52 : memref<!tpu.dma_semaphore, #tpu.memory_space<semaphore_mem>>)
      %dma_wait3A_57 = arith.constant 0 : i32
      %dma_wait3A_58 = tpu.memref_slice %arg23[%mul3A_2, %dma_wait3A_57] : memref<10240x16xf32, #tpu.memory_space<vmem_shared>> -> memref<640x16xf32, #tpu.memory_space<vmem_shared>>
      %dma_wait3A_59 = arith.constant 0 : i32
      %dma_wait3A_60 = tpu.memref_slice %arg23[%mul3A_2, %dma_wait3A_59] : memref<10240x16xf32, #tpu.memory_space<vmem_shared>> -> memref<640x16xf32, #tpu.memory_space<vmem_shared>>
      tpu.wait_dma2 semaphore(%run_scoped3A_52 : memref<!tpu.dma_semaphore, #tpu.memory_space<semaphore_mem>>) src(%arg15 : memref<640x16xf32, #tpu.memory_space<vmem>>) dst(%dma_wait3A_60 : memref<640x16xf32, #tpu.memory_space<vmem_shared>>)
      tpu.yield
    }) : () -> ()
    "tpu.region"() ({
      %run_scoped3A_52 = tpu.sem_alloc : memref<!tpu.dma_semaphore, #tpu.memory_space<semaphore_mem>>
      %dma_start3A_53 = arith.constant 0 : i32
      %dma_start3A_54 = tpu.memref_slice %arg4[%mul3A_2, %dma_start3A_53] : memref<10240x16xf32, #tpu.memory_space<hbm>> -> memref<640x16xf32, #tpu.memory_space<hbm>>
      %dma_start3A_55 = arith.constant 0 : i32
      %dma_start3A_56 = tpu.memref_slice %arg4[%mul3A_2, %dma_start3A_55] : memref<10240x16xf32, #tpu.memory_space<hbm>> -> memref<640x16xf32, #tpu.memory_space<hbm>>
      tpu.enqueue_dma source(%dma_start3A_56 : memref<640x16xf32, #tpu.memory_space<hbm>>) target(%arg16 : memref<640x16xf32, #tpu.memory_space<vmem>>) target_semaphore(%run_scoped3A_52 : memref<!tpu.dma_semaphore, #tpu.memory_space<semaphore_mem>>)
      %dma_wait3A_57 = arith.constant 0 : i32
      %dma_wait3A_58 = tpu.memref_slice %arg4[%mul3A_2, %dma_wait3A_57] : memref<10240x16xf32, #tpu.memory_space<hbm>> -> memref<640x16xf32, #tpu.memory_space<hbm>>
      %dma_wait3A_59 = arith.constant 0 : i32
      %dma_wait3A_60 = tpu.memref_slice %arg4[%mul3A_2, %dma_wait3A_59] : memref<10240x16xf32, #tpu.memory_space<hbm>> -> memref<640x16xf32, #tpu.memory_space<hbm>>
      tpu.wait_dma2 semaphore(%run_scoped3A_52 : memref<!tpu.dma_semaphore, #tpu.memory_space<semaphore_mem>>) src(%dma_wait3A_60 : memref<640x16xf32, #tpu.memory_space<hbm>>) dst(%arg16 : memref<640x16xf32, #tpu.memory_space<vmem>>)
      tpu.yield
    }) : () -> ()
    "tpu.region"() ({
      %run_scoped3A_52 = tpu.sem_alloc : memref<!tpu.dma_semaphore, #tpu.memory_space<semaphore_mem>>
      %dma_start3A_53 = arith.constant 0 : i32
      %dma_start3A_54 = tpu.memref_slice %arg5[%mul3A_2, %dma_start3A_53] : memref<10240x16xf32, #tpu.memory_space<hbm>> -> memref<640x16xf32, #tpu.memory_space<hbm>>
      %dma_start3A_55 = arith.constant 0 : i32
      %dma_start3A_56 = tpu.memref_slice %arg5[%mul3A_2, %dma_start3A_55] : memref<10240x16xf32, #tpu.memory_space<hbm>> -> memref<640x16xf32, #tpu.memory_space<hbm>>
      tpu.enqueue_dma source(%dma_start3A_56 : memref<640x16xf32, #tpu.memory_space<hbm>>) target(%arg17 : memref<640x16xf32, #tpu.memory_space<vmem>>) target_semaphore(%run_scoped3A_52 : memref<!tpu.dma_semaphore, #tpu.memory_space<semaphore_mem>>)
      %dma_wait3A_57 = arith.constant 0 : i32
      %dma_wait3A_58 = tpu.memref_slice %arg5[%mul3A_2, %dma_wait3A_57] : memref<10240x16xf32, #tpu.memory_space<hbm>> -> memref<640x16xf32, #tpu.memory_space<hbm>>
      %dma_wait3A_59 = arith.constant 0 : i32
      %dma_wait3A_60 = tpu.memref_slice %arg5[%mul3A_2, %dma_wait3A_59] : memref<10240x16xf32, #tpu.memory_space<hbm>> -> memref<640x16xf32, #tpu.memory_space<hbm>>
      tpu.wait_dma2 semaphore(%run_scoped3A_52 : memref<!tpu.dma_semaphore, #tpu.memory_space<semaphore_mem>>) src(%dma_wait3A_60 : memref<640x16xf32, #tpu.memory_space<hbm>>) dst(%arg17 : memref<640x16xf32, #tpu.memory_space<vmem>>)
      tpu.yield
    }) : () -> ()
    %run_scoped3A = arith.constant 0 : i32
    "tpu.region"() ({
      %run_scoped3A_52 = tpu.sem_alloc : memref<!tpu.dma_semaphore, #tpu.memory_space<semaphore_mem>>
      %dma_start3A_53 = arith.constant 0 : i32
      %dma_start3A_54 = tpu.memref_slice %arg6[%run_scoped3A, %mul3A_2, %dma_start3A_53] : memref<2x10240x16xf32, #tpu.memory_space<hbm>> -> memref<1x640x16xf32, #tpu.memory_space<hbm>>
      %dma_start3A_55 = tpu.memref_squeeze %dma_start3A_54 : memref<1x640x16xf32, #tpu.memory_space<hbm>> -> memref<640x16xf32, #tpu.memory_space<hbm>>
      %dma_start3A_56 = arith.constant 0 : i32
      %dma_start3A_57 = tpu.memref_slice %arg6[%run_scoped3A, %mul3A_2, %dma_start3A_56] : memref<2x10240x16xf32, #tpu.memory_space<hbm>> -> memref<1x640x16xf32, #tpu.memory_space<hbm>>
      %dma_start3A_58 = tpu.memref_squeeze %dma_start3A_57 : memref<1x640x16xf32, #tpu.memory_space<hbm>> -> memref<640x16xf32, #tpu.memory_space<hbm>>
      tpu.enqueue_dma source(%dma_start3A_58 : memref<640x16xf32, #tpu.memory_space<hbm>>) target(%arg18 : memref<640x16xf32, #tpu.memory_space<vmem>>) target_semaphore(%run_scoped3A_52 : memref<!tpu.dma_semaphore, #tpu.memory_space<semaphore_mem>>)
      %dma_wait3A_59 = arith.constant 0 : i32
      %dma_wait3A_60 = tpu.memref_slice %arg6[%run_scoped3A, %mul3A_2, %dma_wait3A_59] : memref<2x10240x16xf32, #tpu.memory_space<hbm>> -> memref<1x640x16xf32, #tpu.memory_space<hbm>>
      %dma_wait3A_61 = tpu.memref_squeeze %dma_wait3A_60 : memref<1x640x16xf32, #tpu.memory_space<hbm>> -> memref<640x16xf32, #tpu.memory_space<hbm>>
      %dma_wait3A_62 = arith.constant 0 : i32
      %dma_wait3A_63 = tpu.memref_slice %arg6[%run_scoped3A, %mul3A_2, %dma_wait3A_62] : memref<2x10240x16xf32, #tpu.memory_space<hbm>> -> memref<1x640x16xf32, #tpu.memory_space<hbm>>
      %dma_wait3A_64 = tpu.memref_squeeze %dma_wait3A_63 : memref<1x640x16xf32, #tpu.memory_space<hbm>> -> memref<640x16xf32, #tpu.memory_space<hbm>>
      tpu.wait_dma2 semaphore(%run_scoped3A_52 : memref<!tpu.dma_semaphore, #tpu.memory_space<semaphore_mem>>) src(%dma_wait3A_64 : memref<640x16xf32, #tpu.memory_space<hbm>>) dst(%arg18 : memref<640x16xf32, #tpu.memory_space<vmem>>)
      tpu.yield
    }) : () -> ()
    %run_scoped3A_8 = arith.constant 1 : i32
    "tpu.region"() ({
      %run_scoped3A_52 = tpu.sem_alloc : memref<!tpu.dma_semaphore, #tpu.memory_space<semaphore_mem>>
      %dma_start3A_53 = arith.constant 0 : i32
      %dma_start3A_54 = tpu.memref_slice %arg6[%run_scoped3A_8, %mul3A_2, %dma_start3A_53] : memref<2x10240x16xf32, #tpu.memory_space<hbm>> -> memref<1x640x16xf32, #tpu.memory_space<hbm>>
      %dma_start3A_55 = tpu.memref_squeeze %dma_start3A_54 : memref<1x640x16xf32, #tpu.memory_space<hbm>> -> memref<640x16xf32, #tpu.memory_space<hbm>>
      %dma_start3A_56 = arith.constant 0 : i32
      %dma_start3A_57 = tpu.memref_slice %arg6[%run_scoped3A_8, %mul3A_2, %dma_start3A_56] : memref<2x10240x16xf32, #tpu.memory_space<hbm>> -> memref<1x640x16xf32, #tpu.memory_space<hbm>>
      %dma_start3A_58 = tpu.memref_squeeze %dma_start3A_57 : memref<1x640x16xf32, #tpu.memory_space<hbm>> -> memref<640x16xf32, #tpu.memory_space<hbm>>
      tpu.enqueue_dma source(%dma_start3A_58 : memref<640x16xf32, #tpu.memory_space<hbm>>) target(%arg19 : memref<640x16xf32, #tpu.memory_space<vmem>>) target_semaphore(%run_scoped3A_52 : memref<!tpu.dma_semaphore, #tpu.memory_space<semaphore_mem>>)
      %dma_wait3A_59 = arith.constant 0 : i32
      %dma_wait3A_60 = tpu.memref_slice %arg6[%run_scoped3A_8, %mul3A_2, %dma_wait3A_59] : memref<2x10240x16xf32, #tpu.memory_space<hbm>> -> memref<1x640x16xf32, #tpu.memory_space<hbm>>
      %dma_wait3A_61 = tpu.memref_squeeze %dma_wait3A_60 : memref<1x640x16xf32, #tpu.memory_space<hbm>> -> memref<640x16xf32, #tpu.memory_space<hbm>>
      %dma_wait3A_62 = arith.constant 0 : i32
      %dma_wait3A_63 = tpu.memref_slice %arg6[%run_scoped3A_8, %mul3A_2, %dma_wait3A_62] : memref<2x10240x16xf32, #tpu.memory_space<hbm>> -> memref<1x640x16xf32, #tpu.memory_space<hbm>>
      %dma_wait3A_64 = tpu.memref_squeeze %dma_wait3A_63 : memref<1x640x16xf32, #tpu.memory_space<hbm>> -> memref<640x16xf32, #tpu.memory_space<hbm>>
      tpu.wait_dma2 semaphore(%run_scoped3A_52 : memref<!tpu.dma_semaphore, #tpu.memory_space<semaphore_mem>>) src(%dma_wait3A_64 : memref<640x16xf32, #tpu.memory_space<hbm>>) dst(%arg19 : memref<640x16xf32, #tpu.memory_space<vmem>>)
      tpu.yield
    }) : () -> ()
    "tpu.region"() ({
      %run_scoped3A_52 = tpu.sem_alloc : memref<!tpu.dma_semaphore, #tpu.memory_space<semaphore_mem>>
      tpu.enqueue_dma source(%arg7 : memref<16x16xf32, #tpu.memory_space<hbm>>) target(%arg20 : memref<16x16xf32, #tpu.memory_space<vmem>>) target_semaphore(%run_scoped3A_52 : memref<!tpu.dma_semaphore, #tpu.memory_space<semaphore_mem>>)
      tpu.wait_dma2 semaphore(%run_scoped3A_52 : memref<!tpu.dma_semaphore, #tpu.memory_space<semaphore_mem>>) src(%arg7 : memref<16x16xf32, #tpu.memory_space<hbm>>) dst(%arg20 : memref<16x16xf32, #tpu.memory_space<vmem>>)
      tpu.yield
    }) : () -> ()
    "tpu.region"() ({
      %run_scoped3A_52 = tpu.sem_alloc : memref<!tpu.dma_semaphore, #tpu.memory_space<semaphore_mem>>
      tpu.enqueue_dma source(%arg8 : memref<16xf32, #tpu.memory_space<hbm>>) target(%arg21 : memref<16xf32, #tpu.memory_space<vmem>>) target_semaphore(%run_scoped3A_52 : memref<!tpu.dma_semaphore, #tpu.memory_space<semaphore_mem>>)
      tpu.wait_dma2 semaphore(%run_scoped3A_52 : memref<!tpu.dma_semaphore, #tpu.memory_space<semaphore_mem>>) src(%arg8 : memref<16xf32, #tpu.memory_space<hbm>>) dst(%arg21 : memref<16xf32, #tpu.memory_space<vmem>>)
      tpu.yield
    }) : () -> ()
    %scan3A_9 = arith.constant 0 : i32
    %scan3A_10 = arith.constant 0 : i32
    %scan3A_11 = arith.constant 640 : i32
    %scan3A_12 = arith.addi %scan3A_10, %scan3A_11 : i32
    %scan3A_13 = arith.constant 1 : i32
    scf.for %scan3A_52 = %scan3A_10 to %scan3A_12 step %scan3A_13  : i32 {
      %get3A = arith.index_cast %scan3A_52 : i32 to index
      %get3A_53 = arith.constant 0 : index
      %get3A_54 = tpu.vector_load %arg17[%get3A, %get3A_53] {strides = array<i32>} : memref<640x16xf32, #tpu.memory_space<vmem>>, vector<16xf32>,
      %get3A_55 = arith.index_cast %scan3A_52 : i32 to index
      %get3A_56 = arith.constant 0 : index
      %get3A_57 = tpu.vector_load %arg18[%get3A_55, %get3A_56] {strides = array<i32>} : memref<640x16xf32, #tpu.memory_space<vmem>>, vector<16xf32>,
      %get3A_58 = arith.index_cast %scan3A_52 : i32 to index
      %get3A_59 = arith.constant 0 : index
      %get3A_60 = tpu.vector_load %arg19[%get3A_58, %get3A_59] {strides = array<i32>} : memref<640x16xf32, #tpu.memory_space<vmem>>, vector<16xf32>,
      %add3A_61 = arith.addf %get3A_57, %get3A_60 : vector<16xf32>
      %get3A_62 = arith.index_cast %scan3A_52 : i32 to index
      %get3A_63 = arith.constant 0 : index
      %get3A_64 = tpu.vector_load %arg16[%get3A_62, %get3A_63] {strides = array<i32>} : memref<640x16xf32, #tpu.memory_space<vmem>>, vector<16xf32>,
      %add3A_65 = arith.addf %add3A_61, %get3A_64 : vector<16xf32>
      %mul3A_66 = arith.mulf %get3A_54, %add3A_65 : vector<16xf32>
      %get3A_67 = arith.constant 0 : index
      %get3A_68 = tpu.vector_load %arg21[%get3A_67] {strides = array<i32>} : memref<16xf32, #tpu.memory_space<vmem>>, vector<16xf32>,
      %add3A_69 = arith.addf %mul3A_66, %get3A_68 : vector<16xf32>
      %max3A = arith.constant 0.000000e+00 : f32
      %max3A_70 = vector.broadcast %max3A : f32 to vector<16xf32>
      %max3A_71 = arith.maximumf %add3A_69, %max3A_70 : vector<16xf32>
      %swap3A = arith.constant 8 : index
      %swap3A_72 = tpu.vector_load %arg22[%swap3A] {strides = array<i32>} : memref<32xf32, #tpu.memory_space<vmem>>, vector<16xf32>,
      tpu.vector_store %arg22[%swap3A], %max3A_71 {strides = array<i32>} : memref<32xf32, #tpu.memory_space<vmem>>, vector<16xf32>,
      %broadcast_in_dim3A = arith.constant 0.000000e+00 : f32
      %broadcast_in_dim3A_73 = vector.broadcast %broadcast_in_dim3A : f32 to vector<16xf32>
      %broadcast_in_dim3A_74 = arith.constant 8 : i32
      %broadcast_in_dim3A_75 = vector.broadcast %broadcast_in_dim3A_74 : i32 to vector<16xi32>
      %gather3A = tpu.vector_load_idx %arg22[%broadcast_in_dim3A_75] : memref<32xf32, #tpu.memory_space<vmem>>[vector<16xi32>], vector<16xf32>,
      %get3A_76 = arith.constant 0 : i32
      %get3A_77 = arith.index_cast %get3A_76 : i32 to index
      %get3A_78 = arith.constant 0 : index
      %get3A_79 = tpu.vector_load %arg20[%get3A_77, %get3A_78] {strides = array<i32>} : memref<16x16xf32, #tpu.memory_space<vmem>>, vector<16xf32>,
      %mul3A_80 = arith.mulf %gather3A, %get3A_79 : vector<16xf32>
      %add3A_81 = arith.addf %broadcast_in_dim3A_73, %mul3A_80 : vector<16xf32>
      %broadcast_in_dim3A_82 = arith.constant 9 : i32
      %broadcast_in_dim3A_83 = vector.broadcast %broadcast_in_dim3A_82 : i32 to vector<16xi32>
      %gather3A_84 = tpu.vector_load_idx %arg22[%broadcast_in_dim3A_83] : memref<32xf32, #tpu.memory_space<vmem>>[vector<16xi32>], vector<16xf32>,
      %get3A_85 = arith.constant 1 : i32
      %get3A_86 = arith.index_cast %get3A_85 : i32 to index
      %get3A_87 = arith.constant 0 : index
      %get3A_88 = tpu.vector_load %arg20[%get3A_86, %get3A_87] {strides = array<i32>} : memref<16x16xf32, #tpu.memory_space<vmem>>, vector<16xf32>,
      %mul3A_89 = arith.mulf %gather3A_84, %get3A_88 : vector<16xf32>
      %add3A_90 = arith.addf %add3A_81, %mul3A_89 : vector<16xf32>
      %broadcast_in_dim3A_91 = arith.constant 10 : i32
      %broadcast_in_dim3A_92 = vector.broadcast %broadcast_in_dim3A_91 : i32 to vector<16xi32>
      %gather3A_93 = tpu.vector_load_idx %arg22[%broadcast_in_dim3A_92] : memref<32xf32, #tpu.memory_space<vmem>>[vector<16xi32>], vector<16xf32>,
      %get3A_94 = arith.constant 2 : i32
      %get3A_95 = arith.index_cast %get3A_94 : i32 to index
      %get3A_96 = arith.constant 0 : index
      %get3A_97 = tpu.vector_load %arg20[%get3A_95, %get3A_96] {strides = array<i32>} : memref<16x16xf32, #tpu.memory_space<vmem>>, vector<16xf32>,
      %mul3A_98 = arith.mulf %gather3A_93, %get3A_97 : vector<16xf32>
      %add3A_99 = arith.addf %add3A_90, %mul3A_98 : vector<16xf32>
      %broadcast_in_dim3A_100 = arith.constant 11 : i32
      %broadcast_in_dim3A_101 = vector.broadcast %broadcast_in_dim3A_100 : i32 to vector<16xi32>
      %gather3A_102 = tpu.vector_load_idx %arg22[%broadcast_in_dim3A_101] : memref<32xf32, #tpu.memory_space<vmem>>[vector<16xi32>], vector<16xf32>,
      %get3A_103 = arith.constant 3 : i32
      %get3A_104 = arith.index_cast %get3A_103 : i32 to index
      %get3A_105 = arith.constant 0 : index
      %get3A_106 = tpu.vector_load %arg20[%get3A_104, %get3A_105] {strides = array<i32>} : memref<16x16xf32, #tpu.memory_space<vmem>>, vector<16xf32>,
      %mul3A_107 = arith.mulf %gather3A_102, %get3A_106 : vector<16xf32>
      %add3A_108 = arith.addf %add3A_99, %mul3A_107 : vector<16xf32>
      %get3A_109 = arith.index_cast %scan3A_52 : i32 to index
      %get3A_110 = arith.constant 0 : index
      %get3A_111 = tpu.vector_load %arg17[%get3A_109, %get3A_110] {strides = array<i32>} : memref<640x16xf32, #tpu.memory_space<vmem>>, vector<16xf32>,
      %mul3A_112 = arith.mulf %get3A_111, %add3A_108 : vector<16xf32>
      %swap3A_113 = arith.index_cast %scan3A_52 : i32 to index
      %swap3A_114 = arith.constant 0 : index
      %swap3A_115 = tpu.vector_load %arg16[%swap3A_113, %swap3A_114] {strides = array<i32>} : memref<640x16xf32, #tpu.memory_space<vmem>>, vector<16xf32>,
      tpu.vector_store %arg16[%swap3A_113, %swap3A_114], %mul3A_112 {strides = array<i32>} : memref<640x16xf32, #tpu.memory_space<vmem>>, vector<16xf32>,
    }
    %scan3A_14 = arith.constant 640 : i32
    "tpu.region"() ({
      %run_scoped3A_52 = tpu.sem_alloc : memref<!tpu.dma_semaphore, #tpu.memory_space<semaphore_mem>>
      %dma_start3A_53 = arith.constant 0 : i32
      %dma_start3A_54 = tpu.memref_slice %arg24[%mul3A_2, %dma_start3A_53] : memref<10240x16xf32, #tpu.memory_space<vmem_shared>> -> memref<640x16xf32, #tpu.memory_space<vmem_shared>>
      %dma_start3A_55 = arith.constant 0 : i32
      %dma_start3A_56 = tpu.memref_slice %arg24[%mul3A_2, %dma_start3A_55] : memref<10240x16xf32, #tpu.memory_space<vmem_shared>> -> memref<640x16xf32, #tpu.memory_space<vmem_shared>>
      tpu.enqueue_dma source(%arg16 : memref<640x16xf32, #tpu.memory_space<vmem>>) target(%dma_start3A_56 : memref<640x16xf32, #tpu.memory_space<vmem_shared>>) target_semaphore(%run_scoped3A_52 : memref<!tpu.dma_semaphore, #tpu.memory_space<semaphore_mem>>)
      %dma_wait3A_57 = arith.constant 0 : i32
      %dma_wait3A_58 = tpu.memref_slice %arg24[%mul3A_2, %dma_wait3A_57] : memref<10240x16xf32, #tpu.memory_space<vmem_shared>> -> memref<640x16xf32, #tpu.memory_space<vmem_shared>>
      %dma_wait3A_59 = arith.constant 0 : i32
      %dma_wait3A_60 = tpu.memref_slice %arg24[%mul3A_2, %dma_wait3A_59] : memref<10240x16xf32, #tpu.memory_space<vmem_shared>> -> memref<640x16xf32, #tpu.memory_space<vmem_shared>>
      tpu.wait_dma2 semaphore(%run_scoped3A_52 : memref<!tpu.dma_semaphore, #tpu.memory_space<semaphore_mem>>) src(%arg16 : memref<640x16xf32, #tpu.memory_space<vmem>>) dst(%dma_wait3A_60 : memref<640x16xf32, #tpu.memory_space<vmem_shared>>)
      tpu.yield
    }) : () -> ()
    %eq3A = arith.constant 0 : i32
    %eq3A_15 = arith.cmpi eq, %arg0, %eq3A : i32
    %convert_element_type3A = arith.extui %eq3A_15 : i1 to i32
    %cond3A = arith.constant 0 : i32
    %cond3A_16 = arith.cmpi ne, %convert_element_type3A, %cond3A : i32
    scf.if %cond3A_16 {
      "tpu.region"() ({
        %run_scoped3A_52 = tpu.sem_alloc : memref<!tpu.dma_semaphore, #tpu.memory_space<semaphore_mem>>
        %dma_start3A_53 = arith.constant 0 : i32
        %dma_start3A_54 = tpu.memref_slice %arg10[%mul3A_2, %dma_start3A_53] : memref<10240x16xf32, #tpu.memory_space<hbm>> -> memref<640x16xf32, #tpu.memory_space<hbm>>
        %dma_start3A_55 = arith.constant 0 : i32
        %dma_start3A_56 = tpu.memref_slice %arg10[%mul3A_2, %dma_start3A_55] : memref<10240x16xf32, #tpu.memory_space<hbm>> -> memref<640x16xf32, #tpu.memory_space<hbm>>
        tpu.enqueue_dma source(%arg16 : memref<640x16xf32, #tpu.memory_space<vmem>>) target(%dma_start3A_56 : memref<640x16xf32, #tpu.memory_space<hbm>>) target_semaphore(%run_scoped3A_52 : memref<!tpu.dma_semaphore, #tpu.memory_space<semaphore_mem>>)
        %dma_wait3A_57 = arith.constant 0 : i32
        %dma_wait3A_58 = tpu.memref_slice %arg10[%mul3A_2, %dma_wait3A_57] : memref<10240x16xf32, #tpu.memory_space<hbm>> -> memref<640x16xf32, #tpu.memory_space<hbm>>
        %dma_wait3A_59 = arith.constant 0 : i32
        %dma_wait3A_60 = tpu.memref_slice %arg10[%mul3A_2, %dma_wait3A_59] : memref<10240x16xf32, #tpu.memory_space<hbm>> -> memref<640x16xf32, #tpu.memory_space<hbm>>
        tpu.wait_dma2 semaphore(%run_scoped3A_52 : memref<!tpu.dma_semaphore, #tpu.memory_space<semaphore_mem>>) src(%arg16 : memref<640x16xf32, #tpu.memory_space<vmem>>) dst(%dma_wait3A_60 : memref<640x16xf32, #tpu.memory_space<hbm>>)
        tpu.yield
      }) : () -> ()
    } else {
    }
    %barrier3A = arith.constant 0 : index
    tpu.barrier barrier_id(%barrier3A)
    "tpu.region"() ({
      %run_scoped3A_52 = tpu.sem_alloc : memref<!tpu.dma_semaphore, #tpu.memory_space<semaphore_mem>>
      %dma_start3A_53 = arith.constant 0 : i32
      %dma_start3A_54 = arith.constant 0 : i32
      %dma_start3A_55 = tpu.memref_slice %arg2[%add3A, %dma_start3A_53, %dma_start3A_54] : memref<32x80x128xi32, #tpu.memory_space<hbm>> -> memref<1x80x128xi32, #tpu.memory_space<hbm>>
      %dma_start3A_56 = tpu.memref_squeeze %dma_start3A_55 : memref<1x80x128xi32, #tpu.memory_space<hbm>> -> memref<80x128xi32, #tpu.memory_space<hbm>>
      %dma_start3A_57 = arith.constant 0 : i32
      %dma_start3A_58 = arith.constant 0 : i32
      %dma_start3A_59 = tpu.memref_slice %arg2[%add3A, %dma_start3A_57, %dma_start3A_58] : memref<32x80x128xi32, #tpu.memory_space<hbm>> -> memref<1x80x128xi32, #tpu.memory_space<hbm>>
      %dma_start3A_60 = tpu.memref_squeeze %dma_start3A_59 : memref<1x80x128xi32, #tpu.memory_space<hbm>> -> memref<80x128xi32, #tpu.memory_space<hbm>>
      tpu.enqueue_dma source(%dma_start3A_60 : memref<80x128xi32, #tpu.memory_space<hbm>>) target(%arg11 : memref<80x128xi32, #tpu.memory_space<vmem>>) target_semaphore(%run_scoped3A_52 : memref<!tpu.dma_semaphore, #tpu.memory_space<semaphore_mem>>)
      %dma_wait3A_61 = arith.constant 0 : i32
      %dma_wait3A_62 = arith.constant 0 : i32
      %dma_wait3A_63 = tpu.memref_slice %arg2[%add3A, %dma_wait3A_61, %dma_wait3A_62] : memref<32x80x128xi32, #tpu.memory_space<hbm>> -> memref<1x80x128xi32, #tpu.memory_space<hbm>>
      %dma_wait3A_64 = tpu.memref_squeeze %dma_wait3A_63 : memref<1x80x128xi32, #tpu.memory_space<hbm>> -> memref<80x128xi32, #tpu.memory_space<hbm>>
      %dma_wait3A_65 = arith.constant 0 : i32
      %dma_wait3A_66 = arith.constant 0 : i32
      %dma_wait3A_67 = tpu.memref_slice %arg2[%add3A, %dma_wait3A_65, %dma_wait3A_66] : memref<32x80x128xi32, #tpu.memory_space<hbm>> -> memref<1x80x128xi32, #tpu.memory_space<hbm>>
      %dma_wait3A_68 = tpu.memref_squeeze %dma_wait3A_67 : memref<1x80x128xi32, #tpu.memory_space<hbm>> -> memref<80x128xi32, #tpu.memory_space<hbm>>
      tpu.wait_dma2 semaphore(%run_scoped3A_52 : memref<!tpu.dma_semaphore, #tpu.memory_space<semaphore_mem>>) src(%dma_wait3A_68 : memref<80x128xi32, #tpu.memory_space<hbm>>) dst(%arg11 : memref<80x128xi32, #tpu.memory_space<vmem>>)
      tpu.yield
    }) : () -> ()
    "tpu.region"() ({
      %run_scoped3A_52 = tpu.sem_alloc : memref<!tpu.dma_semaphore, #tpu.memory_space<semaphore_mem>>
      %dma_start3A_53 = arith.constant 0 : i32
      %dma_start3A_54 = arith.constant 0 : i32
      %dma_start3A_55 = tpu.memref_slice %arg3[%add3A, %dma_start3A_53, %dma_start3A_54] : memref<32x80x128xi32, #tpu.memory_space<hbm>> -> memref<1x80x128xi32, #tpu.memory_space<hbm>>
      %dma_start3A_56 = tpu.memref_squeeze %dma_start3A_55 : memref<1x80x128xi32, #tpu.memory_space<hbm>> -> memref<80x128xi32, #tpu.memory_space<hbm>>
      %dma_start3A_57 = arith.constant 0 : i32
      %dma_start3A_58 = arith.constant 0 : i32
      %dma_start3A_59 = tpu.memref_slice %arg3[%add3A, %dma_start3A_57, %dma_start3A_58] : memref<32x80x128xi32, #tpu.memory_space<hbm>> -> memref<1x80x128xi32, #tpu.memory_space<hbm>>
      %dma_start3A_60 = tpu.memref_squeeze %dma_start3A_59 : memref<1x80x128xi32, #tpu.memory_space<hbm>> -> memref<80x128xi32, #tpu.memory_space<hbm>>
      tpu.enqueue_dma source(%dma_start3A_60 : memref<80x128xi32, #tpu.memory_space<hbm>>) target(%arg12 : memref<80x128xi32, #tpu.memory_space<vmem>>) target_semaphore(%run_scoped3A_52 : memref<!tpu.dma_semaphore, #tpu.memory_space<semaphore_mem>>)
      %dma_wait3A_61 = arith.constant 0 : i32
      %dma_wait3A_62 = arith.constant 0 : i32
      %dma_wait3A_63 = tpu.memref_slice %arg3[%add3A, %dma_wait3A_61, %dma_wait3A_62] : memref<32x80x128xi32, #tpu.memory_space<hbm>> -> memref<1x80x128xi32, #tpu.memory_space<hbm>>
      %dma_wait3A_64 = tpu.memref_squeeze %dma_wait3A_63 : memref<1x80x128xi32, #tpu.memory_space<hbm>> -> memref<80x128xi32, #tpu.memory_space<hbm>>
      %dma_wait3A_65 = arith.constant 0 : i32
      %dma_wait3A_66 = arith.constant 0 : i32
      %dma_wait3A_67 = tpu.memref_slice %arg3[%add3A, %dma_wait3A_65, %dma_wait3A_66] : memref<32x80x128xi32, #tpu.memory_space<hbm>> -> memref<1x80x128xi32, #tpu.memory_space<hbm>>
      %dma_wait3A_68 = tpu.memref_squeeze %dma_wait3A_67 : memref<1x80x128xi32, #tpu.memory_space<hbm>> -> memref<80x128xi32, #tpu.memory_space<hbm>>
      tpu.wait_dma2 semaphore(%run_scoped3A_52 : memref<!tpu.dma_semaphore, #tpu.memory_space<semaphore_mem>>) src(%dma_wait3A_68 : memref<80x128xi32, #tpu.memory_space<hbm>>) dst(%arg12 : memref<80x128xi32, #tpu.memory_space<vmem>>)
      tpu.yield
    }) : () -> ()
    %dma_start3A = arith.constant 0 : i32
    %dma_start3A_17 = arith.constant 0 : i32
    %dma_start3A_18 = tpu.memref_slice %arg11[%dma_start3A, %dma_start3A_17] : memref<80x128xi32, #tpu.memory_space<vmem>> -> memref<1x128xi32, #tpu.memory_space<vmem>>
    %dma_start3A_19 = tpu.memref_squeeze %dma_start3A_18 : memref<1x128xi32, #tpu.memory_space<vmem>> -> memref<128xi32, #tpu.memory_space<vmem>>
    %dma_start3A_20 = arith.constant 0 : i32
    %dma_start3A_21 = arith.constant 0 : i32
    %dma_start3A_22 = tpu.memref_slice %arg24[%dma_start3A_20, %dma_start3A_21] : memref<10240x16xf32, #tpu.memory_space<vmem_shared>> -> memref<10240x16xf32, #tpu.memory_space<vmem_shared>>
    tpu.enqueue_indirect_dma source(%dma_start3A_22 : memref<10240x16xf32, #tpu.memory_space<vmem_shared>>) target(%arg13 : memref<128x16xf32, #tpu.memory_space<vmem>>) offsets(%dma_start3A_19 : memref<128xi32, #tpu.memory_space<vmem>>) semaphore(%arg25 : memref<!tpu.dma_semaphore, #tpu.memory_space<semaphore_mem>>)
    %dma_start3A_23 = arith.constant 1 : i32
    %dma_start3A_24 = arith.constant 0 : i32
    %dma_start3A_25 = tpu.memref_slice %arg11[%dma_start3A_23, %dma_start3A_24] : memref<80x128xi32, #tpu.memory_space<vmem>> -> memref<1x128xi32, #tpu.memory_space<vmem>>
    %dma_start3A_26 = tpu.memref_squeeze %dma_start3A_25 : memref<1x128xi32, #tpu.memory_space<vmem>> -> memref<128xi32, #tpu.memory_space<vmem>>
    %dma_start3A_27 = arith.constant 0 : i32
    %dma_start3A_28 = arith.constant 0 : i32
    %dma_start3A_29 = tpu.memref_slice %arg24[%dma_start3A_27, %dma_start3A_28] : memref<10240x16xf32, #tpu.memory_space<vmem_shared>> -> memref<10240x16xf32, #tpu.memory_space<vmem_shared>>
    tpu.enqueue_indirect_dma source(%dma_start3A_29 : memref<10240x16xf32, #tpu.memory_space<vmem_shared>>) target(%arg14 : memref<128x16xf32, #tpu.memory_space<vmem>>) offsets(%dma_start3A_26 : memref<128xi32, #tpu.memory_space<vmem>>) semaphore(%arg26 : memref<!tpu.dma_semaphore, #tpu.memory_space<semaphore_mem>>)
    %scan3A_30 = arith.constant 0 : i32
    %scan3A_31 = arith.constant 0 : i32
    %scan3A_32 = arith.constant 39 : i32
    %scan3A_33 = arith.addi %scan3A_31, %scan3A_32 : i32
    %scan3A_34 = arith.constant 1 : i32
    scf.for %scan3A_52 = %scan3A_31 to %scan3A_33 step %scan3A_34  : i32 {
      %mul3A_53 = arith.constant 2 : i32
      %mul3A_54 = arith.muli %mul3A_53, %scan3A_52 : i32
      %dma_wait3A_55 = arith.constant 0 : i32
      %dma_wait3A_56 = arith.constant 0 : i32
      %dma_wait3A_57 = tpu.memref_slice %arg11[%dma_wait3A_55, %dma_wait3A_56] : memref<80x128xi32, #tpu.memory_space<vmem>> -> memref<1x128xi32, #tpu.memory_space<vmem>>
      %dma_wait3A_58 = tpu.memref_squeeze %dma_wait3A_57 : memref<1x128xi32, #tpu.memory_space<vmem>> -> memref<128xi32, #tpu.memory_space<vmem>>
      %dma_wait3A_59 = arith.constant 0 : i32
      %dma_wait3A_60 = arith.constant 0 : i32
      %dma_wait3A_61 = tpu.memref_slice %arg24[%dma_wait3A_59, %dma_wait3A_60] : memref<10240x16xf32, #tpu.memory_space<vmem_shared>> -> memref<10240x16xf32, #tpu.memory_space<vmem_shared>>
      tpu.wait_indirect_dma semaphore(%arg25 : memref<!tpu.dma_semaphore, #tpu.memory_space<semaphore_mem>>) src(%dma_wait3A_61 : memref<10240x16xf32, #tpu.memory_space<vmem_shared>>) dst(%arg13 : memref<128x16xf32, #tpu.memory_space<vmem>>)
      "tpu.region"() ({
        %run_scoped3A_87 = tpu.sem_alloc : memref<!tpu.dma_semaphore, #tpu.memory_space<semaphore_mem>>
        %dma_start3A_88 = arith.constant 0 : i32
        %dma_start3A_89 = tpu.memref_slice %arg12[%mul3A_54, %dma_start3A_88] : memref<80x128xi32, #tpu.memory_space<vmem>> -> memref<1x128xi32, #tpu.memory_space<vmem>>
        %dma_start3A_90 = tpu.memref_squeeze %dma_start3A_89 : memref<1x128xi32, #tpu.memory_space<vmem>> -> memref<128xi32, #tpu.memory_space<vmem>>
        %dma_start3A_91 = arith.constant 0 : i32
        %dma_start3A_92 = arith.constant 0 : i32
        %dma_start3A_93 = tpu.memref_slice %arg23[%dma_start3A_91, %dma_start3A_92] : memref<10240x16xf32, #tpu.memory_space<vmem_shared>> -> memref<10240x16xf32, #tpu.memory_space<vmem_shared>>
        tpu.enqueue_indirect_dma source(%arg13 : memref<128x16xf32, #tpu.memory_space<vmem>>) target(%dma_start3A_93 : memref<10240x16xf32, #tpu.memory_space<vmem_shared>>) offsets(%dma_start3A_90 : memref<128xi32, #tpu.memory_space<vmem>>) semaphore(%run_scoped3A_87 : memref<!tpu.dma_semaphore, #tpu.memory_space<semaphore_mem>>) {add = true}
        %dma_wait3A_94 = arith.constant 0 : i32
        %dma_wait3A_95 = tpu.memref_slice %arg12[%mul3A_54, %dma_wait3A_94] : memref<80x128xi32, #tpu.memory_space<vmem>> -> memref<1x128xi32, #tpu.memory_space<vmem>>
        %dma_wait3A_96 = tpu.memref_squeeze %dma_wait3A_95 : memref<1x128xi32, #tpu.memory_space<vmem>> -> memref<128xi32, #tpu.memory_space<vmem>>
        %dma_wait3A_97 = arith.constant 0 : i32
        %dma_wait3A_98 = arith.constant 0 : i32
        %dma_wait3A_99 = tpu.memref_slice %arg23[%dma_wait3A_97, %dma_wait3A_98] : memref<10240x16xf32, #tpu.memory_space<vmem_shared>> -> memref<10240x16xf32, #tpu.memory_space<vmem_shared>>
        tpu.wait_indirect_dma semaphore(%run_scoped3A_87 : memref<!tpu.dma_semaphore, #tpu.memory_space<semaphore_mem>>) src(%arg13 : memref<128x16xf32, #tpu.memory_space<vmem>>) dst(%dma_wait3A_99 : memref<10240x16xf32, #tpu.memory_space<vmem_shared>>)
        tpu.yield
      }) : () -> ()
      %add3A_62 = arith.constant 2 : i32
      %add3A_63 = arith.addi %mul3A_54, %add3A_62 : i32
      %dma_start3A_64 = arith.constant 0 : i32
      %dma_start3A_65 = tpu.memref_slice %arg11[%add3A_63, %dma_start3A_64] : memref<80x128xi32, #tpu.memory_space<vmem>> -> memref<1x128xi32, #tpu.memory_space<vmem>>
      %dma_start3A_66 = tpu.memref_squeeze %dma_start3A_65 : memref<1x128xi32, #tpu.memory_space<vmem>> -> memref<128xi32, #tpu.memory_space<vmem>>
      %dma_start3A_67 = arith.constant 0 : i32
      %dma_start3A_68 = arith.constant 0 : i32
      %dma_start3A_69 = tpu.memref_slice %arg24[%dma_start3A_67, %dma_start3A_68] : memref<10240x16xf32, #tpu.memory_space<vmem_shared>> -> memref<10240x16xf32, #tpu.memory_space<vmem_shared>>
      tpu.enqueue_indirect_dma source(%dma_start3A_69 : memref<10240x16xf32, #tpu.memory_space<vmem_shared>>) target(%arg13 : memref<128x16xf32, #tpu.memory_space<vmem>>) offsets(%dma_start3A_66 : memref<128xi32, #tpu.memory_space<vmem>>) semaphore(%arg25 : memref<!tpu.dma_semaphore, #tpu.memory_space<semaphore_mem>>)
      %dma_wait3A_70 = arith.constant 0 : i32
      %dma_wait3A_71 = arith.constant 0 : i32
      %dma_wait3A_72 = tpu.memref_slice %arg11[%dma_wait3A_70, %dma_wait3A_71] : memref<80x128xi32, #tpu.memory_space<vmem>> -> memref<1x128xi32, #tpu.memory_space<vmem>>
      %dma_wait3A_73 = tpu.memref_squeeze %dma_wait3A_72 : memref<1x128xi32, #tpu.memory_space<vmem>> -> memref<128xi32, #tpu.memory_space<vmem>>
      %dma_wait3A_74 = arith.constant 0 : i32
      %dma_wait3A_75 = arith.constant 0 : i32
      %dma_wait3A_76 = tpu.memref_slice %arg24[%dma_wait3A_74, %dma_wait3A_75] : memref<10240x16xf32, #tpu.memory_space<vmem_shared>> -> memref<10240x16xf32, #tpu.memory_space<vmem_shared>>
      tpu.wait_indirect_dma semaphore(%arg26 : memref<!tpu.dma_semaphore, #tpu.memory_space<semaphore_mem>>) src(%dma_wait3A_76 : memref<10240x16xf32, #tpu.memory_space<vmem_shared>>) dst(%arg14 : memref<128x16xf32, #tpu.memory_space<vmem>>)
      %add3A_77 = arith.constant 1 : i32
      %add3A_78 = arith.addi %mul3A_54, %add3A_77 : i32
      "tpu.region"() ({
        %run_scoped3A_87 = tpu.sem_alloc : memref<!tpu.dma_semaphore, #tpu.memory_space<semaphore_mem>>
        %dma_start3A_88 = arith.constant 0 : i32
        %dma_start3A_89 = tpu.memref_slice %arg12[%add3A_78, %dma_start3A_88] : memref<80x128xi32, #tpu.memory_space<vmem>> -> memref<1x128xi32, #tpu.memory_space<vmem>>
        %dma_start3A_90 = tpu.memref_squeeze %dma_start3A_89 : memref<1x128xi32, #tpu.memory_space<vmem>> -> memref<128xi32, #tpu.memory_space<vmem>>
        %dma_start3A_91 = arith.constant 0 : i32
        %dma_start3A_92 = arith.constant 0 : i32
        %dma_start3A_93 = tpu.memref_slice %arg23[%dma_start3A_91, %dma_start3A_92] : memref<10240x16xf32, #tpu.memory_space<vmem_shared>> -> memref<10240x16xf32, #tpu.memory_space<vmem_shared>>
        tpu.enqueue_indirect_dma source(%arg14 : memref<128x16xf32, #tpu.memory_space<vmem>>) target(%dma_start3A_93 : memref<10240x16xf32, #tpu.memory_space<vmem_shared>>) offsets(%dma_start3A_90 : memref<128xi32, #tpu.memory_space<vmem>>) semaphore(%run_scoped3A_87 : memref<!tpu.dma_semaphore, #tpu.memory_space<semaphore_mem>>) {add = true}
        %dma_wait3A_94 = arith.constant 0 : i32
        %dma_wait3A_95 = tpu.memref_slice %arg12[%add3A_78, %dma_wait3A_94] : memref<80x128xi32, #tpu.memory_space<vmem>> -> memref<1x128xi32, #tpu.memory_space<vmem>>
        %dma_wait3A_96 = tpu.memref_squeeze %dma_wait3A_95 : memref<1x128xi32, #tpu.memory_space<vmem>> -> memref<128xi32, #tpu.memory_space<vmem>>
        %dma_wait3A_97 = arith.constant 0 : i32
        %dma_wait3A_98 = arith.constant 0 : i32
        %dma_wait3A_99 = tpu.memref_slice %arg23[%dma_wait3A_97, %dma_wait3A_98] : memref<10240x16xf32, #tpu.memory_space<vmem_shared>> -> memref<10240x16xf32, #tpu.memory_space<vmem_shared>>
        tpu.wait_indirect_dma semaphore(%run_scoped3A_87 : memref<!tpu.dma_semaphore, #tpu.memory_space<semaphore_mem>>) src(%arg14 : memref<128x16xf32, #tpu.memory_space<vmem>>) dst(%dma_wait3A_99 : memref<10240x16xf32, #tpu.memory_space<vmem_shared>>)
        tpu.yield
      }) : () -> ()
      %add3A_79 = arith.constant 3 : i32
      %add3A_80 = arith.addi %mul3A_54, %add3A_79 : i32
      %dma_start3A_81 = arith.constant 0 : i32
      %dma_start3A_82 = tpu.memref_slice %arg11[%add3A_80, %dma_start3A_81] : memref<80x128xi32, #tpu.memory_space<vmem>> -> memref<1x128xi32, #tpu.memory_space<vmem>>
      %dma_start3A_83 = tpu.memref_squeeze %dma_start3A_82 : memref<1x128xi32, #tpu.memory_space<vmem>> -> memref<128xi32, #tpu.memory_space<vmem>>
      %dma_start3A_84 = arith.constant 0 : i32
      %dma_start3A_85 = arith.constant 0 : i32
      %dma_start3A_86 = tpu.memref_slice %arg24[%dma_start3A_84, %dma_start3A_85] : memref<10240x16xf32, #tpu.memory_space<vmem_shared>> -> memref<10240x16xf32, #tpu.memory_space<vmem_shared>>
      tpu.enqueue_indirect_dma source(%dma_start3A_86 : memref<10240x16xf32, #tpu.memory_space<vmem_shared>>) target(%arg14 : memref<128x16xf32, #tpu.memory_space<vmem>>) offsets(%dma_start3A_83 : memref<128xi32, #tpu.memory_space<vmem>>) semaphore(%arg26 : memref<!tpu.dma_semaphore, #tpu.memory_space<semaphore_mem>>)
    }
    %scan3A_35 = arith.constant 39 : i32
    %dma_wait3A = arith.constant 0 : i32
    %dma_wait3A_36 = arith.constant 0 : i32
    %dma_wait3A_37 = tpu.memref_slice %arg11[%dma_wait3A, %dma_wait3A_36] : memref<80x128xi32, #tpu.memory_space<vmem>> -> memref<1x128xi32, #tpu.memory_space<vmem>>
    %dma_wait3A_38 = tpu.memref_squeeze %dma_wait3A_37 : memref<1x128xi32, #tpu.memory_space<vmem>> -> memref<128xi32, #tpu.memory_space<vmem>>
    %dma_wait3A_39 = arith.constant 0 : i32
    %dma_wait3A_40 = arith.constant 0 : i32
    %dma_wait3A_41 = tpu.memref_slice %arg24[%dma_wait3A_39, %dma_wait3A_40] : memref<10240x16xf32, #tpu.memory_space<vmem_shared>> -> memref<10240x16xf32, #tpu.memory_space<vmem_shared>>
    tpu.wait_indirect_dma semaphore(%arg25 : memref<!tpu.dma_semaphore, #tpu.memory_space<semaphore_mem>>) src(%dma_wait3A_41 : memref<10240x16xf32, #tpu.memory_space<vmem_shared>>) dst(%arg13 : memref<128x16xf32, #tpu.memory_space<vmem>>)
    %run_scoped3A_42 = arith.constant 78 : i32
    "tpu.region"() ({
      %run_scoped3A_52 = tpu.sem_alloc : memref<!tpu.dma_semaphore, #tpu.memory_space<semaphore_mem>>
      %dma_start3A_53 = arith.constant 0 : i32
      %dma_start3A_54 = tpu.memref_slice %arg12[%run_scoped3A_42, %dma_start3A_53] : memref<80x128xi32, #tpu.memory_space<vmem>> -> memref<1x128xi32, #tpu.memory_space<vmem>>
      %dma_start3A_55 = tpu.memref_squeeze %dma_start3A_54 : memref<1x128xi32, #tpu.memory_space<vmem>> -> memref<128xi32, #tpu.memory_space<vmem>>
      %dma_start3A_56 = arith.constant 0 : i32
      %dma_start3A_57 = arith.constant 0 : i32
      %dma_start3A_58 = tpu.memref_slice %arg23[%dma_start3A_56, %dma_start3A_57] : memref<10240x16xf32, #tpu.memory_space<vmem_shared>> -> memref<10240x16xf32, #tpu.memory_space<vmem_shared>>
      tpu.enqueue_indirect_dma source(%arg13 : memref<128x16xf32, #tpu.memory_space<vmem>>) target(%dma_start3A_58 : memref<10240x16xf32, #tpu.memory_space<vmem_shared>>) offsets(%dma_start3A_55 : memref<128xi32, #tpu.memory_space<vmem>>) semaphore(%run_scoped3A_52 : memref<!tpu.dma_semaphore, #tpu.memory_space<semaphore_mem>>) {add = true}
      %dma_wait3A_59 = arith.constant 0 : i32
      %dma_wait3A_60 = tpu.memref_slice %arg12[%run_scoped3A_42, %dma_wait3A_59] : memref<80x128xi32, #tpu.memory_space<vmem>> -> memref<1x128xi32, #tpu.memory_space<vmem>>
      %dma_wait3A_61 = tpu.memref_squeeze %dma_wait3A_60 : memref<1x128xi32, #tpu.memory_space<vmem>> -> memref<128xi32, #tpu.memory_space<vmem>>
      %dma_wait3A_62 = arith.constant 0 : i32
      %dma_wait3A_63 = arith.constant 0 : i32
      %dma_wait3A_64 = tpu.memref_slice %arg23[%dma_wait3A_62, %dma_wait3A_63] : memref<10240x16xf32, #tpu.memory_space<vmem_shared>> -> memref<10240x16xf32, #tpu.memory_space<vmem_shared>>
      tpu.wait_indirect_dma semaphore(%run_scoped3A_52 : memref<!tpu.dma_semaphore, #tpu.memory_space<semaphore_mem>>) src(%arg13 : memref<128x16xf32, #tpu.memory_space<vmem>>) dst(%dma_wait3A_64 : memref<10240x16xf32, #tpu.memory_space<vmem_shared>>)
      tpu.yield
    }) : () -> ()
    %dma_wait3A_43 = arith.constant 0 : i32
    %dma_wait3A_44 = arith.constant 0 : i32
    %dma_wait3A_45 = tpu.memref_slice %arg11[%dma_wait3A_43, %dma_wait3A_44] : memref<80x128xi32, #tpu.memory_space<vmem>> -> memref<1x128xi32, #tpu.memory_space<vmem>>
    %dma_wait3A_46 = tpu.memref_squeeze %dma_wait3A_45 : memref<1x128xi32, #tpu.memory_space<vmem>> -> memref<128xi32, #tpu.memory_space<vmem>>
    %dma_wait3A_47 = arith.constant 0 : i32
    %dma_wait3A_48 = arith.constant 0 : i32
    %dma_wait3A_49 = tpu.memref_slice %arg24[%dma_wait3A_47, %dma_wait3A_48] : memref<10240x16xf32, #tpu.memory_space<vmem_shared>> -> memref<10240x16xf32, #tpu.memory_space<vmem_shared>>
    tpu.wait_indirect_dma semaphore(%arg26 : memref<!tpu.dma_semaphore, #tpu.memory_space<semaphore_mem>>) src(%dma_wait3A_49 : memref<10240x16xf32, #tpu.memory_space<vmem_shared>>) dst(%arg14 : memref<128x16xf32, #tpu.memory_space<vmem>>)
    %run_scoped3A_50 = arith.constant 79 : i32
    "tpu.region"() ({
      %run_scoped3A_52 = tpu.sem_alloc : memref<!tpu.dma_semaphore, #tpu.memory_space<semaphore_mem>>
      %dma_start3A_53 = arith.constant 0 : i32
      %dma_start3A_54 = tpu.memref_slice %arg12[%run_scoped3A_50, %dma_start3A_53] : memref<80x128xi32, #tpu.memory_space<vmem>> -> memref<1x128xi32, #tpu.memory_space<vmem>>
      %dma_start3A_55 = tpu.memref_squeeze %dma_start3A_54 : memref<1x128xi32, #tpu.memory_space<vmem>> -> memref<128xi32, #tpu.memory_space<vmem>>
      %dma_start3A_56 = arith.constant 0 : i32
      %dma_start3A_57 = arith.constant 0 : i32
      %dma_start3A_58 = tpu.memref_slice %arg23[%dma_start3A_56, %dma_start3A_57] : memref<10240x16xf32, #tpu.memory_space<vmem_shared>> -> memref<10240x16xf32, #tpu.memory_space<vmem_shared>>
      tpu.enqueue_indirect_dma source(%arg14 : memref<128x16xf32, #tpu.memory_space<vmem>>) target(%dma_start3A_58 : memref<10240x16xf32, #tpu.memory_space<vmem_shared>>) offsets(%dma_start3A_55 : memref<128xi32, #tpu.memory_space<vmem>>) semaphore(%run_scoped3A_52 : memref<!tpu.dma_semaphore, #tpu.memory_space<semaphore_mem>>) {add = true}
      %dma_wait3A_59 = arith.constant 0 : i32
      %dma_wait3A_60 = tpu.memref_slice %arg12[%run_scoped3A_50, %dma_wait3A_59] : memref<80x128xi32, #tpu.memory_space<vmem>> -> memref<1x128xi32, #tpu.memory_space<vmem>>
      %dma_wait3A_61 = tpu.memref_squeeze %dma_wait3A_60 : memref<1x128xi32, #tpu.memory_space<vmem>> -> memref<128xi32, #tpu.memory_space<vmem>>
      %dma_wait3A_62 = arith.constant 0 : i32
      %dma_wait3A_63 = arith.constant 0 : i32
      %dma_wait3A_64 = tpu.memref_slice %arg23[%dma_wait3A_62, %dma_wait3A_63] : memref<10240x16xf32, #tpu.memory_space<vmem_shared>> -> memref<10240x16xf32, #tpu.memory_space<vmem_shared>>
      tpu.wait_indirect_dma semaphore(%run_scoped3A_52 : memref<!tpu.dma_semaphore, #tpu.memory_space<semaphore_mem>>) src(%arg14 : memref<128x16xf32, #tpu.memory_space<vmem>>) dst(%dma_wait3A_64 : memref<10240x16xf32, #tpu.memory_space<vmem_shared>>)
      tpu.yield
    }) : () -> ()
    %barrier3A_51 = arith.constant 0 : index
    tpu.barrier barrier_id(%barrier3A_51)
    "tpu.region"() ({
      %run_scoped3A_52 = tpu.sem_alloc : memref<!tpu.dma_semaphore, #tpu.memory_space<semaphore_mem>>
      %dma_start3A_53 = arith.constant 0 : i32
      %dma_start3A_54 = tpu.memref_slice %arg23[%mul3A_2, %dma_start3A_53] : memref<10240x16xf32, #tpu.memory_space<vmem_shared>> -> memref<640x16xf32, #tpu.memory_space<vmem_shared>>
      %dma_start3A_55 = arith.constant 0 : i32
      %dma_start3A_56 = tpu.memref_slice %arg23[%mul3A_2, %dma_start3A_55] : memref<10240x16xf32, #tpu.memory_space<vmem_shared>> -> memref<640x16xf32, #tpu.memory_space<vmem_shared>>
      tpu.enqueue_dma source(%dma_start3A_56 : memref<640x16xf32, #tpu.memory_space<vmem_shared>>) target(%arg15 : memref<640x16xf32, #tpu.memory_space<vmem>>) target_semaphore(%run_scoped3A_52 : memref<!tpu.dma_semaphore, #tpu.memory_space<semaphore_mem>>)
      %dma_wait3A_57 = arith.constant 0 : i32
      %dma_wait3A_58 = tpu.memref_slice %arg23[%mul3A_2, %dma_wait3A_57] : memref<10240x16xf32, #tpu.memory_space<vmem_shared>> -> memref<640x16xf32, #tpu.memory_space<vmem_shared>>
      %dma_wait3A_59 = arith.constant 0 : i32
      %dma_wait3A_60 = tpu.memref_slice %arg23[%mul3A_2, %dma_wait3A_59] : memref<10240x16xf32, #tpu.memory_space<vmem_shared>> -> memref<640x16xf32, #tpu.memory_space<vmem_shared>>
      tpu.wait_dma2 semaphore(%run_scoped3A_52 : memref<!tpu.dma_semaphore, #tpu.memory_space<semaphore_mem>>) src(%dma_wait3A_60 : memref<640x16xf32, #tpu.memory_space<vmem_shared>>) dst(%arg15 : memref<640x16xf32, #tpu.memory_space<vmem>>)
      tpu.yield
    }) : () -> ()
    "tpu.region"() ({
      %run_scoped3A_52 = tpu.sem_alloc : memref<!tpu.dma_semaphore, #tpu.memory_space<semaphore_mem>>
      %dma_start3A_53 = arith.constant 0 : i32
      %dma_start3A_54 = tpu.memref_slice %arg9[%arg0, %mul3A_2, %dma_start3A_53] : memref<2x10240x16xf32, #tpu.memory_space<hbm>> -> memref<1x640x16xf32, #tpu.memory_space<hbm>>
      %dma_start3A_55 = tpu.memref_squeeze %dma_start3A_54 : memref<1x640x16xf32, #tpu.memory_space<hbm>> -> memref<640x16xf32, #tpu.memory_space<hbm>>
      %dma_start3A_56 = arith.constant 0 : i32
      %dma_start3A_57 = tpu.memref_slice %arg9[%arg0, %mul3A_2, %dma_start3A_56] : memref<2x10240x16xf32, #tpu.memory_space<hbm>> -> memref<1x640x16xf32, #tpu.memory_space<hbm>>
      %dma_start3A_58 = tpu.memref_squeeze %dma_start3A_57 : memref<1x640x16xf32, #tpu.memory_space<hbm>> -> memref<640x16xf32, #tpu.memory_space<hbm>>
      tpu.enqueue_dma source(%arg15 : memref<640x16xf32, #tpu.memory_space<vmem>>) target(%dma_start3A_58 : memref<640x16xf32, #tpu.memory_space<hbm>>) target_semaphore(%run_scoped3A_52 : memref<!tpu.dma_semaphore, #tpu.memory_space<semaphore_mem>>)
      %dma_wait3A_59 = arith.constant 0 : i32
      %dma_wait3A_60 = tpu.memref_slice %arg9[%arg0, %mul3A_2, %dma_wait3A_59] : memref<2x10240x16xf32, #tpu.memory_space<hbm>> -> memref<1x640x16xf32, #tpu.memory_space<hbm>>
      %dma_wait3A_61 = tpu.memref_squeeze %dma_wait3A_60 : memref<1x640x16xf32, #tpu.memory_space<hbm>> -> memref<640x16xf32, #tpu.memory_space<hbm>>
      %dma_wait3A_62 = arith.constant 0 : i32
      %dma_wait3A_63 = tpu.memref_slice %arg9[%arg0, %mul3A_2, %dma_wait3A_62] : memref<2x10240x16xf32, #tpu.memory_space<hbm>> -> memref<1x640x16xf32, #tpu.memory_space<hbm>>
      %dma_wait3A_64 = tpu.memref_squeeze %dma_wait3A_63 : memref<1x640x16xf32, #tpu.memory_space<hbm>> -> memref<640x16xf32, #tpu.memory_space<hbm>>
      tpu.wait_dma2 semaphore(%run_scoped3A_52 : memref<!tpu.dma_semaphore, #tpu.memory_space<semaphore_mem>>) src(%arg15 : memref<640x16xf32, #tpu.memory_space<vmem>>) dst(%dma_wait3A_64 : memref<640x16xf32, #tpu.memory_space<hbm>>)
      tpu.yield
    }) : () -> ()
    return
  }
}

#map = affine_map<(d0, d1) -> (0, 0, 0)>
module attributes {stable_mosaic.version = 14 : i64} {
  func.func @_sc_degree(%arg0: i32, %arg1: i32, %arg2: memref<32x80x128xi32, #tpu.memory_space<hbm>>, %arg3: memref<2x10240x16xf32, #tpu.memory_space<hbm>>, %arg4: memref<80x128xi32, #tpu.memory_space<vmem>>, %arg5: memref<128x16xf32, #tpu.memory_space<vmem>>, %arg6: memref<640x16xf32, #tpu.memory_space<vmem>>, %arg7: memref<10240x16xf32, #tpu.memory_space<vmem_shared>>) attributes {dimension_semantics = [#tpu.dimension_semantics<core_parallel>, #tpu.dimension_semantics<subcore_parallel>], iteration_bounds = array<i64: 2, 16>, scalar_prefetch = 0 : i64, scratch_operands = 4 : i64, tpu.core_type = #tpu.core_type<sc_vector_subcore>, window_params = [{transform_indices = #map}, {transform_indices = #map}]} {
    %mul3A = arith.constant 2 : i32
    %mul3A_0 = arith.muli %arg1, %mul3A : i32
    %add3A = arith.addi %mul3A_0, %arg0 : i32
    %mul3A_1 = arith.constant 640 : i32
    %mul3A_2 = arith.muli %arg1, %mul3A_1 : i32
    %scan3A = arith.constant 0 : i32
    %scan3A_3 = arith.constant 0 : i32
    %scan3A_4 = arith.constant 640 : i32
    %scan3A_5 = arith.addi %scan3A_3, %scan3A_4 : i32
    %scan3A_6 = arith.constant 1 : i32
    scf.for %scan3A_21 = %scan3A_3 to %scan3A_5 step %scan3A_6  : i32 {
      %broadcast_in_dim3A = arith.constant 0.000000e+00 : f32
      %broadcast_in_dim3A_22 = vector.broadcast %broadcast_in_dim3A : f32 to vector<16xf32>
      %swap3A = arith.index_cast %scan3A_21 : i32 to index
      %swap3A_23 = arith.constant 0 : index
      %swap3A_24 = tpu.vector_load %arg6[%swap3A, %swap3A_23] {strides = array<i32>} : memref<640x16xf32, #tpu.memory_space<vmem>>, vector<16xf32>,
      tpu.vector_store %arg6[%swap3A, %swap3A_23], %broadcast_in_dim3A_22 {strides = array<i32>} : memref<640x16xf32, #tpu.memory_space<vmem>>, vector<16xf32>,
    }
    %scan3A_7 = arith.constant 640 : i32
    "tpu.region"() ({
      %run_scoped3A = tpu.sem_alloc : memref<!tpu.dma_semaphore, #tpu.memory_space<semaphore_mem>>
      %dma_start3A = arith.constant 0 : i32
      %dma_start3A_21 = tpu.memref_slice %arg7[%mul3A_2, %dma_start3A] : memref<10240x16xf32, #tpu.memory_space<vmem_shared>> -> memref<640x16xf32, #tpu.memory_space<vmem_shared>>
      %dma_start3A_22 = arith.constant 0 : i32
      %dma_start3A_23 = tpu.memref_slice %arg7[%mul3A_2, %dma_start3A_22] : memref<10240x16xf32, #tpu.memory_space<vmem_shared>> -> memref<640x16xf32, #tpu.memory_space<vmem_shared>>
      tpu.enqueue_dma source(%arg6 : memref<640x16xf32, #tpu.memory_space<vmem>>) target(%dma_start3A_23 : memref<640x16xf32, #tpu.memory_space<vmem_shared>>) target_semaphore(%run_scoped3A : memref<!tpu.dma_semaphore, #tpu.memory_space<semaphore_mem>>)
      %dma_wait3A = arith.constant 0 : i32
      %dma_wait3A_24 = tpu.memref_slice %arg7[%mul3A_2, %dma_wait3A] : memref<10240x16xf32, #tpu.memory_space<vmem_shared>> -> memref<640x16xf32, #tpu.memory_space<vmem_shared>>
      %dma_wait3A_25 = arith.constant 0 : i32
      %dma_wait3A_26 = tpu.memref_slice %arg7[%mul3A_2, %dma_wait3A_25] : memref<10240x16xf32, #tpu.memory_space<vmem_shared>> -> memref<640x16xf32, #tpu.memory_space<vmem_shared>>
      tpu.wait_dma2 semaphore(%run_scoped3A : memref<!tpu.dma_semaphore, #tpu.memory_space<semaphore_mem>>) src(%arg6 : memref<640x16xf32, #tpu.memory_space<vmem>>) dst(%dma_wait3A_26 : memref<640x16xf32, #tpu.memory_space<vmem_shared>>)
      tpu.yield
    }) : () -> ()
    %barrier3A = arith.constant 0 : index
    tpu.barrier barrier_id(%barrier3A)
    "tpu.region"() ({
      %run_scoped3A = tpu.sem_alloc : memref<!tpu.dma_semaphore, #tpu.memory_space<semaphore_mem>>
      %dma_start3A = arith.constant 0 : i32
      %dma_start3A_21 = arith.constant 0 : i32
      %dma_start3A_22 = tpu.memref_slice %arg2[%add3A, %dma_start3A, %dma_start3A_21] : memref<32x80x128xi32, #tpu.memory_space<hbm>> -> memref<1x80x128xi32, #tpu.memory_space<hbm>>
      %dma_start3A_23 = tpu.memref_squeeze %dma_start3A_22 : memref<1x80x128xi32, #tpu.memory_space<hbm>> -> memref<80x128xi32, #tpu.memory_space<hbm>>
      %dma_start3A_24 = arith.constant 0 : i32
      %dma_start3A_25 = arith.constant 0 : i32
      %dma_start3A_26 = tpu.memref_slice %arg2[%add3A, %dma_start3A_24, %dma_start3A_25] : memref<32x80x128xi32, #tpu.memory_space<hbm>> -> memref<1x80x128xi32, #tpu.memory_space<hbm>>
      %dma_start3A_27 = tpu.memref_squeeze %dma_start3A_26 : memref<1x80x128xi32, #tpu.memory_space<hbm>> -> memref<80x128xi32, #tpu.memory_space<hbm>>
      tpu.enqueue_dma source(%dma_start3A_27 : memref<80x128xi32, #tpu.memory_space<hbm>>) target(%arg4 : memref<80x128xi32, #tpu.memory_space<vmem>>) target_semaphore(%run_scoped3A : memref<!tpu.dma_semaphore, #tpu.memory_space<semaphore_mem>>)
      %dma_wait3A = arith.constant 0 : i32
      %dma_wait3A_28 = arith.constant 0 : i32
      %dma_wait3A_29 = tpu.memref_slice %arg2[%add3A, %dma_wait3A, %dma_wait3A_28] : memref<32x80x128xi32, #tpu.memory_space<hbm>> -> memref<1x80x128xi32, #tpu.memory_space<hbm>>
      %dma_wait3A_30 = tpu.memref_squeeze %dma_wait3A_29 : memref<1x80x128xi32, #tpu.memory_space<hbm>> -> memref<80x128xi32, #tpu.memory_space<hbm>>
      %dma_wait3A_31 = arith.constant 0 : i32
      %dma_wait3A_32 = arith.constant 0 : i32
      %dma_wait3A_33 = tpu.memref_slice %arg2[%add3A, %dma_wait3A_31, %dma_wait3A_32] : memref<32x80x128xi32, #tpu.memory_space<hbm>> -> memref<1x80x128xi32, #tpu.memory_space<hbm>>
      %dma_wait3A_34 = tpu.memref_squeeze %dma_wait3A_33 : memref<1x80x128xi32, #tpu.memory_space<hbm>> -> memref<80x128xi32, #tpu.memory_space<hbm>>
      tpu.wait_dma2 semaphore(%run_scoped3A : memref<!tpu.dma_semaphore, #tpu.memory_space<semaphore_mem>>) src(%dma_wait3A_34 : memref<80x128xi32, #tpu.memory_space<hbm>>) dst(%arg4 : memref<80x128xi32, #tpu.memory_space<vmem>>)
      tpu.yield
    }) : () -> ()
    %scan3A_8 = arith.constant 0 : i32
    %scan3A_9 = arith.constant 0 : i32
    %scan3A_10 = arith.constant 128 : i32
    %scan3A_11 = arith.addi %scan3A_9, %scan3A_10 : i32
    %scan3A_12 = arith.constant 1 : i32
    scf.for %scan3A_21 = %scan3A_9 to %scan3A_11 step %scan3A_12  : i32 {
      %broadcast_in_dim3A = arith.constant 1.000000e+00 : f32
      %broadcast_in_dim3A_22 = vector.broadcast %broadcast_in_dim3A : f32 to vector<16xf32>
      %swap3A = arith.index_cast %scan3A_21 : i32 to index
      %swap3A_23 = arith.constant 0 : index
      %swap3A_24 = tpu.vector_load %arg5[%swap3A, %swap3A_23] {strides = array<i32>} : memref<128x16xf32, #tpu.memory_space<vmem>>, vector<16xf32>,
      tpu.vector_store %arg5[%swap3A, %swap3A_23], %broadcast_in_dim3A_22 {strides = array<i32>} : memref<128x16xf32, #tpu.memory_space<vmem>>, vector<16xf32>,
    }
    %scan3A_13 = arith.constant 128 : i32
    %scan3A_14 = arith.constant 0 : i32
    %scan3A_15 = arith.constant 0 : i32
    %scan3A_16 = arith.constant 80 : i32
    %scan3A_17 = arith.addi %scan3A_15, %scan3A_16 : i32
    %scan3A_18 = arith.constant 1 : i32
    scf.for %scan3A_21 = %scan3A_15 to %scan3A_17 step %scan3A_18  : i32 {
      "tpu.region"() ({
        %run_scoped3A = tpu.sem_alloc : memref<!tpu.dma_semaphore, #tpu.memory_space<semaphore_mem>>
        %dma_start3A = arith.constant 0 : i32
        %dma_start3A_22 = tpu.memref_slice %arg4[%scan3A_21, %dma_start3A] : memref<80x128xi32, #tpu.memory_space<vmem>> -> memref<1x128xi32, #tpu.memory_space<vmem>>
        %dma_start3A_23 = tpu.memref_squeeze %dma_start3A_22 : memref<1x128xi32, #tpu.memory_space<vmem>> -> memref<128xi32, #tpu.memory_space<vmem>>
        %dma_start3A_24 = arith.constant 0 : i32
        %dma_start3A_25 = arith.constant 0 : i32
        %dma_start3A_26 = tpu.memref_slice %arg7[%dma_start3A_24, %dma_start3A_25] : memref<10240x16xf32, #tpu.memory_space<vmem_shared>> -> memref<10240x16xf32, #tpu.memory_space<vmem_shared>>
        tpu.enqueue_indirect_dma source(%arg5 : memref<128x16xf32, #tpu.memory_space<vmem>>) target(%dma_start3A_26 : memref<10240x16xf32, #tpu.memory_space<vmem_shared>>) offsets(%dma_start3A_23 : memref<128xi32, #tpu.memory_space<vmem>>) semaphore(%run_scoped3A : memref<!tpu.dma_semaphore, #tpu.memory_space<semaphore_mem>>) {add = true}
        %dma_wait3A = arith.constant 0 : i32
        %dma_wait3A_27 = tpu.memref_slice %arg4[%scan3A_21, %dma_wait3A] : memref<80x128xi32, #tpu.memory_space<vmem>> -> memref<1x128xi32, #tpu.memory_space<vmem>>
        %dma_wait3A_28 = tpu.memref_squeeze %dma_wait3A_27 : memref<1x128xi32, #tpu.memory_space<vmem>> -> memref<128xi32, #tpu.memory_space<vmem>>
        %dma_wait3A_29 = arith.constant 0 : i32
        %dma_wait3A_30 = arith.constant 0 : i32
        %dma_wait3A_31 = tpu.memref_slice %arg7[%dma_wait3A_29, %dma_wait3A_30] : memref<10240x16xf32, #tpu.memory_space<vmem_shared>> -> memref<10240x16xf32, #tpu.memory_space<vmem_shared>>
        tpu.wait_indirect_dma semaphore(%run_scoped3A : memref<!tpu.dma_semaphore, #tpu.memory_space<semaphore_mem>>) src(%arg5 : memref<128x16xf32, #tpu.memory_space<vmem>>) dst(%dma_wait3A_31 : memref<10240x16xf32, #tpu.memory_space<vmem_shared>>)
        tpu.yield
      }) : () -> ()
    }
    %scan3A_19 = arith.constant 80 : i32
    %barrier3A_20 = arith.constant 0 : index
    tpu.barrier barrier_id(%barrier3A_20)
    "tpu.region"() ({
      %run_scoped3A = tpu.sem_alloc : memref<!tpu.dma_semaphore, #tpu.memory_space<semaphore_mem>>
      %dma_start3A = arith.constant 0 : i32
      %dma_start3A_21 = tpu.memref_slice %arg7[%mul3A_2, %dma_start3A] : memref<10240x16xf32, #tpu.memory_space<vmem_shared>> -> memref<640x16xf32, #tpu.memory_space<vmem_shared>>
      %dma_start3A_22 = arith.constant 0 : i32
      %dma_start3A_23 = tpu.memref_slice %arg7[%mul3A_2, %dma_start3A_22] : memref<10240x16xf32, #tpu.memory_space<vmem_shared>> -> memref<640x16xf32, #tpu.memory_space<vmem_shared>>
      tpu.enqueue_dma source(%dma_start3A_23 : memref<640x16xf32, #tpu.memory_space<vmem_shared>>) target(%arg6 : memref<640x16xf32, #tpu.memory_space<vmem>>) target_semaphore(%run_scoped3A : memref<!tpu.dma_semaphore, #tpu.memory_space<semaphore_mem>>)
      %dma_wait3A = arith.constant 0 : i32
      %dma_wait3A_24 = tpu.memref_slice %arg7[%mul3A_2, %dma_wait3A] : memref<10240x16xf32, #tpu.memory_space<vmem_shared>> -> memref<640x16xf32, #tpu.memory_space<vmem_shared>>
      %dma_wait3A_25 = arith.constant 0 : i32
      %dma_wait3A_26 = tpu.memref_slice %arg7[%mul3A_2, %dma_wait3A_25] : memref<10240x16xf32, #tpu.memory_space<vmem_shared>> -> memref<640x16xf32, #tpu.memory_space<vmem_shared>>
      tpu.wait_dma2 semaphore(%run_scoped3A : memref<!tpu.dma_semaphore, #tpu.memory_space<semaphore_mem>>) src(%dma_wait3A_26 : memref<640x16xf32, #tpu.memory_space<vmem_shared>>) dst(%arg6 : memref<640x16xf32, #tpu.memory_space<vmem>>)
      tpu.yield
    }) : () -> ()
    "tpu.region"() ({
      %run_scoped3A = tpu.sem_alloc : memref<!tpu.dma_semaphore, #tpu.memory_space<semaphore_mem>>
      %dma_start3A = arith.constant 0 : i32
      %dma_start3A_21 = tpu.memref_slice %arg3[%arg0, %mul3A_2, %dma_start3A] : memref<2x10240x16xf32, #tpu.memory_space<hbm>> -> memref<1x640x16xf32, #tpu.memory_space<hbm>>
      %dma_start3A_22 = tpu.memref_squeeze %dma_start3A_21 : memref<1x640x16xf32, #tpu.memory_space<hbm>> -> memref<640x16xf32, #tpu.memory_space<hbm>>
      %dma_start3A_23 = arith.constant 0 : i32
      %dma_start3A_24 = tpu.memref_slice %arg3[%arg0, %mul3A_2, %dma_start3A_23] : memref<2x10240x16xf32, #tpu.memory_space<hbm>> -> memref<1x640x16xf32, #tpu.memory_space<hbm>>
      %dma_start3A_25 = tpu.memref_squeeze %dma_start3A_24 : memref<1x640x16xf32, #tpu.memory_space<hbm>> -> memref<640x16xf32, #tpu.memory_space<hbm>>
      tpu.enqueue_dma source(%arg6 : memref<640x16xf32, #tpu.memory_space<vmem>>) target(%dma_start3A_25 : memref<640x16xf32, #tpu.memory_space<hbm>>) target_semaphore(%run_scoped3A : memref<!tpu.dma_semaphore, #tpu.memory_space<semaphore_mem>>)
      %dma_wait3A = arith.constant 0 : i32
      %dma_wait3A_26 = tpu.memref_slice %arg3[%arg0, %mul3A_2, %dma_wait3A] : memref<2x10240x16xf32, #tpu.memory_space<hbm>> -> memref<1x640x16xf32, #tpu.memory_space<hbm>>
      %dma_wait3A_27 = tpu.memref_squeeze %dma_wait3A_26 : memref<1x640x16xf32, #tpu.memory_space<hbm>> -> memref<640x16xf32, #tpu.memory_space<hbm>>
      %dma_wait3A_28 = arith.constant 0 : i32
      %dma_wait3A_29 = tpu.memref_slice %arg3[%arg0, %mul3A_2, %dma_wait3A_28] : memref<2x10240x16xf32, #tpu.memory_space<hbm>> -> memref<1x640x16xf32, #tpu.memory_space<hbm>>
      %dma_wait3A_30 = tpu.memref_squeeze %dma_wait3A_29 : memref<1x640x16xf32, #tpu.memory_space<hbm>> -> memref<640x16xf32, #tpu.memory_space<hbm>>
      tpu.wait_dma2 semaphore(%run_scoped3A : memref<!tpu.dma_semaphore, #tpu.memory_space<semaphore_mem>>) src(%arg6 : memref<640x16xf32, #tpu.memory_space<vmem>>) dst(%dma_wait3A_30 : memref<640x16xf32, #tpu.memory_space<hbm>>)
      tpu.yield
    }) : () -> ()
    return
  }
}

#map = affine_map<(d0, d1) -> (0, 0)>
#map1 = affine_map<(d0, d1) -> (0, 0, 0)>
#map2 = affine_map<(d0, d1) -> (0)>
module attributes {stable_mosaic.version = 14 : i64} {
  func.func @_sc_finalize(%arg0: i32, %arg1: i32, %arg2: memref<10240x16xf32, #tpu.memory_space<hbm>>, %arg3: memref<10240x16xf32, #tpu.memory_space<hbm>>, %arg4: memref<2x10240x16xf32, #tpu.memory_space<hbm>>, %arg5: memref<16xf32, #tpu.memory_space<hbm>>, %arg6: memref<10240x16xf32, #tpu.memory_space<hbm>>, %arg7: memref<10240x16xf32, #tpu.memory_space<hbm>>, %arg8: memref<320x16xf32, #tpu.memory_space<vmem>>, %arg9: memref<320x16xf32, #tpu.memory_space<vmem>>, %arg10: memref<320x16xf32, #tpu.memory_space<vmem>>, %arg11: memref<320x16xf32, #tpu.memory_space<vmem>>, %arg12: memref<320x16xf32, #tpu.memory_space<vmem>>, %arg13: memref<320x16xf32, #tpu.memory_space<vmem>>, %arg14: memref<16xf32, #tpu.memory_space<vmem>>) attributes {dimension_semantics = [#tpu.dimension_semantics<core_parallel>, #tpu.dimension_semantics<subcore_parallel>], iteration_bounds = array<i64: 2, 16>, scalar_prefetch = 0 : i64, scratch_operands = 7 : i64, tpu.core_type = #tpu.core_type<sc_vector_subcore>, window_params = [{transform_indices = #map}, {transform_indices = #map}, {transform_indices = #map1}, {transform_indices = #map2}, {transform_indices = #map}, {transform_indices = #map}]} {
    %mul3A = arith.constant 2 : i32
    %mul3A_0 = arith.muli %arg1, %mul3A : i32
    %add3A = arith.addi %mul3A_0, %arg0 : i32
    %mul3A_1 = arith.constant 320 : i32
    %mul3A_2 = arith.muli %add3A, %mul3A_1 : i32
    "tpu.region"() ({
      %run_scoped3A_9 = tpu.sem_alloc : memref<!tpu.dma_semaphore, #tpu.memory_space<semaphore_mem>>
      %dma_start3A = arith.constant 0 : i32
      %dma_start3A_10 = tpu.memref_slice %arg2[%mul3A_2, %dma_start3A] : memref<10240x16xf32, #tpu.memory_space<hbm>> -> memref<320x16xf32, #tpu.memory_space<hbm>>
      %dma_start3A_11 = arith.constant 0 : i32
      %dma_start3A_12 = tpu.memref_slice %arg2[%mul3A_2, %dma_start3A_11] : memref<10240x16xf32, #tpu.memory_space<hbm>> -> memref<320x16xf32, #tpu.memory_space<hbm>>
      tpu.enqueue_dma source(%dma_start3A_12 : memref<320x16xf32, #tpu.memory_space<hbm>>) target(%arg8 : memref<320x16xf32, #tpu.memory_space<vmem>>) target_semaphore(%run_scoped3A_9 : memref<!tpu.dma_semaphore, #tpu.memory_space<semaphore_mem>>)
      %dma_wait3A = arith.constant 0 : i32
      %dma_wait3A_13 = tpu.memref_slice %arg2[%mul3A_2, %dma_wait3A] : memref<10240x16xf32, #tpu.memory_space<hbm>> -> memref<320x16xf32, #tpu.memory_space<hbm>>
      %dma_wait3A_14 = arith.constant 0 : i32
      %dma_wait3A_15 = tpu.memref_slice %arg2[%mul3A_2, %dma_wait3A_14] : memref<10240x16xf32, #tpu.memory_space<hbm>> -> memref<320x16xf32, #tpu.memory_space<hbm>>
      tpu.wait_dma2 semaphore(%run_scoped3A_9 : memref<!tpu.dma_semaphore, #tpu.memory_space<semaphore_mem>>) src(%dma_wait3A_15 : memref<320x16xf32, #tpu.memory_space<hbm>>) dst(%arg8 : memref<320x16xf32, #tpu.memory_space<vmem>>)
      tpu.yield
    }) : () -> ()
    "tpu.region"() ({
      %run_scoped3A_9 = tpu.sem_alloc : memref<!tpu.dma_semaphore, #tpu.memory_space<semaphore_mem>>
      %dma_start3A = arith.constant 0 : i32
      %dma_start3A_10 = tpu.memref_slice %arg3[%mul3A_2, %dma_start3A] : memref<10240x16xf32, #tpu.memory_space<hbm>> -> memref<320x16xf32, #tpu.memory_space<hbm>>
      %dma_start3A_11 = arith.constant 0 : i32
      %dma_start3A_12 = tpu.memref_slice %arg3[%mul3A_2, %dma_start3A_11] : memref<10240x16xf32, #tpu.memory_space<hbm>> -> memref<320x16xf32, #tpu.memory_space<hbm>>
      tpu.enqueue_dma source(%dma_start3A_12 : memref<320x16xf32, #tpu.memory_space<hbm>>) target(%arg9 : memref<320x16xf32, #tpu.memory_space<vmem>>) target_semaphore(%run_scoped3A_9 : memref<!tpu.dma_semaphore, #tpu.memory_space<semaphore_mem>>)
      %dma_wait3A = arith.constant 0 : i32
      %dma_wait3A_13 = tpu.memref_slice %arg3[%mul3A_2, %dma_wait3A] : memref<10240x16xf32, #tpu.memory_space<hbm>> -> memref<320x16xf32, #tpu.memory_space<hbm>>
      %dma_wait3A_14 = arith.constant 0 : i32
      %dma_wait3A_15 = tpu.memref_slice %arg3[%mul3A_2, %dma_wait3A_14] : memref<10240x16xf32, #tpu.memory_space<hbm>> -> memref<320x16xf32, #tpu.memory_space<hbm>>
      tpu.wait_dma2 semaphore(%run_scoped3A_9 : memref<!tpu.dma_semaphore, #tpu.memory_space<semaphore_mem>>) src(%dma_wait3A_15 : memref<320x16xf32, #tpu.memory_space<hbm>>) dst(%arg9 : memref<320x16xf32, #tpu.memory_space<vmem>>)
      tpu.yield
    }) : () -> ()
    %run_scoped3A = arith.constant 0 : i32
    "tpu.region"() ({
      %run_scoped3A_9 = tpu.sem_alloc : memref<!tpu.dma_semaphore, #tpu.memory_space<semaphore_mem>>
      %dma_start3A = arith.constant 0 : i32
      %dma_start3A_10 = tpu.memref_slice %arg4[%run_scoped3A, %mul3A_2, %dma_start3A] : memref<2x10240x16xf32, #tpu.memory_space<hbm>> -> memref<1x320x16xf32, #tpu.memory_space<hbm>>
      %dma_start3A_11 = tpu.memref_squeeze %dma_start3A_10 : memref<1x320x16xf32, #tpu.memory_space<hbm>> -> memref<320x16xf32, #tpu.memory_space<hbm>>
      %dma_start3A_12 = arith.constant 0 : i32
      %dma_start3A_13 = tpu.memref_slice %arg4[%run_scoped3A, %mul3A_2, %dma_start3A_12] : memref<2x10240x16xf32, #tpu.memory_space<hbm>> -> memref<1x320x16xf32, #tpu.memory_space<hbm>>
      %dma_start3A_14 = tpu.memref_squeeze %dma_start3A_13 : memref<1x320x16xf32, #tpu.memory_space<hbm>> -> memref<320x16xf32, #tpu.memory_space<hbm>>
      tpu.enqueue_dma source(%dma_start3A_14 : memref<320x16xf32, #tpu.memory_space<hbm>>) target(%arg10 : memref<320x16xf32, #tpu.memory_space<vmem>>) target_semaphore(%run_scoped3A_9 : memref<!tpu.dma_semaphore, #tpu.memory_space<semaphore_mem>>)
      %dma_wait3A = arith.constant 0 : i32
      %dma_wait3A_15 = tpu.memref_slice %arg4[%run_scoped3A, %mul3A_2, %dma_wait3A] : memref<2x10240x16xf32, #tpu.memory_space<hbm>> -> memref<1x320x16xf32, #tpu.memory_space<hbm>>
      %dma_wait3A_16 = tpu.memref_squeeze %dma_wait3A_15 : memref<1x320x16xf32, #tpu.memory_space<hbm>> -> memref<320x16xf32, #tpu.memory_space<hbm>>
      %dma_wait3A_17 = arith.constant 0 : i32
      %dma_wait3A_18 = tpu.memref_slice %arg4[%run_scoped3A, %mul3A_2, %dma_wait3A_17] : memref<2x10240x16xf32, #tpu.memory_space<hbm>> -> memref<1x320x16xf32, #tpu.memory_space<hbm>>
      %dma_wait3A_19 = tpu.memref_squeeze %dma_wait3A_18 : memref<1x320x16xf32, #tpu.memory_space<hbm>> -> memref<320x16xf32, #tpu.memory_space<hbm>>
      tpu.wait_dma2 semaphore(%run_scoped3A_9 : memref<!tpu.dma_semaphore, #tpu.memory_space<semaphore_mem>>) src(%dma_wait3A_19 : memref<320x16xf32, #tpu.memory_space<hbm>>) dst(%arg10 : memref<320x16xf32, #tpu.memory_space<vmem>>)
      tpu.yield
    }) : () -> ()
    %run_scoped3A_3 = arith.constant 1 : i32
    "tpu.region"() ({
      %run_scoped3A_9 = tpu.sem_alloc : memref<!tpu.dma_semaphore, #tpu.memory_space<semaphore_mem>>
      %dma_start3A = arith.constant 0 : i32
      %dma_start3A_10 = tpu.memref_slice %arg4[%run_scoped3A_3, %mul3A_2, %dma_start3A] : memref<2x10240x16xf32, #tpu.memory_space<hbm>> -> memref<1x320x16xf32, #tpu.memory_space<hbm>>
      %dma_start3A_11 = tpu.memref_squeeze %dma_start3A_10 : memref<1x320x16xf32, #tpu.memory_space<hbm>> -> memref<320x16xf32, #tpu.memory_space<hbm>>
      %dma_start3A_12 = arith.constant 0 : i32
      %dma_start3A_13 = tpu.memref_slice %arg4[%run_scoped3A_3, %mul3A_2, %dma_start3A_12] : memref<2x10240x16xf32, #tpu.memory_space<hbm>> -> memref<1x320x16xf32, #tpu.memory_space<hbm>>
      %dma_start3A_14 = tpu.memref_squeeze %dma_start3A_13 : memref<1x320x16xf32, #tpu.memory_space<hbm>> -> memref<320x16xf32, #tpu.memory_space<hbm>>
      tpu.enqueue_dma source(%dma_start3A_14 : memref<320x16xf32, #tpu.memory_space<hbm>>) target(%arg11 : memref<320x16xf32, #tpu.memory_space<vmem>>) target_semaphore(%run_scoped3A_9 : memref<!tpu.dma_semaphore, #tpu.memory_space<semaphore_mem>>)
      %dma_wait3A = arith.constant 0 : i32
      %dma_wait3A_15 = tpu.memref_slice %arg4[%run_scoped3A_3, %mul3A_2, %dma_wait3A] : memref<2x10240x16xf32, #tpu.memory_space<hbm>> -> memref<1x320x16xf32, #tpu.memory_space<hbm>>
      %dma_wait3A_16 = tpu.memref_squeeze %dma_wait3A_15 : memref<1x320x16xf32, #tpu.memory_space<hbm>> -> memref<320x16xf32, #tpu.memory_space<hbm>>
      %dma_wait3A_17 = arith.constant 0 : i32
      %dma_wait3A_18 = tpu.memref_slice %arg4[%run_scoped3A_3, %mul3A_2, %dma_wait3A_17] : memref<2x10240x16xf32, #tpu.memory_space<hbm>> -> memref<1x320x16xf32, #tpu.memory_space<hbm>>
      %dma_wait3A_19 = tpu.memref_squeeze %dma_wait3A_18 : memref<1x320x16xf32, #tpu.memory_space<hbm>> -> memref<320x16xf32, #tpu.memory_space<hbm>>
      tpu.wait_dma2 semaphore(%run_scoped3A_9 : memref<!tpu.dma_semaphore, #tpu.memory_space<semaphore_mem>>) src(%dma_wait3A_19 : memref<320x16xf32, #tpu.memory_space<hbm>>) dst(%arg11 : memref<320x16xf32, #tpu.memory_space<vmem>>)
      tpu.yield
    }) : () -> ()
    "tpu.region"() ({
      %run_scoped3A_9 = tpu.sem_alloc : memref<!tpu.dma_semaphore, #tpu.memory_space<semaphore_mem>>
      tpu.enqueue_dma source(%arg5 : memref<16xf32, #tpu.memory_space<hbm>>) target(%arg14 : memref<16xf32, #tpu.memory_space<vmem>>) target_semaphore(%run_scoped3A_9 : memref<!tpu.dma_semaphore, #tpu.memory_space<semaphore_mem>>)
      tpu.wait_dma2 semaphore(%run_scoped3A_9 : memref<!tpu.dma_semaphore, #tpu.memory_space<semaphore_mem>>) src(%arg5 : memref<16xf32, #tpu.memory_space<hbm>>) dst(%arg14 : memref<16xf32, #tpu.memory_space<vmem>>)
      tpu.yield
    }) : () -> ()
    %scan3A = arith.constant 0 : i32
    %scan3A_4 = arith.constant 0 : i32
    %scan3A_5 = arith.constant 320 : i32
    %scan3A_6 = arith.addi %scan3A_4, %scan3A_5 : i32
    %scan3A_7 = arith.constant 1 : i32
    scf.for %scan3A_9 = %scan3A_4 to %scan3A_6 step %scan3A_7  : i32 {
      %get3A = arith.index_cast %scan3A_9 : i32 to index
      %get3A_10 = arith.constant 0 : index
      %get3A_11 = tpu.vector_load %arg9[%get3A, %get3A_10] {strides = array<i32>} : memref<320x16xf32, #tpu.memory_space<vmem>>, vector<16xf32>,
      %get3A_12 = arith.index_cast %scan3A_9 : i32 to index
      %get3A_13 = arith.constant 0 : index
      %get3A_14 = tpu.vector_load %arg10[%get3A_12, %get3A_13] {strides = array<i32>} : memref<320x16xf32, #tpu.memory_space<vmem>>, vector<16xf32>,
      %get3A_15 = arith.index_cast %scan3A_9 : i32 to index
      %get3A_16 = arith.constant 0 : index
      %get3A_17 = tpu.vector_load %arg11[%get3A_15, %get3A_16] {strides = array<i32>} : memref<320x16xf32, #tpu.memory_space<vmem>>, vector<16xf32>,
      %add3A_18 = arith.addf %get3A_14, %get3A_17 : vector<16xf32>
      %get3A_19 = arith.index_cast %scan3A_9 : i32 to index
      %get3A_20 = arith.constant 0 : index
      %get3A_21 = tpu.vector_load %arg8[%get3A_19, %get3A_20] {strides = array<i32>} : memref<320x16xf32, #tpu.memory_space<vmem>>, vector<16xf32>,
      %add3A_22 = arith.addf %add3A_18, %get3A_21 : vector<16xf32>
      %mul3A_23 = arith.mulf %get3A_11, %add3A_22 : vector<16xf32>
      %get3A_24 = arith.constant 0 : index
      %get3A_25 = tpu.vector_load %arg14[%get3A_24] {strides = array<i32>} : memref<16xf32, #tpu.memory_space<vmem>>, vector<16xf32>,
      %add3A_26 = arith.addf %mul3A_23, %get3A_25 : vector<16xf32>
      %swap3A = arith.index_cast %scan3A_9 : i32 to index
      %swap3A_27 = arith.constant 0 : index
      %swap3A_28 = tpu.vector_load %arg12[%swap3A, %swap3A_27] {strides = array<i32>} : memref<320x16xf32, #tpu.memory_space<vmem>>, vector<16xf32>,
      tpu.vector_store %arg12[%swap3A, %swap3A_27], %add3A_26 {strides = array<i32>} : memref<320x16xf32, #tpu.memory_space<vmem>>, vector<16xf32>,
      %reduce_max3A = arith.constant true
      %reduce_max3A_29 = vector.broadcast %reduce_max3A : i1 to vector<16xi1>
      %reduce_max3A_30 = tpu.scan <max>, %add3A_26 masked %reduce_max3A_29 : vector<16xf32>, vector<16xi1> -> vector<16xf32>
      %reduce_max3A_31 = vector.extract %reduce_max3A_30[15] : f32 from vector<16xf32>
      %sub3A = vector.broadcast %reduce_max3A_31 : f32 to vector<16xf32>
      %sub3A_32 = arith.subf %add3A_26, %sub3A : vector<16xf32>
      %exp3A = math.exp %sub3A_32 : vector<16xf32>
      %reduce_sum3A = arith.constant true
      %reduce_sum3A_33 = vector.broadcast %reduce_sum3A : i1 to vector<16xi1>
      %reduce_sum3A_34 = tpu.scan <sum>, %exp3A masked %reduce_sum3A_33 : vector<16xf32>, vector<16xi1> -> vector<16xf32>
      %reduce_sum3A_35 = vector.extract %reduce_sum3A_34[15] : f32 from vector<16xf32>
      %div3A = vector.broadcast %reduce_sum3A_35 : f32 to vector<16xf32>
      %div3A_36 = arith.divf %exp3A, %div3A : vector<16xf32>
      %swap3A_37 = arith.index_cast %scan3A_9 : i32 to index
      %swap3A_38 = arith.constant 0 : index
      %swap3A_39 = tpu.vector_load %arg13[%swap3A_37, %swap3A_38] {strides = array<i32>} : memref<320x16xf32, #tpu.memory_space<vmem>>, vector<16xf32>,
      tpu.vector_store %arg13[%swap3A_37, %swap3A_38], %div3A_36 {strides = array<i32>} : memref<320x16xf32, #tpu.memory_space<vmem>>, vector<16xf32>,
    }
    %scan3A_8 = arith.constant 320 : i32
    "tpu.region"() ({
      %run_scoped3A_9 = tpu.sem_alloc : memref<!tpu.dma_semaphore, #tpu.memory_space<semaphore_mem>>
      %dma_start3A = arith.constant 0 : i32
      %dma_start3A_10 = tpu.memref_slice %arg6[%mul3A_2, %dma_start3A] : memref<10240x16xf32, #tpu.memory_space<hbm>> -> memref<320x16xf32, #tpu.memory_space<hbm>>
      %dma_start3A_11 = arith.constant 0 : i32
      %dma_start3A_12 = tpu.memref_slice %arg6[%mul3A_2, %dma_start3A_11] : memref<10240x16xf32, #tpu.memory_space<hbm>> -> memref<320x16xf32, #tpu.memory_space<hbm>>
      tpu.enqueue_dma source(%arg12 : memref<320x16xf32, #tpu.memory_space<vmem>>) target(%dma_start3A_12 : memref<320x16xf32, #tpu.memory_space<hbm>>) target_semaphore(%run_scoped3A_9 : memref<!tpu.dma_semaphore, #tpu.memory_space<semaphore_mem>>)
      %dma_wait3A = arith.constant 0 : i32
      %dma_wait3A_13 = tpu.memref_slice %arg6[%mul3A_2, %dma_wait3A] : memref<10240x16xf32, #tpu.memory_space<hbm>> -> memref<320x16xf32, #tpu.memory_space<hbm>>
      %dma_wait3A_14 = arith.constant 0 : i32
      %dma_wait3A_15 = tpu.memref_slice %arg6[%mul3A_2, %dma_wait3A_14] : memref<10240x16xf32, #tpu.memory_space<hbm>> -> memref<320x16xf32, #tpu.memory_space<hbm>>
      tpu.wait_dma2 semaphore(%run_scoped3A_9 : memref<!tpu.dma_semaphore, #tpu.memory_space<semaphore_mem>>) src(%arg12 : memref<320x16xf32, #tpu.memory_space<vmem>>) dst(%dma_wait3A_15 : memref<320x16xf32, #tpu.memory_space<hbm>>)
      tpu.yield
    }) : () -> ()
    "tpu.region"() ({
      %run_scoped3A_9 = tpu.sem_alloc : memref<!tpu.dma_semaphore, #tpu.memory_space<semaphore_mem>>
      %dma_start3A = arith.constant 0 : i32
      %dma_start3A_10 = tpu.memref_slice %arg7[%mul3A_2, %dma_start3A] : memref<10240x16xf32, #tpu.memory_space<hbm>> -> memref<320x16xf32, #tpu.memory_space<hbm>>
      %dma_start3A_11 = arith.constant 0 : i32
      %dma_start3A_12 = tpu.memref_slice %arg7[%mul3A_2, %dma_start3A_11] : memref<10240x16xf32, #tpu.memory_space<hbm>> -> memref<320x16xf32, #tpu.memory_space<hbm>>
      tpu.enqueue_dma source(%arg13 : memref<320x16xf32, #tpu.memory_space<vmem>>) target(%dma_start3A_12 : memref<320x16xf32, #tpu.memory_space<hbm>>) target_semaphore(%run_scoped3A_9 : memref<!tpu.dma_semaphore, #tpu.memory_space<semaphore_mem>>)
      %dma_wait3A = arith.constant 0 : i32
      %dma_wait3A_13 = tpu.memref_slice %arg7[%mul3A_2, %dma_wait3A] : memref<10240x16xf32, #tpu.memory_space<hbm>> -> memref<320x16xf32, #tpu.memory_space<hbm>>
      %dma_wait3A_14 = arith.constant 0 : i32
      %dma_wait3A_15 = tpu.memref_slice %arg7[%mul3A_2, %dma_wait3A_14] : memref<10240x16xf32, #tpu.memory_space<hbm>> -> memref<320x16xf32, #tpu.memory_space<hbm>>
      tpu.wait_dma2 semaphore(%run_scoped3A_9 : memref<!tpu.dma_semaphore, #tpu.memory_space<semaphore_mem>>) src(%arg13 : memref<320x16xf32, #tpu.memory_space<vmem>>) dst(%dma_wait3A_15 : memref<320x16xf32, #tpu.memory_space<hbm>>)
      tpu.yield
    }) : () -> ()
    return
  }
}

module attributes {stable_mosaic.version = 14 : i64} {
  func.func @_k1a_body(%arg0: memref<10000x128xf32, #tpu.memory_space<vmem>>, %arg1: memref<128x16xf32, #tpu.memory_space<vmem>>, %arg2: memref<10240x16xf32, #tpu.memory_space<vmem>>) attributes {dimension_semantics = [], scalar_prefetch = 0 : i64, scratch_operands = 0 : i64, tpu.core_type = #tpu.core_type<tc>} {
    %get3A = arith.constant 0 : index
    %get3A_0 = arith.constant 0 : index
    %get3A_1 = vector.load %arg0[%get3A, %get3A_0] : memref<10000x128xf32, #tpu.memory_space<vmem>>, vector<10000x128xf32>
    %get3A_2 = arith.constant 0 : index
    %get3A_3 = arith.constant 0 : index
    %get3A_4 = vector.load %arg1[%get3A_2, %get3A_3] : memref<128x16xf32, #tpu.memory_space<vmem>>, vector<128x16xf32>
    %dot_general3A = arith.constant dense<0.000000e+00> : vector<10000x16xf32>
    %dot_general3A_5 = tpu.matmul %get3A_1, %get3A_4, %dot_general3A {dimension_numbers = #tpu.dot_dimension_numbers<[1], [0], [0], [1], [0, 0, 1, 1], [], []>, transpose_lhs_hint = false} : vector<10000x128xf32>, vector<128x16xf32>, vector<10000x16xf32> -> vector<10000x16xf32>
    %swap3A = arith.constant 0 : index
    %swap3A_6 = arith.constant 0 : index
    %swap3A_7 = vector.load %arg2[%swap3A, %swap3A_6] : memref<10240x16xf32, #tpu.memory_space<vmem>>, vector<10000x16xf32>
    tpu.vector_store %arg2[%swap3A, %swap3A_6], %dot_general3A_5 {strides = array<i32>} : memref<10240x16xf32, #tpu.memory_space<vmem>>, vector<10000x16xf32>,
    %broadcast_in_dim3A = arith.constant 0.000000e+00 : f32
    %broadcast_in_dim3A_8 = vector.broadcast %broadcast_in_dim3A : f32 to vector<240x16xf32>
    %swap3A_9 = arith.constant 10000 : index
    %swap3A_10 = arith.constant 0 : index
    %swap3A_11 = vector.load %arg2[%swap3A_9, %swap3A_10] : memref<10240x16xf32, #tpu.memory_space<vmem>>, vector<240x16xf32>
    tpu.vector_store %arg2[%swap3A_9, %swap3A_10], %broadcast_in_dim3A_8 {strides = array<i32>} : memref<10240x16xf32, #tpu.memory_space<vmem>>, vector<240x16xf32>,
    return
  }
}

</mosaic_0001>

<sc_bundles>
// kernel: kernel.10.cloned.1.call-start
scs
__scs_entry_jumppad:
0x0: {  	(pc) =	sbr.rel $0x88, $3  }
0x1: {  	(tag) =	ssettag $0x0;
	lr =	simm.s32 $0x1  }
0x2: {  	[smem:$0x3F9B] =	sst lr;
	_ =	strace $0xD0000000  }
0x3: {  	_ = 	snop  }
0x4: {  	_ = 	snop  }
0x5: {  	_ = 	snop  }
0x6: {  	_ = 	snop  }
0x7: {  	_ = 	snop  }
__scs_overlays_trampoline_lowered:
0x8: {  	[smem:$0x3FAA] =	sst s0  }
0x9: {  	[smem:$0x3FAB] =	sst s1  }
0xa: {  	[smem:$0x3FAC] =	sst s2  }
0xb: {  	[smem:$0x3FAD] =	sst s3  }
0xc: {  	[smem:$0x3FAE] =	sst s4  }
0xd: {  	[smem:$0x3FAF] =	sst s5  }
0xe: {  	[smem:$0x3FB0] =	sst s6  }
0xf: {  	[smem:$0x3FB1] =	sst s7  }
0x10: {  	[smem:$0x3FB2] =	sst s8  }
0x11: {  	[smem:$0x3FB3] =	sst s9;
	s0 =	simm.s32 @!p0 $0x0  }
0x12: {  	s1 =	sld [smem:$0x3F99];
	s0 =	simm.s32 @p0 $0x1  }
0x13: {  	[smem:$0x3FB4] =	sst s0;
	s0 =	simm.s32 @!p1 $0x0  }
0x14: {  	s2 =	sld [smem:$0x3F98];
	s0 =	simm.s32 @p1 $0x1  }
0x15: {  	[smem:$0x3FB5] =	sst s0;
	s0 =	simm.s32 @!p2 $0x0  }
0x16: {  	s3 =	sld [smem:$0x3FDB];
	s0 =	simm.s32 @p2 $0x1  }
0x17: {  	s4 =	simm.s32 $0x1BF5;
	[smem:$0x3FB7] =	sst s0  }
0x18: {  	s0 =	sld [smem:$0x3F9A];
	_ =	swait.ge [sflag:s4], $0x0  }
0x19: {  	s7 =	sld [smem:$0x3F9B]  }
0x1a: {  	s8 =	sadd.s32 $0xFFFFE003, lr  }
0x1b: {  	s9 =	sadd.s32 $0xFFFFFEF7, lr;
	s5 =	simm.s32 $0xFFFFFFFF;
	p2 =	slt.u32 s8, $0xFFFFF086  }
0x1c: {  	p1 =	slt.u32 s9, $0xF7A;
	s5 =	simm.s32 @!p2 $0x0  }
0x1d: {  	s5 =	simm.s32 @p1 $0x1;
	p0 =	seq.s32 s7, s2  }
0x1e: {  	s7 =	smul.u32 @!p0 $0xF7A, s2;
	p2 =	seq.s32 @!p0 s5, $0x0  }
0x1f: {  	s9 =	smul.u32 $0xF7A, s1;
	s8 =	simm.s32 @!p0 $0x1BF5;
	p2 =	por !p2, p0  }
0x20: {  	[sflag:s8] =	ssyncset.s32 @!p0 $0xFFFFF086;
	s6 =	sadd.s32 @!p0 s3, s7;
	s7 =	simm.s32 @!p0 $0x108  }
0x21: {  	s3 =	sadd.s32 s3, s9;
	s6 =	sadd.s32 @!p0 $0x88, s6;
	s7 =	simm.s32 @p2 $0x1082  }
0x22: {  	[simem:s7], [sflag:s8] =	dma.local @!p0 [hbm:s6], $0xF7A  }
0x23: {  	s9 =	sor.u32 $0xD0000000, s2;
	s6 =	simm.s32 $0x108;
	_ =	swait.ge @!p0 [sflag:s8], $0x0  }
0x24: {  	s3 =	sadd.s32 $0x88, s3;
	s6 =	simm.s32 @!p1 $0x1082;
	[sflag:s4] =	ssyncset.s32 $0xFFFFF086  }
0x25: {  	[simem:s6], [sflag:s4] =	dma.local [hbm:s3], $0xF7A  }
0x26: {  	[smem:$0x3F9B] =	sst s1;
	(tag) =	ssettag s2;
	_ =	strace s9  }
0x27: {  	s1 =	sld [smem:$0x3FAB]  }
0x28: {  	s2 =	sld [smem:$0x3FAC]  }
0x29: {  	s4 =	sld [smem:$0x3FAE]  }
0x2a: {  	p0 =	seq.s32 s5, $0x0;
	s5 =	sld [smem:$0x3FAF]  }
0x2b: {  	s6 =	sld [smem:$0x3FB0]  }
0x2c: {  	s7 =	sld [smem:$0x3FB1]  }
0x2d: {  	s3 =	simm.s32 $0x108;
	s8 =	sld [smem:$0x3FB2]  }
0x2e: {  	s3 =	simm.s32 @!p0 $0x1082;
	s9 =	sld [smem:$0x3FB3]  }
0x2f: {  	lr =	sadd.s32 s0, s3;
	s0 =	sld [smem:$0x3FAA]  }
0x30: {  	s3 =	sld [smem:$0x3FAD]  }
0x31: {  	[smem:$0x3FB6] =	sst s10  }
0x32: {  	s10 =	sld [smem:$0x3FB4];
	_ =	sdelay $0x3  }
0x33: {  	p0 =	seq.s32 s10, $0x1;
	s10 =	sld [smem:$0x3FB6];
	_ =	sdelay $0x3  }
0x34: {  	[smem:$0x3FB6] =	sst s10  }
0x35: {  	s10 =	sld [smem:$0x3FB5];
	_ =	sdelay $0x3  }
0x36: {  	p1 =	seq.s32 s10, $0x1;
	s10 =	sld [smem:$0x3FB6];
	_ =	sdelay $0x3  }
0x37: {  	[smem:$0x3FB6] =	sst s10  }
0x38: {  	s10 =	sld [smem:$0x3FB7]  }
0x39: {  	_ = 	snop;
	(pc) =	sbr.ind lr, $3  }
0x3a: {  	_ = 	snop  }
0x3b: {  	_ = 	snop  }
0x3c: {  	p2 =	seq.s32 s10, $0x1;
	s10 =	sld [smem:$0x3FB6]  }
0x3d: {  	_ =	shalt  }
0x3e: {  	_ =	shalt  }
0x3f: {  	_ =	shalt  }
0x40: {  	_ =	shalt  }
0x41: {  	_ =	shalt  }
0x42: {  	_ =	shalt  }
0x43: {  	_ =	shalt  }
0x44: {  	_ =	shalt  }
0x45: {  	_ =	shalt  }
0x46: {  	_ =	shalt  }
0x47: {  	_ =	shalt  }
0x48: {  	_ =	shalt  }
0x49: {  	_ =	shalt  }
0x4a: {  	_ =	shalt  }
0x4b: {  	_ =	shalt  }
0x4c: {  	_ =	shalt  }
0x4d: {  	_ =	shalt  }
0x4e: {  	_ =	shalt  }
0x4f: {  	_ =	shalt  }
0x50: {  	_ =	shalt  }
0x51: {  	_ =	shalt  }
0x52: {  	_ =	shalt  }
0x53: {  	_ =	shalt  }
0x54: {  	_ =	shalt  }
0x55: {  	_ =	shalt  }
0x56: {  	_ =	shalt  }
0x57: {  	_ =	shalt  }
0x58: {  	_ =	shalt  }
0x59: {  	_ =	shalt  }
0x5a: {  	_ =	shalt  }
0x5b: {  	_ =	shalt  }
0x5c: {  	_ =	shalt  }
0x5d: {  	_ =	shalt  }
0x5e: {  	_ =	shalt  }
0x5f: {  	_ =	shalt  }
0x60: {  	_ =	shalt  }
0x61: {  	_ =	shalt  }
0x62: {  	_ =	shalt  }
0x63: {  	_ =	shalt  }
0x64: {  	_ =	shalt  }
0x65: {  	_ =	shalt  }
0x66: {  	_ =	shalt  }
0x67: {  	_ =	shalt  }
0x68: {  	_ =	shalt  }
0x69: {  	_ =	shalt  }
0x6a: {  	_ =	shalt  }
0x6b: {  	_ =	shalt  }
0x6c: {  	_ =	shalt  }
0x6d: {  	_ =	shalt  }
0x6e: {  	_ =	shalt  }
0x6f: {  	_ =	shalt  }
0x70: {  	_ =	shalt  }
0x71: {  	_ =	shalt  }
0x72: {  	_ =	shalt  }
0x73: {  	_ =	shalt  }
0x74: {  	_ =	shalt  }
0x75: {  	_ =	shalt  }
0x76: {  	_ =	shalt  }
0x77: {  	_ =	shalt  }
0x78: {  	_ =	shalt  }
0x79: {  	_ =	shalt  }
0x7a: {  	_ =	shalt  }
0x7b: {  	_ =	shalt  }
0x7c: {  	_ =	shalt  }
0x7d: {  	_ =	shalt  }
0x7e: {  	_ =	shalt  }
0x7f: {  	_ =	shalt  }
0x80: {  	_ =	shalt  }
0x81: {  	_ =	shalt  }
0x82: {  	_ =	shalt  }
0x83: {  	_ =	shalt  }
0x84: {  	_ =	shalt  }
0x85: {  	_ =	shalt  }
0x86: {  	_ =	shalt  }
0x87: {  	_ =	shalt  }
.Lfunc_end0:
.L_simem_size_0:
called_computation.1_lowered:
.L_overlay_start_0:
0x88: {  	s2 =	sld [smem:$0x3FD9]  }
0x89: {  	s3 =	sld [smem:$0x3FFE];
	_ =	sdelay $0x1  }
0x8a: {  	s1 =	srdreg.scid  }
0x8b: {  	s0 =	sand.u32 $0x1, s1  }
0x8c: {  	s16 =	sshll.u32 s0, $0xA;
	s2 =	sadd.s32 s3, s2  }
0x8d: {  	s2 =	sadd.s32 s2, s16  }
0x8e: {  	[smem:$0x3FC2] =	sst s2  }
0x8f: {  	_ = 	snop  }
0x90: {  	(tm) =	ssettm $0x1  }
0x91: {  	s17 =	sld [smem:$0x3FFB];
	_ =	sdelay $0x3  }
0x92: {  	_ =	strace s17  }
0x93: {  	s2 =	sld [smem:$0x3FFC];
	_ =	sdelay $0x3  }
0x94: {  	_ =	strace s2  }
0x95: {  	s2 =	sld [smem:$0x3FFD];
	_ =	sdelay $0x3  }
0x96: {  	_ =	strace s2  }
0x97: {  	_ =	strace $0x8FFFFFFF  }
0x98: {  	s18 =	sld [smem:$0x3FDB];
	_ =	sdelay $0x1  }
0x99: {  	s19 =	simm.s32 $_scs_section_size  }
0x9a: {  	s4 =	simm.s32 $_size__tile_overlayer_lowered;
	s5 =	simm.s32 $_tile_overlayer_lowered  }
0x9b: {  	s22 =	simm.s32 $0x1BFF;
	s21 =	sshll.u32 s5, $0x1;
	s2 =	sadd.s32 s19, s18  }
0x9c: {  	s6 =	simm.s32 $0x0;
	s20 =	sshll.u32 s4, $0x1;
	s4 =	sadd.s32 s21, s2  }
0x9d: {  	[timem:s6], [sflag:s22] =	dma.local [hbm:s4], s20  }
0x9e: {  	_ =	swait.ge [sflag:s22], s20  }
0x9f: {  	s3 =	ssub.s32 $0x0, s20;
	[sflag:s22] =	ssyncset.done $0x0  }
0xa0: {  	[sflag:s22] =	ssyncadd.s32 s3;
	_ =	sdelay $0x1  }
0xa1: {  	s23 =	simm.s32 $0x1B8B  }
0xa2: {  	_ =	swait.ge [sflag:s23], $0x1  }
0xa3: {  	[sflag:s23] =	ssyncset.done $0x0  }
0xa4: {  	s25 =	simm.s32 $0x1B8E;
	s24 =	sld [smem:$0x3FFE];
	[sflag:s23] =	ssyncadd.s32 $0xFFFFFFFF  }
0xa5: {  	s26 =	simm.s32 $execute0_lowered;
	[smem:$0x3FD2] =	sst s25  }
0xa6: {  	s4 =	sshll.u32 s26, $0x1;
	_ =	strace $0x80000049;
	[dreg:$0x1] =	wrdreg $0xFFFFFFFF  }
0xa7: {  	s28 =	simm.s32 $_size_execute0_lowered;
	s2 =	sadd.s32 s2, s4;
	[dreg:$0x0] =	wrdreg $0x0  }
0xa8: {  	s4 =	sshll.u32 s28, $0x1;
	[dreg:$0x2] =	wrdreg s2  }
0xa9: {  	[dreg:$0x3] =	wrdreg s4  }
0xaa: {  	[dreg:$0x4] =	wrdreg $0xC0  }
0xab: {  	_ =	task [dreg:s6], $0x5FFFF  }
0xac: {  	[dreg:$0x1] =	wrdreg $0xFFFFFFFF  }
0xad: {  	[dreg:$0x0] =	wrdreg $0x60  }
0xae: {  	[dreg:$0x2] =	wrdreg s24  }
0xaf: {  	[dreg:$0x3] =	wrdreg $0x128000  }
0xb0: {  	[dreg:$0x4] =	wrdreg $0x150000  }
0xb1: {  	[dreg:$0x5] =	wrdreg $0x9  }
0xb2: {  	_ =	task.clear_ibuf [dreg:s6], $0x6FFFF;
	_ =	strace $0x90000049  }
0xb3: {  	s29 =	simm.s32 $0x9;
	_ =	strace $0x8000004B  }
0xb4: {  	_ =	swait.ge [sflag:s29], $0x1  }
0xb5: {  	[sflag:s29] =	ssyncadd.s32 $0xFFFFFFFF  }
0xb6: {  	_ =	strace $0x9000004B  }
0xb7: {  	_ =	sfence  }
0xb8: {  	s30 =	sld [smem:$0x0];
	_ =	sdelay $0x2  }
0xb9: {  	s31 =	sshll.u32 s1, $0xD;
	s1 =	sshrl.u32 s1, $0x2  }
0xba: {  	s3 =	sand.u32 $0x4000, s31;
	s1 =	sadd.s32 s1, s30  }
0xbb: {  	s0 =	sor.u32 s3, s0;
	s1 =	sshll.u32 s1, $0x11  }
0xbc: {  	s0 =	sor.u32 s1, s0  }
0xbd: {  	s0 =	sadd.s32 $0x8F2B, s0  }
0xbe: {  	[sflag:s0] =	ssyncadd.remote.s32 $0x1  }
0xbf: {  	_ =	sfence.sel $0xFFFF  }
0xc0: {  	[dreg:$0x0] =	wrdreg $0xFFFFFFFF;
	(pc) =	sbr.abs _section_cstart, $3  }
0xc1: {  	[dreg:$0x1] =	wrdreg $0xFFFFFFFF  }
0xc2: {  	_ =	task.clear_ibuf [dreg:s6], $0x2FFFF;
	_ =	strace $0x9FFFFFFF  }
0xc3: {  	(tm) =	ssettm $0x7FFFFFFF  }
tec
execute0_lowered:
.L_overlay_start_1:
0x0: {  	(tag) =	ssettag $0x1  }
0x1: {  	s0 =	srdreg.scid;
	s1 =	rddreg [dreg:$0x0]  }
0x2: {  	s5 =	stileid.u32;
	s2 =	rddreg [dreg:$0x1]  }
0x3: {  	s6 =	simm.s32 $0x0;
	s16 =	simm.s32 $0x6000;
	s17 =	simm.s32 $0x3  }
0x4: {  	s19 =	simm.s32 $0xB000;
	s20 =	simm.s32 $0xD800;
	s21 =	simm.s32 $0x10000  }
0x5: {  	s22 =	simm.s32 $0x2800;
	s23 =	simm.s32 $0x80;
	s24 =	simm.s32 $0x5000  }
0x6: {  	s28 =	simm.s32 $0x2;
	s29 =	simm.s32 $0x4F00;
	s30 =	simm.s32 $0x4F80  }
0x7: {  	s31 =	simm.s32 $0x0;
	s0 =	sand.u32 $0x1, s0;
	s3 =	sshll.u32 s5, $0x1  }
0x8: {  	s9 =	smul.u32 $0x2800, s5;
	[smem:$0x7FF] =	sst s6;
	s4 =	sor.u32 s0, s3  }
0x9: {  	s3 =	rddreg [dreg:$0x2];
	s25 =	smul.u32 $0x28000, s0;
	_ =	strace $0x8000004A  }
0xa: {  	s26 =	ssub.s32 $0x2, s0;
	p0 =	sne.s32 s0, $0x0;
	s4 =	smul.u32 $0x500, s4  }
0xb: {  	s7 =	sshrl.u32 s9, $0x3;
	s8 =	sshrl.u32 s26, $0x1;
	s5 =	sadd.s32 s9, s25  }
0xc: {  	s15 =	ssub.s32 s26, s8;
	s25 =	simm.s32 $0x5800;
	s26 =	simm.s32 $0x1  }
0xd: {  	s4 =	sadd.s32 s4, s1;
	s5 =	sshrl.u32 s5, $0x3;
	s15 =	smax.u32 s15, $0x1  }
0xe: {  	s14 =	sadd.s32 s5, s1;
	s1 =	sadd.s32 s7, s1;
	s5 =	sadd.s32 s9, s2  }
0xf: {  	s9 =	sadd.s32 s9, s3;
	s12 =	sadd.s32 $0x1B400, s4;
	s13 =	sadd.s32 $0x2400, s4  }
0x10: {  	s6 =	sadd.s32 $0x16400, s1;
	s7 =	sadd.s32 $0xC400, s1;
	s8 =	sadd.s32 $0x11400, s1  }
0x11: {  	v0 =	vimm.f32 $0.0e+00;
	s10 =	sadd.s32 $0x2F400, s1;
	s11 =	sadd.s32 $0x34400, s1;
	s14 =	sadd.s32 $0x25400, s14  }
.LBB2_1:
0x12: {  	s0 =	simm.s32 $0x40;
	s1 =	simm.s32 $0x0  }
.LBB2_2:
0x13: {  	p1 =	sne.s32 s0, $0x9FC0;
	[tilespmem:s1+$0x6000] =	vst v0;
	s1 =	smov.u32 s0;
	s0 =	sadd.s32 $0x40, s0  }
.Ltmp0:
0x14: {  	(pc) =	sbr.rel @p1 .LBB2_2-.Ltmp0, $2  }
0x15: {  	_ =	sdelay $0x2  }
0x16: {  	s1 =	sshra.s32 s1, $0x2  }
0x17: {  	[tilespmem:s1+$0x6000] =	vst v0  }
0x18: {  	[spmem:s5] =	stream.linear.scatter [tilespmem:s16], [sflag:$0x3], $0x2800, $0x38;
	[tilespmem:$0x17800] =	vst v63  }
0x19: {  	_ =	swait.ge [sflag:s17], $0x2800  }
0x1a: {  	[sflag:s17] =	ssyncset.done $0x0  }
0x1b: {  	s0 =	simm.s32 $0x0;
	s18 =	simm.s32 $0x8800;
	[sflag:s17] =	ssyncadd.s32 $0xFFFFD800  }
0x1c: {  	[tilespmem:s18], [sflag:$0x3] =	stream.linear.gather [hbm4b:s6+s0], $0x2800, $0x38;
	[tilespmem:$0x17800] =	vst v63  }
0x1d: {  	_ =	swait.ge [sflag:s17], $0x2800  }
0x1e: {  	[sflag:s17] =	ssyncset.done $0x0  }
0x1f: {  	[sflag:s17] =	ssyncadd.s32 $0xFFFFD800  }
0x20: {  	[tilespmem:s19], [sflag:$0x3] =	stream.linear.gather [hbm4b:s7+s0], $0x2800, $0x38;
	[tilespmem:$0x17800] =	vst v63  }
0x21: {  	_ =	swait.ge [sflag:s17], $0x2800  }
0x22: {  	[sflag:s17] =	ssyncset.done $0x0  }
0x23: {  	[sflag:s17] =	ssyncadd.s32 $0xFFFFD800  }
0x24: {  	[tilespmem:s20], [sflag:$0x3] =	stream.linear.gather [hbm4b:s8+s0], $0x2800, $0x38;
	[tilespmem:$0x17800] =	vst v63  }
0x25: {  	_ =	swait.ge [sflag:s17], $0x2800  }
0x26: {  	[sflag:s17] =	ssyncset.done $0x0  }
0x27: {  	s1 =	simm.s32 $0x0;
	[sflag:s17] =	ssyncadd.s32 $0xFFFFD800  }
0x28: {  	v1 =	vld [tilespmem:s1+$0xD800]  }
0x29: {  	v2 =	vld [tilespmem:s1+$0xB000];
	_ =	sdelay $0x4  }
0x2a: {  	v1 =	vadd.f32 v1, v2;
	_ =	sdelay $0x1  }
0x2b: {  	v1 =	vadd.f32 $1.000000000e+00, v1;
	_ =	sdelay $0x1  }
0x2c: {  	v2 =	vshra.s32 v1, $0x1;
	v1 =	vmul.f32 $5.000000000e-01, v1  }
0x2d: {  	v2 =	vsub.s32 $0x5F3759DF, v2  }
0x2e: {  	v3 =	vmul.f32 v2, v1;
	_ =	sdelay $0x1  }
0x2f: {  	v3 =	vmul.f32 v2, v3;
	_ =	sdelay $0x1  }
0x30: {  	v3 =	vsub.f32 $1.500000000e+00, v3;
	_ =	sdelay $0x1  }
0x31: {  	v2 =	vmul.f32 v2, v3;
	_ =	sdelay $0x1  }
0x32: {  	v3 =	vmul.f32 v2, v1;
	_ =	sdelay $0x1  }
0x33: {  	v3 =	vmul.f32 v3, v2;
	_ =	sdelay $0x1  }
0x34: {  	v3 =	vsub.f32 $1.500000000e+00, v3;
	_ =	sdelay $0x1  }
0x35: {  	v2 =	vmul.f32 v3, v2;
	_ =	sdelay $0x1  }
0x36: {  	v3 =	vmul.f32 v2, v1;
	_ =	sdelay $0x1  }
0x37: {  	v3 =	vmul.f32 v3, v2;
	_ =	sdelay $0x1  }
0x38: {  	v3 =	vsub.f32 $1.500000000e+00, v3;
	_ =	sdelay $0x1  }
0x39: {  	v2 =	vmul.f32 v3, v2;
	_ =	sdelay $0x1  }
0x3a: {  	v1 =	vmul.f32 v2, v1;
	_ =	sdelay $0x1  }
0x3b: {  	v1 =	vmul.f32 v1, v2;
	_ =	sdelay $0x1  }
0x3c: {  	v3 =	vsub.f32 $1.500000000e+00, v1;
	v1 =	vld [tilespmem:s1+$0x8800];
	_ =	sdelay $0x2  }
0x3d: {  	s4 =	simm.s32 $0x80;
	s0 =	simm.s32 $0x40;
	v2 =	vmul.f32 v3, v2  }
.LBB2_4:
0x3e: {  	p1 =	sne.s32 s4, $0x9FC0;
	s18 =	sshra.s32 s0, $0x2;
	s0 =	smov.u32 s4  }
0x3f: {  	v3 =	vld [tilespmem:s18+$0xD800];
	[tilespmem:s1+$0xB000] =	vst v2;
	v2 =	vmul.f32 v2, v1  }
0x40: {  	v4 =	vld [tilespmem:s18+$0xB000]  }
0x41: {  	v1 =	vld [tilespmem:s18+$0x8800];
	[tilespmem:s1+$0x10000] =	vst v2;
	s1 =	smov.u32 s18;
	_ =	sdelay $0x3  }
0x42: {  	v2 =	vadd.f32 v3, v4;
	_ =	sdelay $0x1  }
0x43: {  	v2 =	vadd.f32 $1.000000000e+00, v2;
	_ =	sdelay $0x1  }
0x44: {  	v3 =	vshra.s32 v2, $0x1;
	v2 =	vmul.f32 $5.000000000e-01, v2  }
0x45: {  	v3 =	vsub.s32 $0x5F3759DF, v3  }
0x46: {  	v4 =	vmul.f32 v3, v2;
	_ =	sdelay $0x1  }
0x47: {  	v4 =	vmul.f32 v3, v4;
	_ =	sdelay $0x1  }
0x48: {  	v4 =	vsub.f32 $1.500000000e+00, v4;
	_ =	sdelay $0x1  }
0x49: {  	v3 =	vmul.f32 v3, v4;
	_ =	sdelay $0x1  }
0x4a: {  	v4 =	vmul.f32 v3, v2;
	_ =	sdelay $0x1  }
0x4b: {  	v4 =	vmul.f32 v4, v3;
	_ =	sdelay $0x1  }
0x4c: {  	v4 =	vsub.f32 $1.500000000e+00, v4;
	_ =	sdelay $0x1  }
0x4d: {  	v3 =	vmul.f32 v4, v3;
	_ =	sdelay $0x1  }
0x4e: {  	v4 =	vmul.f32 v3, v2;
	_ =	sdelay $0x1  }
0x4f: {  	v4 =	vmul.f32 v4, v3;
	_ =	sdelay $0x1  }
0x50: {  	v4 =	vsub.f32 $1.500000000e+00, v4;
	_ =	sdelay $0x1  }
0x51: {  	v3 =	vmul.f32 v4, v3;
	_ =	sdelay $0x1  }
0x52: {  	v2 =	vmul.f32 v3, v2;
	_ =	sdelay $0x1  }
.Ltmp1:
0x53: {  	v2 =	vmul.f32 v2, v3;
	(pc) =	sbr.rel @p1 .LBB2_4-.Ltmp1, $3  }
0x54: {  	_ = 	snop  }
0x55: {  	v2 =	vsub.f32 $1.500000000e+00, v2;
	_ =	sdelay $0x1  }
0x56: {  	s4 =	sadd.s32 $0x40, s4;
	v2 =	vmul.f32 v2, v3  }
0x57: {  	s0 =	sshra.s32 s0, $0x2  }
0x58: {  	v3 =	vld [tilespmem:s0+$0xD800];
	[tilespmem:s1+$0xB000] =	vst v2  }
0x59: {  	v4 =	vld [tilespmem:s0+$0xB000];
	_ =	sdelay $0x4  }
0x5a: {  	v3 =	vadd.f32 v3, v4;
	_ =	sdelay $0x1  }
0x5b: {  	v3 =	vadd.f32 $1.000000000e+00, v3;
	_ =	sdelay $0x1  }
0x5c: {  	v62 =	vshra.s32 v3, $0x1;
	v3 =	vmul.f32 $5.000000000e-01, v3  }
0x5d: {  	v4 =	vsub.s32 $0x5F3759DF, v62  }
0x5e: {  	v5 =	vmul.f32 v4, v3;
	_ =	sdelay $0x1  }
0x5f: {  	v5 =	vmul.f32 v4, v5;
	_ =	sdelay $0x1  }
0x60: {  	v5 =	vsub.f32 $1.500000000e+00, v5;
	_ =	sdelay $0x1  }
0x61: {  	v4 =	vmul.f32 v4, v5;
	_ =	sdelay $0x1  }
0x62: {  	v5 =	vmul.f32 v4, v3;
	_ =	sdelay $0x1  }
0x63: {  	v5 =	vmul.f32 v5, v4;
	_ =	sdelay $0x1  }
0x64: {  	v5 =	vsub.f32 $1.500000000e+00, v5;
	_ =	sdelay $0x1  }
0x65: {  	v4 =	vmul.f32 v5, v4;
	_ =	sdelay $0x1  }
0x66: {  	v5 =	vmul.f32 v4, v3;
	_ =	sdelay $0x1  }
0x67: {  	v5 =	vmul.f32 v5, v4;
	_ =	sdelay $0x1  }
0x68: {  	v5 =	vsub.f32 $1.500000000e+00, v5;
	_ =	sdelay $0x1  }
0x69: {  	v4 =	vmul.f32 v5, v4;
	_ =	sdelay $0x1  }
0x6a: {  	v3 =	vmul.f32 v4, v3;
	_ =	sdelay $0x1  }
0x6b: {  	v3 =	vmul.f32 v3, v4  }
0x6c: {  	v63 =	vld [tilespmem:s0+$0x8800]  }
0x6d: {  	v3 =	vsub.f32 $1.500000000e+00, v3;
	_ =	sdelay $0x1  }
0x6e: {  	v1 =	vmul.f32 v2, v1;
	v2 =	vmul.f32 v3, v4;
	_ =	sdelay $0x1  }
0x6f: {  	[tilespmem:s1+$0x10000] =	vst v1;
	v1 =	vmul.f32 v2, v63  }
0x70: {  	[tilespmem:s0+$0xB000] =	vst v2  }
0x71: {  	[tilespmem:s0+$0x10000] =	vst v1  }
0x72: {  	[spmem:s9] =	stream.linear.scatter [tilespmem:s21], [sflag:$0x3], $0x2800, $0x38;
	[tilespmem:$0x17800] =	vst v63  }
0x73: {  	_ =	swait.ge [sflag:s17], $0x2800  }
0x74: {  	[sflag:s17] =	ssyncset.done $0x0  }
0x75: {  	s1 =	simm.s32 @!p0 $0x10000;
	s0 =	simm.s32 @!p0 $0x0;
	[sflag:s17] =	ssyncadd.s32 $0xFFFFD800  }
0x76: {  	[hbm4b:s10+s0] =	stream.linear.scatter @!p0 [tilespmem:s1], [sflag:$0x3], $0x2800, $0x38;
	[tilespmem:$0x17800] =	vst v63  }
0x77: {  	s1 =	simm.s32 @!p0 $0x3  }
0x78: {  	_ =	swait.ge @!p0 [sflag:s1], $0x2800  }
0x79: {  	[sflag:s1] =	ssyncset.done @!p0 $0x0  }
0x7a: {  	s4 =	simm.s32 @!p0 $0xB000;
	[sflag:s1] =	ssyncadd.s32 @!p0 $0xFFFFD800  }
0x7b: {  	[hbm4b:s11+s0] =	stream.linear.scatter @!p0 [tilespmem:s4], [sflag:$0x3], $0x2800, $0x38;
	[tilespmem:$0x17800] =	vst v63  }
0x7c: {  	_ =	swait.ge @!p0 [sflag:s1], $0x2800  }
0x7d: {  	[sflag:s1] =	ssyncset.done @!p0 $0x0  }
0x7e: {  	[sflag:s1] =	ssyncadd.s32 @!p0 $0xFFFFD800  }
0x7f: {  	s18 =	simm.s32 $0x0;
	[bflag:$0x0] =	sbarrier.arrive $0xFFFF  }
0x80: {  	[tilespmem:s18], [sflag:$0x3] =	stream.linear.gather [hbm4b:s12+s18], $0x2800, $0x38;
	[tilespmem:$0x17800] =	vst v63  }
0x81: {  	_ =	swait.ge [sflag:s17], $0x2800  }
0x82: {  	[sflag:s17] =	ssyncset.done $0x0  }
0x83: {  	[sflag:s17] =	ssyncadd.s32 $0xFFFFD800  }
0x84: {  	[tilespmem:s22], [sflag:$0x3] =	stream.linear.gather [hbm4b:s13+s18], $0x2800, $0x38;
	[tilespmem:$0x17800] =	vst v63  }
0x85: {  	_ =	swait.ge [sflag:s17], $0x2800  }
0x86: {  	[sflag:s17] =	ssyncset.done $0x0  }
0x87: {  	[sflag:s17] =	ssyncadd.s32 $0xFFFFD800  }
0x88: {  	[tilespmem:s24], [sflag:$0x1] =	stream.indirect.gather [spmem:s3], $0x10, s18, s23, $0xb8;
	[tilespmem:$0x17800] =	vst v63  }
0x89: {  	_ = 	snop  }
0x8a: {  	[tilespmem:s25], [sflag:$0x2] =	stream.indirect.gather [spmem:s3], $0x10, s23, s23, $0xb8;
	[tilespmem:$0x17800] =	vst v63  }
0x8b: {  	_ =	swait.ge [sflag:s26], $0x800  }
0x8c: {  	[sflag:s26] =	ssyncset.done $0x0  }
0x8d: {  	s1 =	simm.s32 $0x2800;
	[sflag:s26] =	ssyncadd.s32 $0xFFFFF800  }
0x8e: {  	[spmem:s2] =	stream.indirect.scatter.add.f32 [tilespmem:s24], [sflag:$0x3], $0x10, s1, s23, $0xb8;
	[tilespmem:$0x17800] =	vst v63  }
0x8f: {  	_ =	swait.ge [sflag:s17], $0x800  }
0x90: {  	[sflag:s17] =	ssyncset.done $0x0  }
0x91: {  	s4 =	simm.s32 $0x100;
	[sflag:s17] =	ssyncadd.s32 $0xFFFFF800  }
0x92: {  	[tilespmem:s24], [sflag:$0x1] =	stream.indirect.gather [spmem:s3], $0x10, s4, s23, $0xb8;
	[tilespmem:$0x17800] =	vst v63  }
0x93: {  	_ =	swait.ge [sflag:s28], $0x800  }
0x94: {  	[sflag:s28] =	ssyncset.done $0x0  }
0x95: {  	s18 =	simm.s32 $0x2880;
	[sflag:s28] =	ssyncadd.s32 $0xFFFFF800  }
0x96: {  	[spmem:s2] =	stream.indirect.scatter.add.f32 [tilespmem:s25], [sflag:$0x3], $0x10, s18, s23, $0xb8;
	[tilespmem:$0x17800] =	vst v63  }
0x97: {  	_ =	swait.ge [sflag:s17], $0x800  }
0x98: {  	[sflag:s17] =	ssyncset.done $0x0  }
0x99: {  	s0 =	simm.s32 $0x400;
	s1 =	simm.s32 $0x180;
	[sflag:s17] =	ssyncadd.s32 $0xFFFFF800  }
.LBB2_6:
0x9a: {  	[tilespmem:s25], [sflag:$0x2] =	stream.indirect.gather [spmem:s3], $0x10, s1, s23, $0xb8;
	[tilespmem:$0x17800] =	vst v63  }
0x9b: {  	s1 =	smov.u32 s0  }
0x9c: {  	p1 =	sne.s32 s0, $0x9800;
	s0 =	sadd.s32 $0x400, s0;
	_ =	swait.ge [sflag:s26], $0x800  }
0x9d: {  	s1 =	sshra.s32 s1, $0x2;
	[sflag:s26] =	ssyncset.done $0x0  }
0x9e: {  	s4 =	sadd.s32 $0x2800, s1;
	[sflag:s26] =	ssyncadd.s32 $0xFFFFF800  }
0x9f: {  	[spmem:s2] =	stream.indirect.scatter.add.f32 [tilespmem:s24], [sflag:$0x3], $0x10, s4, s23, $0xb8;
	[tilespmem:$0x17800] =	vst v63  }
0xa0: {  	_ =	swait.ge [sflag:s17], $0x800  }
0xa1: {  	[sflag:s17] =	ssyncset.done $0x0  }
0xa2: {  	s4 =	sadd.s32 $0x100, s1;
	[sflag:s17] =	ssyncadd.s32 $0xFFFFF800  }
0xa3: {  	[tilespmem:s24], [sflag:$0x1] =	stream.indirect.gather [spmem:s3], $0x10, s4, s23, $0xb8;
	[tilespmem:$0x17800] =	vst v63  }
0xa4: {  	_ =	swait.ge [sflag:s28], $0x800  }
0xa5: {  	[sflag:s28] =	ssyncset.done $0x0  }
.Ltmp2:
0xa6: {  	s4 =	sadd.s32 $0x2880, s1;
	[sflag:s28] =	ssyncadd.s32 $0xFFFFF800;
	(pc) =	sbr.rel @p1 .LBB2_6-.Ltmp2, $4  }
0xa7: {  	[spmem:s2] =	stream.indirect.scatter.add.f32 [tilespmem:s25], [sflag:$0x3], $0x10, s4, s23, $0xb8;
	[tilespmem:$0x17800] =	vst v63  }
0xa8: {  	_ =	swait.ge [sflag:s17], $0x800  }
0xa9: {  	[sflag:s17] =	ssyncset.done $0x0  }
0xaa: {  	s1 =	sadd.s32 $0x180, s1;
	[sflag:s17] =	ssyncadd.s32 $0xFFFFF800  }
0xab: {  	[tilespmem:s25], [sflag:$0x2] =	stream.indirect.gather [spmem:s3], $0x10, s1, s23, $0xb8;
	[tilespmem:$0x17800] =	vst v63  }
0xac: {  	_ =	swait.ge [sflag:s26], $0x800  }
0xad: {  	[sflag:s26] =	ssyncset.done $0x0  }
0xae: {  	[sflag:s26] =	ssyncadd.s32 $0xFFFFF800  }
0xaf: {  	[spmem:s2] =	stream.indirect.scatter.add.f32 [tilespmem:s24], [sflag:$0x3], $0x10, s29, s23, $0xb8;
	[tilespmem:$0x17800] =	vst v63  }
0xb0: {  	_ =	swait.ge [sflag:s17], $0x800  }
0xb1: {  	[sflag:s17] =	ssyncset.done $0x0  }
0xb2: {  	[sflag:s17] =	ssyncadd.s32 $0xFFFFF800  }
0xb3: {  	_ =	swait.ge [sflag:s28], $0x800  }
0xb4: {  	[sflag:s28] =	ssyncset.done $0x0  }
0xb5: {  	[sflag:s28] =	ssyncadd.s32 $0xFFFFF800  }
0xb6: {  	[spmem:s2] =	stream.indirect.scatter.add.f32 [tilespmem:s25], [sflag:$0x3], $0x10, s30, s23, $0xb8;
	[tilespmem:$0x17800] =	vst v63  }
0xb7: {  	_ =	swait.ge [sflag:s17], $0x800  }
0xb8: {  	[sflag:s17] =	ssyncset.done $0x0  }
0xb9: {  	[sflag:s17] =	ssyncadd.s32 $0xFFFFF800  }
0xba: {  	[bflag:$0x0] =	sbarrier.arrive $0xFFFF  }
0xbb: {  	[tilespmem:s16], [sflag:$0x3] =	stream.linear.gather [spmem:s5], $0x2800, $0x38;
	[tilespmem:$0x17800] =	vst v63  }
0xbc: {  	s31 =	sadd.s32 $0x1, s31;
	_ =	swait.ge [sflag:s17], $0x2800  }
0xbd: {  	p1 =	sne.s32 s31, s15;
	[sflag:s17] =	ssyncset.done $0x0  }
.Ltmp3:
0xbe: {  	s0 =	simm.s32 $0x0;
	[sflag:s17] =	ssyncadd.s32 $0xFFFFD800;
	(pc) =	sbr.rel @p1 .LBB2_1-.Ltmp3, $4  }
0xbf: {  	[hbm4b:s14+s0] =	stream.linear.scatter [tilespmem:s16], [sflag:$0x3], $0x2800, $0x38;
	[tilespmem:$0x17800] =	vst v63  }
0xc0: {  	_ =	swait.ge [sflag:s17], $0x2800  }
0xc1: {  	[sflag:s17] =	ssyncset.done $0x0  }
0xc2: {  	[sflag:s17] =	ssyncadd.s32 $0xFFFFD800  }
0xc3: {  	_ =	sfence.sel $0x180000  }
0xc4: {  	[bflag:$0x0] =	sbarrier.arrive $0xFFFF  }
0xc5: {  	_ =	strace $0x9000004A  }
0xc6: {  	s0 =	stileid.u32;
	[bflag:$0x2] =	sbarrier.arrive $0xFFFF  }
0xc7: {  	p0 =	sne.s32 s0, $0x0;
	s0 =	rddreg [dreg:$0x3]  }
0xc8: {  	s0 =	sadd.s32 @!p0 $0x100000, s0  }
0xc9: {  	[sflag:s0] =	ssyncadd.tile.s32 @!p0 $0x1;
	_ =	shalt  }
.Lfunc_end2:
_tile_overlayer_lowered:
.L_overlay_start_2:
0xca: {  	(tag) =	ssettag $0x2  }
0xcb: {  	s0 =	rddreg [dreg:$0x0];
	s2 =	stileid.u32  }
0xcc: {  	s1 =	rddreg [dreg:$0x1];
	p0 =	sne.s32 s2, $0x0  }
0xcd: {  	s3 =	rddreg [dreg:$0x2];
	[bflag:$0x3] =	sbarrier.arrive $0xFFFF;
	s2 =	simm.s32 @!p0 $0x1C03  }
0xce: {  	[timem:s3], [sflag:s2] =	dma.local @!p0 [hbm:s0], s1  }
0xcf: {  	s0 =	simm.s32 @!p0 $0x3  }
0xd0: {  	_ =	swait.ge @!p0 [sflag:s0], s1  }
0xd1: {  	s1 =	ssub.s32 @!p0 $0x0, s1;
	[sflag:s0] =	ssyncset.done @!p0 $0x0  }
0xd2: {  	[sflag:s0] =	ssyncadd.s32 @!p0 s1  }
0xd3: {  	[bflag:$0x3] =	sbarrier.arrive $0xFFFF  }
0xd4: {  	_ =	shalt  }

// kernel: kernel.13.cloned.1.call-start
scs
__scs_entry_jumppad:
0x0: {  	(pc) =	sbr.rel $0x88, $3  }
0x1: {  	(tag) =	ssettag $0x0;
	lr =	simm.s32 $0x1  }
0x2: {  	[smem:$0x3F9B] =	sst lr;
	_ =	strace $0xD0000000  }
0x3: {  	_ = 	snop  }
0x4: {  	_ = 	snop  }
0x5: {  	_ = 	snop  }
0x6: {  	_ = 	snop  }
0x7: {  	_ = 	snop  }
__scs_overlays_trampoline_lowered:
0x8: {  	[smem:$0x3FAA] =	sst s0  }
0x9: {  	[smem:$0x3FAB] =	sst s1  }
0xa: {  	[smem:$0x3FAC] =	sst s2  }
0xb: {  	[smem:$0x3FAD] =	sst s3  }
0xc: {  	[smem:$0x3FAE] =	sst s4  }
0xd: {  	[smem:$0x3FAF] =	sst s5  }
0xe: {  	[smem:$0x3FB0] =	sst s6  }
0xf: {  	[smem:$0x3FB1] =	sst s7  }
0x10: {  	[smem:$0x3FB2] =	sst s8  }
0x11: {  	[smem:$0x3FB3] =	sst s9;
	s0 =	simm.s32 @!p0 $0x0  }
0x12: {  	s1 =	sld [smem:$0x3F99];
	s0 =	simm.s32 @p0 $0x1  }
0x13: {  	[smem:$0x3FB4] =	sst s0;
	s0 =	simm.s32 @!p1 $0x0  }
0x14: {  	s2 =	sld [smem:$0x3F98];
	s0 =	simm.s32 @p1 $0x1  }
0x15: {  	[smem:$0x3FB5] =	sst s0;
	s0 =	simm.s32 @!p2 $0x0  }
0x16: {  	s3 =	sld [smem:$0x3FDB];
	s0 =	simm.s32 @p2 $0x1  }
0x17: {  	s4 =	simm.s32 $0x1BF5;
	[smem:$0x3FB7] =	sst s0  }
0x18: {  	s0 =	sld [smem:$0x3F9A];
	_ =	swait.ge [sflag:s4], $0x0  }
0x19: {  	s7 =	sld [smem:$0x3F9B]  }
0x1a: {  	s8 =	sadd.s32 $0xFFFFE003, lr  }
0x1b: {  	s9 =	sadd.s32 $0xFFFFFEF7, lr;
	s5 =	simm.s32 $0xFFFFFFFF;
	p2 =	slt.u32 s8, $0xFFFFF086  }
0x1c: {  	p1 =	slt.u32 s9, $0xF7A;
	s5 =	simm.s32 @!p2 $0x0  }
0x1d: {  	s5 =	simm.s32 @p1 $0x1;
	p0 =	seq.s32 s7, s2  }
0x1e: {  	s7 =	smul.u32 @!p0 $0xF7A, s2;
	p2 =	seq.s32 @!p0 s5, $0x0  }
0x1f: {  	s9 =	smul.u32 $0xF7A, s1;
	s8 =	simm.s32 @!p0 $0x1BF5;
	p2 =	por !p2, p0  }
0x20: {  	[sflag:s8] =	ssyncset.s32 @!p0 $0xFFFFF086;
	s6 =	sadd.s32 @!p0 s3, s7;
	s7 =	simm.s32 @!p0 $0x108  }
0x21: {  	s3 =	sadd.s32 s3, s9;
	s6 =	sadd.s32 @!p0 $0x88, s6;
	s7 =	simm.s32 @p2 $0x1082  }
0x22: {  	[simem:s7], [sflag:s8] =	dma.local @!p0 [hbm:s6], $0xF7A  }
0x23: {  	s9 =	sor.u32 $0xD0000000, s2;
	s6 =	simm.s32 $0x108;
	_ =	swait.ge @!p0 [sflag:s8], $0x0  }
0x24: {  	s3 =	sadd.s32 $0x88, s3;
	s6 =	simm.s32 @!p1 $0x1082;
	[sflag:s4] =	ssyncset.s32 $0xFFFFF086  }
0x25: {  	[simem:s6], [sflag:s4] =	dma.local [hbm:s3], $0xF7A  }
0x26: {  	[smem:$0x3F9B] =	sst s1;
	(tag) =	ssettag s2;
	_ =	strace s9  }
0x27: {  	s1 =	sld [smem:$0x3FAB]  }
0x28: {  	s2 =	sld [smem:$0x3FAC]  }
0x29: {  	s4 =	sld [smem:$0x3FAE]  }
0x2a: {  	p0 =	seq.s32 s5, $0x0;
	s5 =	sld [smem:$0x3FAF]  }
0x2b: {  	s6 =	sld [smem:$0x3FB0]  }
0x2c: {  	s7 =	sld [smem:$0x3FB1]  }
0x2d: {  	s3 =	simm.s32 $0x108;
	s8 =	sld [smem:$0x3FB2]  }
0x2e: {  	s3 =	simm.s32 @!p0 $0x1082;
	s9 =	sld [smem:$0x3FB3]  }
0x2f: {  	lr =	sadd.s32 s0, s3;
	s0 =	sld [smem:$0x3FAA]  }
0x30: {  	s3 =	sld [smem:$0x3FAD]  }
0x31: {  	[smem:$0x3FB6] =	sst s10  }
0x32: {  	s10 =	sld [smem:$0x3FB4];
	_ =	sdelay $0x3  }
0x33: {  	p0 =	seq.s32 s10, $0x1;
	s10 =	sld [smem:$0x3FB6];
	_ =	sdelay $0x3  }
0x34: {  	[smem:$0x3FB6] =	sst s10  }
0x35: {  	s10 =	sld [smem:$0x3FB5];
	_ =	sdelay $0x3  }
0x36: {  	p1 =	seq.s32 s10, $0x1;
	s10 =	sld [smem:$0x3FB6];
	_ =	sdelay $0x3  }
0x37: {  	[smem:$0x3FB6] =	sst s10  }
0x38: {  	s10 =	sld [smem:$0x3FB7]  }
0x39: {  	_ = 	snop;
	(pc) =	sbr.ind lr, $3  }
0x3a: {  	_ = 	snop  }
0x3b: {  	_ = 	snop  }
0x3c: {  	p2 =	seq.s32 s10, $0x1;
	s10 =	sld [smem:$0x3FB6]  }
0x3d: {  	_ =	shalt  }
0x3e: {  	_ =	shalt  }
0x3f: {  	_ =	shalt  }
0x40: {  	_ =	shalt  }
0x41: {  	_ =	shalt  }
0x42: {  	_ =	shalt  }
0x43: {  	_ =	shalt  }
0x44: {  	_ =	shalt  }
0x45: {  	_ =	shalt  }
0x46: {  	_ =	shalt  }
0x47: {  	_ =	shalt  }
0x48: {  	_ =	shalt  }
0x49: {  	_ =	shalt  }
0x4a: {  	_ =	shalt  }
0x4b: {  	_ =	shalt  }
0x4c: {  	_ =	shalt  }
0x4d: {  	_ =	shalt  }
0x4e: {  	_ =	shalt  }
0x4f: {  	_ =	shalt  }
0x50: {  	_ =	shalt  }
0x51: {  	_ =	shalt  }
0x52: {  	_ =	shalt  }
0x53: {  	_ =	shalt  }
0x54: {  	_ =	shalt  }
0x55: {  	_ =	shalt  }
0x56: {  	_ =	shalt  }
0x57: {  	_ =	shalt  }
0x58: {  	_ =	shalt  }
0x59: {  	_ =	shalt  }
0x5a: {  	_ =	shalt  }
0x5b: {  	_ =	shalt  }
0x5c: {  	_ =	shalt  }
0x5d: {  	_ =	shalt  }
0x5e: {  	_ =	shalt  }
0x5f: {  	_ =	shalt  }
0x60: {  	_ =	shalt  }
0x61: {  	_ =	shalt  }
0x62: {  	_ =	shalt  }
0x63: {  	_ =	shalt  }
0x64: {  	_ =	shalt  }
0x65: {  	_ =	shalt  }
0x66: {  	_ =	shalt  }
0x67: {  	_ =	shalt  }
0x68: {  	_ =	shalt  }
0x69: {  	_ =	shalt  }
0x6a: {  	_ =	shalt  }
0x6b: {  	_ =	shalt  }
0x6c: {  	_ =	shalt  }
0x6d: {  	_ =	shalt  }
0x6e: {  	_ =	shalt  }
0x6f: {  	_ =	shalt  }
0x70: {  	_ =	shalt  }
0x71: {  	_ =	shalt  }
0x72: {  	_ =	shalt  }
0x73: {  	_ =	shalt  }
0x74: {  	_ =	shalt  }
0x75: {  	_ =	shalt  }
0x76: {  	_ =	shalt  }
0x77: {  	_ =	shalt  }
0x78: {  	_ =	shalt  }
0x79: {  	_ =	shalt  }
0x7a: {  	_ =	shalt  }
0x7b: {  	_ =	shalt  }
0x7c: {  	_ =	shalt  }
0x7d: {  	_ =	shalt  }
0x7e: {  	_ =	shalt  }
0x7f: {  	_ =	shalt  }
0x80: {  	_ =	shalt  }
0x81: {  	_ =	shalt  }
0x82: {  	_ =	shalt  }
0x83: {  	_ =	shalt  }
0x84: {  	_ =	shalt  }
0x85: {  	_ =	shalt  }
0x86: {  	_ =	shalt  }
0x87: {  	_ =	shalt  }
.Lfunc_end0:
.L_simem_size_0:
called_computation.2_lowered:
.L_overlay_start_0:
0x88: {  	s2 =	sld [smem:$0x3FD9]  }
0x89: {  	s3 =	sld [smem:$0x3FFE];
	_ =	sdelay $0x1  }
0x8a: {  	s1 =	srdreg.scid  }
0x8b: {  	s0 =	sand.u32 $0x1, s1  }
0x8c: {  	s14 =	sshll.u32 s0, $0xA;
	s2 =	sadd.s32 s3, s2  }
0x8d: {  	s2 =	sadd.s32 s2, s14  }
0x8e: {  	[smem:$0x3FC2] =	sst s2  }
0x8f: {  	_ = 	snop  }
0x90: {  	s2 =	sld [smem:$0x3FD0];
	_ =	sdelay $0x2  }
0x91: {  	s15 =	simm.s32 $0xA;
	s4 =	simm.s32 $0x10  }
0x92: {  	[smem:s4], [sflag:s15] =	dma.local [hbm:s2], $0x1  }
0x93: {  	_ =	swait.eq [sflag:s15], $0x1  }
0x94: {  	[sflag:s15] =	ssyncset.done $0x0  }
0x95: {  	s16 =	sld [smem:$0x10];
	[sflag:s15] =	ssyncadd.s32 $0xFFFFFFFF  }
0x96: {  	s17 =	sld [smem:$0x11];
	(tm) =	ssettm $0x1  }
0x97: {  	s18 =	sld [smem:$0x3FFB];
	_ =	sdelay $0x3  }
0x98: {  	_ =	strace s18  }
0x99: {  	s4 =	sld [smem:$0x3FFC];
	_ =	sdelay $0x3  }
0x9a: {  	_ =	strace s4  }
0x9b: {  	s4 =	sld [smem:$0x3FFD];
	_ =	sdelay $0x3  }
0x9c: {  	_ =	strace s4  }
0x9d: {  	_ =	strace $0x8FFFFFFF  }
0x9e: {  	s19 =	sld [smem:$0x3FDB];
	_ =	sdelay $0x1  }
0x9f: {  	s5 =	simm.s32 $_scs_section_size  }
0xa0: {  	s6 =	simm.s32 $_size__tile_overlayer_lowered;
	s7 =	simm.s32 $_tile_overlayer_lowered  }
0xa1: {  	s22 =	simm.s32 $0x1BFF;
	s21 =	sshll.u32 s7, $0x1;
	s4 =	sadd.s32 s5, s19  }
0xa2: {  	s8 =	simm.s32 $0x0;
	s20 =	sshll.u32 s6, $0x1;
	s6 =	sadd.s32 s21, s4  }
0xa3: {  	[timem:s8], [sflag:s22] =	dma.local [hbm:s6], s20  }
0xa4: {  	_ =	swait.ge [sflag:s22], s20  }
0xa5: {  	s5 =	ssub.s32 $0x0, s20;
	[sflag:s22] =	ssyncset.done $0x0  }
0xa6: {  	[sflag:s22] =	ssyncadd.s32 s5;
	_ =	sdelay $0x1  }
0xa7: {  	s23 =	simm.s32 $0x1B8B  }
0xa8: {  	_ =	swait.ge [sflag:s23], $0x1  }
0xa9: {  	[sflag:s23] =	ssyncset.done $0x0  }
0xaa: {  	s25 =	simm.s32 $0x1B8E;
	s24 =	sld [smem:$0x3FFE];
	[sflag:s23] =	ssyncadd.s32 $0xFFFFFFFF  }
0xab: {  	s26 =	simm.s32 $execute0_lowered;
	[smem:$0x3FD2] =	sst s25  }
0xac: {  	s6 =	sshll.u32 s26, $0x1;
	_ =	strace $0x8000004C;
	[dreg:$0x1] =	wrdreg $0xFFFFFFFF  }
0xad: {  	s28 =	simm.s32 $_size_execute0_lowered;
	s4 =	sadd.s32 s4, s6;
	[dreg:$0x0] =	wrdreg $0x0  }
0xae: {  	s6 =	sshll.u32 s28, $0x1;
	[dreg:$0x2] =	wrdreg s4  }
0xaf: {  	[dreg:$0x3] =	wrdreg s6  }
0xb0: {  	[dreg:$0x4] =	wrdreg $0xC0  }
0xb1: {  	_ =	task [dreg:s8], $0x5FFFF  }
0xb2: {  	[dreg:$0x1] =	wrdreg $0xFFFFFFFF  }
0xb3: {  	[dreg:$0x0] =	wrdreg $0x60  }
0xb4: {  	[dreg:$0x2] =	wrdreg s24  }
0xb5: {  	[dreg:$0x3] =	wrdreg s17  }
0xb6: {  	[dreg:$0x4] =	wrdreg s16  }
0xb7: {  	[dreg:$0x5] =	wrdreg $0x129300  }
0xb8: {  	[dreg:$0x6] =	wrdreg $0x151300  }
0xb9: {  	[dreg:$0x7] =	wrdreg $0x9  }
0xba: {  	_ =	task.clear_ibuf [dreg:s8], $0x8FFFF;
	_ =	strace $0x9000004C  }
0xbb: {  	s29 =	simm.s32 $0x9;
	_ =	strace $0x8000004E  }
0xbc: {  	_ =	swait.ge [sflag:s29], $0x1  }
0xbd: {  	[sflag:s29] =	ssyncadd.s32 $0xFFFFFFFF  }
0xbe: {  	_ =	strace $0x9000004E  }
0xbf: {  	_ =	sfence  }
0xc0: {  	s30 =	sld [smem:$0x0];
	_ =	sdelay $0x2  }
0xc1: {  	s31 =	sshll.u32 s1, $0xD;
	s1 =	sshrl.u32 s1, $0x2  }
0xc2: {  	s3 =	sand.u32 $0x4000, s31;
	s1 =	sadd.s32 s1, s30  }
0xc3: {  	s0 =	sor.u32 s3, s0;
	s1 =	sshll.u32 s1, $0x11  }
0xc4: {  	s0 =	sor.u32 s1, s0  }
0xc5: {  	s0 =	sadd.s32 $0x8F2B, s0  }
0xc6: {  	[sflag:s0] =	ssyncadd.remote.s32 $0x1  }
0xc7: {  	_ =	sfence.sel $0xFFFF  }
0xc8: {  	[dreg:$0x0] =	wrdreg $0xFFFFFFFF;
	(pc) =	sbr.abs _section_cstart, $3  }
0xc9: {  	[dreg:$0x1] =	wrdreg $0xFFFFFFFF  }
0xca: {  	_ =	task.clear_ibuf [dreg:s8], $0x2FFFF;
	_ =	strace $0x9FFFFFFF  }
0xcb: {  	(tm) =	ssettm $0x7FFFFFFF  }
tec
execute0_lowered:
.L_overlay_start_1:
0x0: {  	(tag) =	ssettag $0x1  }
0x1: {  	s0 =	rddreg [dreg:$0x0]  }
0x2: {  	s1 =	srdreg.scid;
	s4 =	rddreg [dreg:$0x3]  }
0x3: {  	s3 =	stileid.u32;
	s5 =	rddreg [dreg:$0x4]  }
0x4: {  	s6 =	simm.s32 $0x0;
	s18 =	simm.s32 $0x6000;
	s19 =	simm.s32 $0x3  }
0x5: {  	s20 =	simm.s32 $0x8800;
	s24 =	simm.s32 $0x12800;
	s25 =	simm.s32 $0x12900  }
0x6: {  	s28 =	simm.s32 $0x2800;
	s29 =	simm.s32 $0x80;
	s30 =	simm.s32 $0x5000  }
0x7: {  	s31 =	simm.s32 $0x5800;
	s1 =	sand.u32 $0x1, s1;
	s2 =	sshll.u32 s3, $0x1  }
0x8: {  	s3 =	smul.u32 $0x2800, s3;
	[smem:$0x7FF] =	sst s6;
	s2 =	sor.u32 s1, s2  }
0x9: {  	s26 =	smul.u32 $0x28000, s1;
	_ =	strace $0x8000004D;
	s7 =	ssub.s32 $0x2, s1  }
0xa: {  	p0 =	sne.s32 s1, $0x0;
	s1 =	simm.s32 $0x4F00;
	s2 =	smul.u32 $0x500, s2  }
0xb: {  	s8 =	sshrl.u32 s3, $0x3;
	s9 =	sshrl.u32 s7, $0x1;
	s12 =	sadd.s32 s3, s5  }
0xc: {  	s6 =	sadd.s32 s3, s26;
	s17 =	ssub.s32 s7, s9;
	s7 =	sadd.s32 s3, s4  }
0xd: {  	s26 =	simm.s32 $0x12910;
	s3 =	simm.s32 $0x1;
	s6 =	sshrl.u32 s6, $0x3  }
0xe: {  	s2 =	sadd.s32 s2, s0;
	s17 =	smax.u32 s17, $0x1;
	s6 =	sadd.s32 s6, s0  }
0xf: {  	s0 =	sadd.s32 s8, s0;
	s14 =	sadd.s32 $0x1B400, s2;
	s15 =	sadd.s32 $0x2400, s2  }
0x10: {  	s2 =	simm.s32 $0x4F80;
	s8 =	sadd.s32 $0x2F400, s0;
	s9 =	sadd.s32 $0x34400, s0  }
0x11: {  	v0 =	vimm.f32 $0.0e+00;
	v1 =	vimm.s32 $0x8;
	s10 =	sadd.s32 $0x25400, s0;
	s11 =	sadd.s32 $0x2A400, s0;
	s13 =	sadd.s32 $0x16400, s0  }
0x12: {  	v2 =	vimm.s32 $0x9;
	v3 =	vimm.s32 $0xA;
	v4 =	vimm.s32 $0xB;
	s16 =	sadd.s32 $0xC400, s6;
	s0 =	simm.s32 $0x2;
	s6 =	simm.s32 $0x0  }
.LBB2_1:
0x13: {  	s21 =	simm.s32 $0x40;
	s22 =	simm.s32 $0x0  }
.LBB2_2:
0x14: {  	p1 =	sne.s32 s21, $0x9FC0;
	[tilespmem:s22+$0x6000] =	vst v0;
	s22 =	smov.u32 s21;
	s21 =	sadd.s32 $0x40, s21  }
.Ltmp0:
0x15: {  	(pc) =	sbr.rel @p1 .LBB2_2-.Ltmp0, $2  }
0x16: {  	_ =	sdelay $0x2  }
0x17: {  	s22 =	sshra.s32 s22, $0x2  }
0x18: {  	[tilespmem:s22+$0x6000] =	vst v0  }
0x19: {  	[spmem:s7] =	stream.linear.scatter [tilespmem:s18], [sflag:$0x3], $0x2800, $0x38;
	[tilespmem:$0x17930] =	vst v63  }
0x1a: {  	_ =	swait.ge [sflag:s19], $0x2800  }
0x1b: {  	[sflag:s19] =	ssyncset.done $0x0  }
0x1c: {  	s21 =	simm.s32 $0x0;
	[sflag:s19] =	ssyncadd.s32 $0xFFFFD800  }
0x1d: {  	[tilespmem:s20], [sflag:$0x3] =	stream.linear.gather [hbm4b:s8+s21], $0x2800, $0x38;
	[tilespmem:$0x17930] =	vst v63  }
0x1e: {  	_ =	swait.ge [sflag:s19], $0x2800  }
0x1f: {  	[sflag:s19] =	ssyncset.done $0x0  }
0x20: {  	s23 =	simm.s32 $0xB000;
	[sflag:s19] =	ssyncadd.s32 $0xFFFFD800  }
0x21: {  	[tilespmem:s23], [sflag:$0x3] =	stream.linear.gather [hbm4b:s9+s21], $0x2800, $0x38;
	[tilespmem:$0x17930] =	vst v63  }
0x22: {  	_ =	swait.ge [sflag:s19], $0x2800  }
0x23: {  	[sflag:s19] =	ssyncset.done $0x0  }
0x24: {  	s23 =	simm.s32 $0xD800;
	[sflag:s19] =	ssyncadd.s32 $0xFFFFD800  }
0x25: {  	[tilespmem:s23], [sflag:$0x3] =	stream.linear.gather [hbm4b:s10+s21], $0x2800, $0x38;
	[tilespmem:$0x17930] =	vst v63  }
0x26: {  	_ =	swait.ge [sflag:s19], $0x2800  }
0x27: {  	[sflag:s19] =	ssyncset.done $0x0  }
0x28: {  	s23 =	simm.s32 $0x10000;
	[sflag:s19] =	ssyncadd.s32 $0xFFFFD800  }
0x29: {  	[tilespmem:s23], [sflag:$0x3] =	stream.linear.gather [hbm4b:s11+s21], $0x2800, $0x38;
	[tilespmem:$0x17930] =	vst v63  }
0x2a: {  	_ =	swait.ge [sflag:s19], $0x2800  }
0x2b: {  	[sflag:s19] =	ssyncset.done $0x0  }
0x2c: {  	[sflag:s19] =	ssyncadd.s32 $0xFFFFD800  }
0x2d: {  	s23 =	rddreg [dreg:$0x1]  }
0x2e: {  	[tilespmem:s24], [sflag:$0x3] =	stream.linear.gather [hbm4b:s23+s21], $0x100, $0x38;
	[tilespmem:$0x17930] =	vst v63  }
0x2f: {  	_ =	swait.ge [sflag:s19], $0x100  }
0x30: {  	[sflag:s19] =	ssyncset.done $0x0  }
0x31: {  	[sflag:s19] =	ssyncadd.s32 $0xFFFFFF00  }
0x32: {  	s23 =	rddreg [dreg:$0x2]  }
0x33: {  	[tilespmem:s25], [sflag:$0x3] =	stream.linear.gather [hbm4b:s23+s21], $0x10, $0x38;
	[tilespmem:$0x17930] =	vst v63  }
0x34: {  	_ =	swait.ge [sflag:s19], $0x10  }
0x35: {  	[sflag:s19] =	ssyncset.done $0x0  }
0x36: {  	s21 =	simm.s32 $0x0;
	[sflag:s19] =	ssyncadd.s32 $0xFFFFFFF0  }
0x37: {  	v5 =	vld [tilespmem:s21+$0xD800]  }
0x38: {  	v6 =	vld [tilespmem:s21+$0x10000];
	_ =	sdelay $0x1  }
0x39: {  	v7 =	vld [tilespmem:s21+$0x8800];
	_ =	sdelay $0x1  }
0x3a: {  	v8 =	vld [tilespmem:s21+$0xB000]  }
0x3b: {  	v5 =	vadd.f32 v6, v5  }
0x3c: {  	v6 =	vld [tilespmem:$0x12900]  }
0x3d: {  	v5 =	vadd.f32 v7, v5;
	_ =	sdelay $0x1  }
0x3e: {  	v5 =	vmul.f32 v5, v8;
	_ =	sdelay $0x1  }
0x3f: {  	v5 =	vadd.f32 v5, v6;
	_ =	sdelay $0x1  }
0x40: {  	v5 =	vmax.f32 v5, $0.0e+00  }
0x41: {  	[tilespmem:$0x12918] =	vst v5;
	v5 =	vld [tilespmem:$0x12800]  }
0x42: {  	v6 =	vld.idx.msk [tilespmem:v1+s26+$0x0], $0xffff  }
0x43: {  	v7 =	vld [tilespmem:$0x12810]  }
0x44: {  	v8 =	vld.idx.msk [tilespmem:v2+s26+$0x0], $0xffff  }
0x45: {  	v10 =	vld [tilespmem:$0x12820]  }
0x46: {  	v9 =	vld.idx.msk [tilespmem:v3+s26+$0x0], $0xffff  }
0x47: {  	v11 =	vld.idx.msk [tilespmem:v4+s26+$0x0], $0xffff;
	v5 =	vmul.f32 v5, v6  }
0x48: {  	v6 =	vld [tilespmem:$0x12830]  }
0x49: {  	v7 =	vmul.f32 v7, v8;
	v5 =	vadd.f32 $0.0e+00, v5;
	_ =	sdelay $0x1  }
0x4a: {  	v5 =	vadd.f32 v7, v5;
	v7 =	vmul.f32 v10, v9  }
0x4b: {  	v8 =	vld [tilespmem:s21+$0xB000]  }
0x4c: {  	v6 =	vmul.f32 v6, v11;
	v5 =	vadd.f32 v7, v5;
	_ =	sdelay $0x1  }
0x4d: {  	v6 =	vadd.f32 v6, v5  }
0x4e: {  	s23 =	simm.s32 $0x10  }
0x4f: {  	s22 =	simm.s32 $0x80;
	v5 =	vld [tilespmem:s23+$0xD800];
	v6 =	vmul.f32 v6, v8  }
.LBB2_4:
0x50: {  	p1 =	sne.s32 s22, $0x9FC0;
	v7 =	vld [tilespmem:s23+$0x10000]  }
0x51: {  	[tilespmem:s21+$0x8800] =	vst v6;
	s21 =	smov.u32 s23  }
0x52: {  	v6 =	vld [tilespmem:s21+$0x8800];
	_ =	sdelay $0x1  }
0x53: {  	v8 =	vld [tilespmem:s21+$0xB000]  }
0x54: {  	v5 =	vadd.f32 v7, v5  }
0x55: {  	v7 =	vld [tilespmem:$0x12900]  }
0x56: {  	v5 =	vadd.f32 v6, v5;
	_ =	sdelay $0x1  }
0x57: {  	v5 =	vmul.f32 v5, v8;
	_ =	sdelay $0x1  }
0x58: {  	v5 =	vadd.f32 v5, v7;
	_ =	sdelay $0x1  }
0x59: {  	v5 =	vmax.f32 v5, $0.0e+00;
	v6 =	vld [tilespmem:$0x12810]  }
0x5a: {  	[tilespmem:$0x12918] =	vst v5;
	v5 =	vld [tilespmem:$0x12800]  }
0x5b: {  	v7 =	vld.idx.msk [tilespmem:v1+s26+$0x0], $0xffff  }
0x5c: {  	v8 =	vld.idx.msk [tilespmem:v2+s26+$0x0], $0xffff  }
0x5d: {  	v9 =	vld.idx.msk [tilespmem:v3+s26+$0x0], $0xffff  }
0x5e: {  	v10 =	vld.idx.msk [tilespmem:v4+s26+$0x0], $0xffff  }
0x5f: {  	v11 =	vld [tilespmem:s21+$0xB000]  }
0x60: {  	v12 =	vld [tilespmem:$0x12820]  }
0x61: {  	v5 =	vmul.f32 v5, v7  }
0x62: {  	v7 =	vld [tilespmem:$0x12830]  }
0x63: {  	v6 =	vmul.f32 v6, v8;
	v5 =	vadd.f32 $0.0e+00, v5;
	_ =	sdelay $0x1  }
0x64: {  	v5 =	vadd.f32 v6, v5;
	v6 =	vmul.f32 v12, v9;
	_ =	sdelay $0x1  }
.Ltmp1:
0x65: {  	v5 =	vadd.f32 v6, v5;
	v6 =	vmul.f32 v7, v10;
	(pc) =	sbr.rel @p1 .LBB2_4-.Ltmp1, $4  }
0x66: {  	_ = 	snop  }
0x67: {  	v6 =	vadd.f32 v6, v5  }
0x68: {  	s23 =	sshra.s32 s22, $0x2  }
0x69: {  	s22 =	sadd.s32 $0x40, s22;
	v5 =	vld [tilespmem:s23+$0xD800];
	v6 =	vmul.f32 v6, v11  }
0x6a: {  	v7 =	vld [tilespmem:s23+$0x10000]  }
0x6b: {  	[tilespmem:s21+$0x8800] =	vst v6  }
0x6c: {  	v6 =	vld [tilespmem:s23+$0x8800];
	_ =	sdelay $0x1  }
0x6d: {  	v8 =	vld [tilespmem:s23+$0xB000]  }
0x6e: {  	v5 =	vadd.f32 v7, v5  }
0x6f: {  	v7 =	vld [tilespmem:$0x12900]  }
0x70: {  	v5 =	vadd.f32 v6, v5;
	_ =	sdelay $0x1  }
0x71: {  	v5 =	vmul.f32 v5, v8;
	_ =	sdelay $0x1  }
0x72: {  	v5 =	vadd.f32 v5, v7;
	_ =	sdelay $0x1  }
0x73: {  	v5 =	vmax.f32 v5, $0.0e+00  }
0x74: {  	[tilespmem:$0x12918] =	vst v5;
	v5 =	vld [tilespmem:$0x12800]  }
0x75: {  	v6 =	vld.idx.msk [tilespmem:v1+s26+$0x0], $0xffff  }
0x76: {  	v7 =	vld [tilespmem:$0x12810]  }
0x77: {  	v62 =	vld.idx.msk [tilespmem:v2+s26+$0x0], $0xffff  }
0x78: {  	v10 =	vld [tilespmem:$0x12820]  }
0x79: {  	v9 =	vld.idx.msk [tilespmem:v3+s26+$0x0], $0xffff  }
0x7a: {  	v11 =	vld.idx.msk [tilespmem:v4+s26+$0x0], $0xffff;
	v5 =	vmul.f32 v5, v6  }
0x7b: {  	v6 =	vld [tilespmem:$0x12830]  }
0x7c: {  	v7 =	vmul.f32 v7, v62;
	v5 =	vadd.f32 $0.0e+00, v5;
	_ =	sdelay $0x1  }
0x7d: {  	v5 =	vadd.f32 v7, v5;
	v7 =	vmul.f32 v10, v9  }
0x7e: {  	v63 =	vld [tilespmem:s23+$0xB000]  }
0x7f: {  	v6 =	vmul.f32 v6, v11;
	v5 =	vadd.f32 v7, v5;
	_ =	sdelay $0x1  }
0x80: {  	v5 =	vadd.f32 v6, v5;
	_ =	sdelay $0x1  }
0x81: {  	v5 =	vmul.f32 v5, v63;
	_ =	sdelay $0x1  }
0x82: {  	[tilespmem:s23+$0x8800] =	vst v5  }
0x83: {  	[spmem:s12] =	stream.linear.scatter [tilespmem:s20], [sflag:$0x3], $0x2800, $0x38;
	[tilespmem:$0x17930] =	vst v63  }
0x84: {  	_ =	swait.ge [sflag:s19], $0x2800  }
0x85: {  	[sflag:s19] =	ssyncset.done $0x0  }
0x86: {  	s22 =	simm.s32 @!p0 $0x8800;
	s21 =	simm.s32 @!p0 $0x0;
	[sflag:s19] =	ssyncadd.s32 $0xFFFFD800  }
0x87: {  	[hbm4b:s13+s21] =	stream.linear.scatter @!p0 [tilespmem:s22], [sflag:$0x3], $0x2800, $0x38;
	[tilespmem:$0x17930] =	vst v63  }
0x88: {  	s21 =	simm.s32 @!p0 $0x3  }
0x89: {  	_ =	swait.ge @!p0 [sflag:s21], $0x2800  }
0x8a: {  	[sflag:s21] =	ssyncset.done @!p0 $0x0  }
0x8b: {  	[sflag:s21] =	ssyncadd.s32 @!p0 $0xFFFFD800  }
0x8c: {  	s22 =	simm.s32 $0x0;
	[bflag:$0x0] =	sbarrier.arrive $0xFFFF  }
0x8d: {  	[tilespmem:s22], [sflag:$0x3] =	stream.linear.gather [hbm4b:s14+s22], $0x2800, $0x38;
	[tilespmem:$0x17930] =	vst v63  }
0x8e: {  	_ =	swait.ge [sflag:s19], $0x2800  }
0x8f: {  	[sflag:s19] =	ssyncset.done $0x0  }
0x90: {  	[sflag:s19] =	ssyncadd.s32 $0xFFFFD800  }
0x91: {  	[tilespmem:s28], [sflag:$0x3] =	stream.linear.gather [hbm4b:s15+s22], $0x2800, $0x38;
	[tilespmem:$0x17930] =	vst v63  }
0x92: {  	_ =	swait.ge [sflag:s19], $0x2800  }
0x93: {  	[sflag:s19] =	ssyncset.done $0x0  }
0x94: {  	[sflag:s19] =	ssyncadd.s32 $0xFFFFD800  }
0x95: {  	[tilespmem:s30], [sflag:$0x1] =	stream.indirect.gather [spmem:s5], $0x10, s22, s29, $0xb8;
	[tilespmem:$0x17930] =	vst v63  }
0x96: {  	_ = 	snop  }
0x97: {  	[tilespmem:s31], [sflag:$0x2] =	stream.indirect.gather [spmem:s5], $0x10, s29, s29, $0xb8;
	[tilespmem:$0x17930] =	vst v63  }
0x98: {  	_ =	swait.ge [sflag:s3], $0x800  }
0x99: {  	[sflag:s3] =	ssyncset.done $0x0  }
0x9a: {  	s23 =	simm.s32 $0x2800;
	[sflag:s3] =	ssyncadd.s32 $0xFFFFF800  }
0x9b: {  	[spmem:s4] =	stream.indirect.scatter.add.f32 [tilespmem:s30], [sflag:$0x3], $0x10, s23, s29, $0xb8;
	[tilespmem:$0x17930] =	vst v63  }
0x9c: {  	_ =	swait.ge [sflag:s19], $0x800  }
0x9d: {  	[sflag:s19] =	ssyncset.done $0x0  }
0x9e: {  	s22 =	simm.s32 $0x100;
	[sflag:s19] =	ssyncadd.s32 $0xFFFFF800  }
0x9f: {  	[tilespmem:s30], [sflag:$0x1] =	stream.indirect.gather [spmem:s5], $0x10, s22, s29, $0xb8;
	[tilespmem:$0x17930] =	vst v63  }
0xa0: {  	_ =	swait.ge [sflag:s0], $0x800  }
0xa1: {  	[sflag:s0] =	ssyncset.done $0x0  }
0xa2: {  	s23 =	simm.s32 $0x2880;
	[sflag:s0] =	ssyncadd.s32 $0xFFFFF800  }
0xa3: {  	[spmem:s4] =	stream.indirect.scatter.add.f32 [tilespmem:s31], [sflag:$0x3], $0x10, s23, s29, $0xb8;
	[tilespmem:$0x17930] =	vst v63  }
0xa4: {  	_ =	swait.ge [sflag:s19], $0x800  }
0xa5: {  	[sflag:s19] =	ssyncset.done $0x0  }
0xa6: {  	s21 =	simm.s32 $0x400;
	s22 =	simm.s32 $0x180;
	[sflag:s19] =	ssyncadd.s32 $0xFFFFF800  }
.LBB2_6:
0xa7: {  	[tilespmem:s31], [sflag:$0x2] =	stream.indirect.gather [spmem:s5], $0x10, s22, s29, $0xb8;
	[tilespmem:$0x17930] =	vst v63  }
0xa8: {  	s22 =	smov.u32 s21  }
0xa9: {  	p1 =	sne.s32 s21, $0x9800;
	s21 =	sadd.s32 $0x400, s21;
	_ =	swait.ge [sflag:s3], $0x800  }
0xaa: {  	s22 =	sshra.s32 s22, $0x2;
	[sflag:s3] =	ssyncset.done $0x0  }
0xab: {  	s23 =	sadd.s32 $0x2800, s22;
	[sflag:s3] =	ssyncadd.s32 $0xFFFFF800  }
0xac: {  	[spmem:s4] =	stream.indirect.scatter.add.f32 [tilespmem:s30], [sflag:$0x3], $0x10, s23, s29, $0xb8;
	[tilespmem:$0x17930] =	vst v63  }
0xad: {  	_ =	swait.ge [sflag:s19], $0x800  }
0xae: {  	[sflag:s19] =	ssyncset.done $0x0  }
0xaf: {  	s23 =	sadd.s32 $0x100, s22;
	[sflag:s19] =	ssyncadd.s32 $0xFFFFF800  }
0xb0: {  	[tilespmem:s30], [sflag:$0x1] =	stream.indirect.gather [spmem:s5], $0x10, s23, s29, $0xb8;
	[tilespmem:$0x17930] =	vst v63  }
0xb1: {  	_ =	swait.ge [sflag:s0], $0x800  }
0xb2: {  	[sflag:s0] =	ssyncset.done $0x0  }
.Ltmp2:
0xb3: {  	s23 =	sadd.s32 $0x2880, s22;
	[sflag:s0] =	ssyncadd.s32 $0xFFFFF800;
	(pc) =	sbr.rel @p1 .LBB2_6-.Ltmp2, $4  }
0xb4: {  	[spmem:s4] =	stream.indirect.scatter.add.f32 [tilespmem:s31], [sflag:$0x3], $0x10, s23, s29, $0xb8;
	[tilespmem:$0x17930] =	vst v63  }
0xb5: {  	_ =	swait.ge [sflag:s19], $0x800  }
0xb6: {  	[sflag:s19] =	ssyncset.done $0x0  }
0xb7: {  	s22 =	sadd.s32 $0x180, s22;
	[sflag:s19] =	ssyncadd.s32 $0xFFFFF800  }
0xb8: {  	[tilespmem:s31], [sflag:$0x2] =	stream.indirect.gather [spmem:s5], $0x10, s22, s29, $0xb8;
	[tilespmem:$0x17930] =	vst v63  }
0xb9: {  	_ =	swait.ge [sflag:s3], $0x800  }
0xba: {  	[sflag:s3] =	ssyncset.done $0x0  }
0xbb: {  	[sflag:s3] =	ssyncadd.s32 $0xFFFFF800  }
0xbc: {  	[spmem:s4] =	stream.indirect.scatter.add.f32 [tilespmem:s30], [sflag:$0x3], $0x10, s1, s29, $0xb8;
	[tilespmem:$0x17930] =	vst v63  }
0xbd: {  	_ =	swait.ge [sflag:s19], $0x800  }
0xbe: {  	[sflag:s19] =	ssyncset.done $0x0  }
0xbf: {  	[sflag:s19] =	ssyncadd.s32 $0xFFFFF800  }
0xc0: {  	_ =	swait.ge [sflag:s0], $0x800  }
0xc1: {  	[sflag:s0] =	ssyncset.done $0x0  }
0xc2: {  	[sflag:s0] =	ssyncadd.s32 $0xFFFFF800  }
0xc3: {  	[spmem:s4] =	stream.indirect.scatter.add.f32 [tilespmem:s31], [sflag:$0x3], $0x10, s2, s29, $0xb8;
	[tilespmem:$0x17930] =	vst v63  }
0xc4: {  	_ =	swait.ge [sflag:s19], $0x800  }
0xc5: {  	[sflag:s19] =	ssyncset.done $0x0  }
0xc6: {  	[sflag:s19] =	ssyncadd.s32 $0xFFFFF800  }
0xc7: {  	[bflag:$0x0] =	sbarrier.arrive $0xFFFF  }
0xc8: {  	[tilespmem:s18], [sflag:$0x3] =	stream.linear.gather [spmem:s7], $0x2800, $0x38;
	[tilespmem:$0x17930] =	vst v63  }
0xc9: {  	s6 =	sadd.s32 $0x1, s6;
	_ =	swait.ge [sflag:s19], $0x2800  }
0xca: {  	p1 =	sne.s32 s6, s17;
	[sflag:s19] =	ssyncset.done $0x0  }
.Ltmp3:
0xcb: {  	s21 =	simm.s32 $0x0;
	[sflag:s19] =	ssyncadd.s32 $0xFFFFD800;
	(pc) =	sbr.rel @p1 .LBB2_1-.Ltmp3, $4  }
0xcc: {  	[hbm4b:s16+s21] =	stream.linear.scatter [tilespmem:s18], [sflag:$0x3], $0x2800, $0x38;
	[tilespmem:$0x17930] =	vst v63  }
0xcd: {  	_ =	swait.ge [sflag:s19], $0x2800  }
0xce: {  	[sflag:s19] =	ssyncset.done $0x0  }
0xcf: {  	[sflag:s19] =	ssyncadd.s32 $0xFFFFD800  }
0xd0: {  	_ =	sfence.sel $0x180000  }
0xd1: {  	[bflag:$0x0] =	sbarrier.arrive $0xFFFF  }
0xd2: {  	_ =	strace $0x9000004D  }
0xd3: {  	s0 =	stileid.u32;
	[bflag:$0x2] =	sbarrier.arrive $0xFFFF  }
0xd4: {  	p0 =	sne.s32 s0, $0x0;
	s0 =	rddreg [dreg:$0x5]  }
0xd5: {  	s0 =	sadd.s32 @!p0 $0x100000, s0  }
0xd6: {  	[sflag:s0] =	ssyncadd.tile.s32 @!p0 $0x1;
	_ =	shalt  }
.Lfunc_end2:
_tile_overlayer_lowered:
.L_overlay_start_2:
0xd7: {  	(tag) =	ssettag $0x2  }
0xd8: {  	s0 =	rddreg [dreg:$0x0];
	s2 =	stileid.u32  }
0xd9: {  	s1 =	rddreg [dreg:$0x1];
	p0 =	sne.s32 s2, $0x0  }
0xda: {  	s3 =	rddreg [dreg:$0x2];
	[bflag:$0x3] =	sbarrier.arrive $0xFFFF;
	s2 =	simm.s32 @!p0 $0x1C03  }
0xdb: {  	[timem:s3], [sflag:s2] =	dma.local @!p0 [hbm:s0], s1  }
0xdc: {  	s0 =	simm.s32 @!p0 $0x3  }
0xdd: {  	_ =	swait.ge @!p0 [sflag:s0], s1  }
0xde: {  	s1 =	ssub.s32 @!p0 $0x0, s1;
	[sflag:s0] =	ssyncset.done @!p0 $0x0  }
0xdf: {  	[sflag:s0] =	ssyncadd.s32 @!p0 s1  }
0xe0: {  	[bflag:$0x3] =	sbarrier.arrive $0xFFFF  }
0xe1: {  	_ =	shalt  }

// kernel: kernel.16.cloned.1.call-start
scs
__scs_entry_jumppad:
0x0: {  	(pc) =	sbr.rel $0x88, $3  }
0x1: {  	(tag) =	ssettag $0x0;
	lr =	simm.s32 $0x1  }
0x2: {  	[smem:$0x3F9B] =	sst lr;
	_ =	strace $0xD0000000  }
0x3: {  	_ = 	snop  }
0x4: {  	_ = 	snop  }
0x5: {  	_ = 	snop  }
0x6: {  	_ = 	snop  }
0x7: {  	_ = 	snop  }
__scs_overlays_trampoline_lowered:
0x8: {  	[smem:$0x3FAA] =	sst s0  }
0x9: {  	[smem:$0x3FAB] =	sst s1  }
0xa: {  	[smem:$0x3FAC] =	sst s2  }
0xb: {  	[smem:$0x3FAD] =	sst s3  }
0xc: {  	[smem:$0x3FAE] =	sst s4  }
0xd: {  	[smem:$0x3FAF] =	sst s5  }
0xe: {  	[smem:$0x3FB0] =	sst s6  }
0xf: {  	[smem:$0x3FB1] =	sst s7  }
0x10: {  	[smem:$0x3FB2] =	sst s8  }
0x11: {  	[smem:$0x3FB3] =	sst s9;
	s0 =	simm.s32 @!p0 $0x0  }
0x12: {  	s1 =	sld [smem:$0x3F99];
	s0 =	simm.s32 @p0 $0x1  }
0x13: {  	[smem:$0x3FB4] =	sst s0;
	s0 =	simm.s32 @!p1 $0x0  }
0x14: {  	s2 =	sld [smem:$0x3F98];
	s0 =	simm.s32 @p1 $0x1  }
0x15: {  	[smem:$0x3FB5] =	sst s0;
	s0 =	simm.s32 @!p2 $0x0  }
0x16: {  	s3 =	sld [smem:$0x3FDB];
	s0 =	simm.s32 @p2 $0x1  }
0x17: {  	s4 =	simm.s32 $0x1BF5;
	[smem:$0x3FB7] =	sst s0  }
0x18: {  	s0 =	sld [smem:$0x3F9A];
	_ =	swait.ge [sflag:s4], $0x0  }
0x19: {  	s7 =	sld [smem:$0x3F9B]  }
0x1a: {  	s8 =	sadd.s32 $0xFFFFE003, lr  }
0x1b: {  	s9 =	sadd.s32 $0xFFFFFEF7, lr;
	s5 =	simm.s32 $0xFFFFFFFF;
	p2 =	slt.u32 s8, $0xFFFFF086  }
0x1c: {  	p1 =	slt.u32 s9, $0xF7A;
	s5 =	simm.s32 @!p2 $0x0  }
0x1d: {  	s5 =	simm.s32 @p1 $0x1;
	p0 =	seq.s32 s7, s2  }
0x1e: {  	s7 =	smul.u32 @!p0 $0xF7A, s2;
	p2 =	seq.s32 @!p0 s5, $0x0  }
0x1f: {  	s9 =	smul.u32 $0xF7A, s1;
	s8 =	simm.s32 @!p0 $0x1BF5;
	p2 =	por !p2, p0  }
0x20: {  	[sflag:s8] =	ssyncset.s32 @!p0 $0xFFFFF086;
	s6 =	sadd.s32 @!p0 s3, s7;
	s7 =	simm.s32 @!p0 $0x108  }
0x21: {  	s3 =	sadd.s32 s3, s9;
	s6 =	sadd.s32 @!p0 $0x88, s6;
	s7 =	simm.s32 @p2 $0x1082  }
0x22: {  	[simem:s7], [sflag:s8] =	dma.local @!p0 [hbm:s6], $0xF7A  }
0x23: {  	s9 =	sor.u32 $0xD0000000, s2;
	s6 =	simm.s32 $0x108;
	_ =	swait.ge @!p0 [sflag:s8], $0x0  }
0x24: {  	s3 =	sadd.s32 $0x88, s3;
	s6 =	simm.s32 @!p1 $0x1082;
	[sflag:s4] =	ssyncset.s32 $0xFFFFF086  }
0x25: {  	[simem:s6], [sflag:s4] =	dma.local [hbm:s3], $0xF7A  }
0x26: {  	[smem:$0x3F9B] =	sst s1;
	(tag) =	ssettag s2;
	_ =	strace s9  }
0x27: {  	s1 =	sld [smem:$0x3FAB]  }
0x28: {  	s2 =	sld [smem:$0x3FAC]  }
0x29: {  	s4 =	sld [smem:$0x3FAE]  }
0x2a: {  	p0 =	seq.s32 s5, $0x0;
	s5 =	sld [smem:$0x3FAF]  }
0x2b: {  	s6 =	sld [smem:$0x3FB0]  }
0x2c: {  	s7 =	sld [smem:$0x3FB1]  }
0x2d: {  	s3 =	simm.s32 $0x108;
	s8 =	sld [smem:$0x3FB2]  }
0x2e: {  	s3 =	simm.s32 @!p0 $0x1082;
	s9 =	sld [smem:$0x3FB3]  }
0x2f: {  	lr =	sadd.s32 s0, s3;
	s0 =	sld [smem:$0x3FAA]  }
0x30: {  	s3 =	sld [smem:$0x3FAD]  }
0x31: {  	[smem:$0x3FB6] =	sst s10  }
0x32: {  	s10 =	sld [smem:$0x3FB4];
	_ =	sdelay $0x3  }
0x33: {  	p0 =	seq.s32 s10, $0x1;
	s10 =	sld [smem:$0x3FB6];
	_ =	sdelay $0x3  }
0x34: {  	[smem:$0x3FB6] =	sst s10  }
0x35: {  	s10 =	sld [smem:$0x3FB5];
	_ =	sdelay $0x3  }
0x36: {  	p1 =	seq.s32 s10, $0x1;
	s10 =	sld [smem:$0x3FB6];
	_ =	sdelay $0x3  }
0x37: {  	[smem:$0x3FB6] =	sst s10  }
0x38: {  	s10 =	sld [smem:$0x3FB7]  }
0x39: {  	_ = 	snop;
	(pc) =	sbr.ind lr, $3  }
0x3a: {  	_ = 	snop  }
0x3b: {  	_ = 	snop  }
0x3c: {  	p2 =	seq.s32 s10, $0x1;
	s10 =	sld [smem:$0x3FB6]  }
0x3d: {  	_ =	shalt  }
0x3e: {  	_ =	shalt  }
0x3f: {  	_ =	shalt  }
0x40: {  	_ =	shalt  }
0x41: {  	_ =	shalt  }
0x42: {  	_ =	shalt  }
0x43: {  	_ =	shalt  }
0x44: {  	_ =	shalt  }
0x45: {  	_ =	shalt  }
0x46: {  	_ =	shalt  }
0x47: {  	_ =	shalt  }
0x48: {  	_ =	shalt  }
0x49: {  	_ =	shalt  }
0x4a: {  	_ =	shalt  }
0x4b: {  	_ =	shalt  }
0x4c: {  	_ =	shalt  }
0x4d: {  	_ =	shalt  }
0x4e: {  	_ =	shalt  }
0x4f: {  	_ =	shalt  }
0x50: {  	_ =	shalt  }
0x51: {  	_ =	shalt  }
0x52: {  	_ =	shalt  }
0x53: {  	_ =	shalt  }
0x54: {  	_ =	shalt  }
0x55: {  	_ =	shalt  }
0x56: {  	_ =	shalt  }
0x57: {  	_ =	shalt  }
0x58: {  	_ =	shalt  }
0x59: {  	_ =	shalt  }
0x5a: {  	_ =	shalt  }
0x5b: {  	_ =	shalt  }
0x5c: {  	_ =	shalt  }
0x5d: {  	_ =	shalt  }
0x5e: {  	_ =	shalt  }
0x5f: {  	_ =	shalt  }
0x60: {  	_ =	shalt  }
0x61: {  	_ =	shalt  }
0x62: {  	_ =	shalt  }
0x63: {  	_ =	shalt  }
0x64: {  	_ =	shalt  }
0x65: {  	_ =	shalt  }
0x66: {  	_ =	shalt  }
0x67: {  	_ =	shalt  }
0x68: {  	_ =	shalt  }
0x69: {  	_ =	shalt  }
0x6a: {  	_ =	shalt  }
0x6b: {  	_ =	shalt  }
0x6c: {  	_ =	shalt  }
0x6d: {  	_ =	shalt  }
0x6e: {  	_ =	shalt  }
0x6f: {  	_ =	shalt  }
0x70: {  	_ =	shalt  }
0x71: {  	_ =	shalt  }
0x72: {  	_ =	shalt  }
0x73: {  	_ =	shalt  }
0x74: {  	_ =	shalt  }
0x75: {  	_ =	shalt  }
0x76: {  	_ =	shalt  }
0x77: {  	_ =	shalt  }
0x78: {  	_ =	shalt  }
0x79: {  	_ =	shalt  }
0x7a: {  	_ =	shalt  }
0x7b: {  	_ =	shalt  }
0x7c: {  	_ =	shalt  }
0x7d: {  	_ =	shalt  }
0x7e: {  	_ =	shalt  }
0x7f: {  	_ =	shalt  }
0x80: {  	_ =	shalt  }
0x81: {  	_ =	shalt  }
0x82: {  	_ =	shalt  }
0x83: {  	_ =	shalt  }
0x84: {  	_ =	shalt  }
0x85: {  	_ =	shalt  }
0x86: {  	_ =	shalt  }
0x87: {  	_ =	shalt  }
.Lfunc_end0:
.L_simem_size_0:
called_computation.3_lowered:
.L_overlay_start_0:
0x88: {  	s2 =	sld [smem:$0x3FD9]  }
0x89: {  	s3 =	sld [smem:$0x3FFE];
	_ =	sdelay $0x1  }
0x8a: {  	s1 =	srdreg.scid  }
0x8b: {  	s0 =	sand.u32 $0x1, s1  }
0x8c: {  	s17 =	sshll.u32 s0, $0xA;
	s2 =	sadd.s32 s3, s2  }
0x8d: {  	s2 =	sadd.s32 s2, s17  }
0x8e: {  	[smem:$0x3FC2] =	sst s2  }
0x8f: {  	_ = 	snop  }
0x90: {  	s2 =	sld [smem:$0x3FC4];
	(tm) =	ssettm $0x1  }
0x91: {  	s18 =	sld [smem:$0x3FFB];
	_ =	sdelay $0x3  }
0x92: {  	_ =	strace s18  }
0x93: {  	s3 =	sld [smem:$0x3FFC];
	_ =	sdelay $0x3  }
0x94: {  	_ =	strace s3  }
0x95: {  	s3 =	sld [smem:$0x3FFD];
	_ =	sdelay $0x3  }
0x96: {  	_ =	strace s3  }
0x97: {  	_ =	strace $0x8FFFFFFF  }
0x98: {  	s19 =	sld [smem:$0x3FDB];
	_ =	sdelay $0x1  }
0x99: {  	s4 =	simm.s32 $_scs_section_size  }
0x9a: {  	s5 =	simm.s32 $_size__tile_overlayer_lowered;
	s6 =	simm.s32 $_tile_overlayer_lowered  }
0x9b: {  	s22 =	simm.s32 $0x1BFF;
	s21 =	sshll.u32 s6, $0x1;
	s3 =	sadd.s32 s4, s19  }
0x9c: {  	s7 =	simm.s32 $0x0;
	s20 =	sshll.u32 s5, $0x1;
	s5 =	sadd.s32 s21, s3  }
0x9d: {  	[timem:s7], [sflag:s22] =	dma.local [hbm:s5], s20  }
0x9e: {  	_ =	swait.ge [sflag:s22], s20  }
0x9f: {  	s4 =	ssub.s32 $0x0, s20;
	[sflag:s22] =	ssyncset.done $0x0  }
0xa0: {  	[sflag:s22] =	ssyncadd.s32 s4;
	_ =	sdelay $0x1  }
0xa1: {  	s23 =	simm.s32 $0x1B8B  }
0xa2: {  	_ =	swait.ge [sflag:s23], $0x1  }
0xa3: {  	[sflag:s23] =	ssyncset.done $0x0  }
0xa4: {  	s25 =	simm.s32 $0x1B8E;
	s24 =	sld [smem:$0x3FFE];
	[sflag:s23] =	ssyncadd.s32 $0xFFFFFFFF  }
0xa5: {  	s26 =	simm.s32 $execute0_lowered;
	[smem:$0x3FD2] =	sst s25  }
0xa6: {  	s5 =	sshll.u32 s26, $0x1;
	_ =	strace $0x8000004F;
	[dreg:$0x1] =	wrdreg $0xFFFFFFFF  }
0xa7: {  	s28 =	simm.s32 $_size_execute0_lowered;
	s3 =	sadd.s32 s3, s5;
	[dreg:$0x0] =	wrdreg $0x0  }
0xa8: {  	s5 =	sshll.u32 s28, $0x1;
	[dreg:$0x2] =	wrdreg s3  }
0xa9: {  	[dreg:$0x3] =	wrdreg s5  }
0xaa: {  	[dreg:$0x4] =	wrdreg $0xC0  }
0xab: {  	_ =	task [dreg:s7], $0x5FFFF  }
0xac: {  	[dreg:$0x1] =	wrdreg $0xFFFFFFFF  }
0xad: {  	[dreg:$0x0] =	wrdreg $0x60  }
0xae: {  	[dreg:$0x2] =	wrdreg s24  }
0xaf: {  	[dreg:$0x3] =	wrdreg s2  }
0xb0: {  	[dreg:$0x4] =	wrdreg $0x9  }
0xb1: {  	_ =	task.clear_ibuf [dreg:s7], $0x5FFFF;
	_ =	strace $0x9000004F  }
0xb2: {  	s29 =	simm.s32 $0x9;
	_ =	strace $0x80000051  }
0xb3: {  	_ =	swait.ge [sflag:s29], $0x1  }
0xb4: {  	[sflag:s29] =	ssyncadd.s32 $0xFFFFFFFF  }
0xb5: {  	_ =	strace $0x90000051  }
0xb6: {  	_ =	sfence  }
0xb7: {  	s30 =	sld [smem:$0x0];
	_ =	sdelay $0x2  }
0xb8: {  	s31 =	sshll.u32 s1, $0xD;
	s1 =	sshrl.u32 s1, $0x2  }
0xb9: {  	s3 =	sand.u32 $0x4000, s31;
	s1 =	sadd.s32 s1, s30  }
0xba: {  	s0 =	sor.u32 s3, s0;
	s1 =	sshll.u32 s1, $0x11  }
0xbb: {  	s0 =	sor.u32 s1, s0  }
0xbc: {  	s0 =	sadd.s32 $0x8F2B, s0  }
0xbd: {  	[sflag:s0] =	ssyncadd.remote.s32 $0x1  }
0xbe: {  	_ =	sfence.sel $0xFFFF  }
0xbf: {  	[dreg:$0x0] =	wrdreg $0xFFFFFFFF;
	(pc) =	sbr.abs _section_cstart, $3  }
0xc0: {  	[dreg:$0x1] =	wrdreg $0xFFFFFFFF  }
0xc1: {  	_ =	task.clear_ibuf [dreg:s7], $0x2FFFF;
	_ =	strace $0x9FFFFFFF  }
0xc2: {  	(tm) =	ssettm $0x7FFFFFFF  }
0xc3: {  	_ =	shalt  }
tec
execute0_lowered:
.L_overlay_start_1:
0x0: {  	(tag) =	ssettag $0x1  }
0x1: {  	s1 =	srdreg.scid;
	s5 =	rddreg [dreg:$0x0]  }
0x2: {  	s0 =	stileid.u32;
	s2 =	rddreg [dreg:$0x1];
	s3 =	simm.s32 $0x0  }
0x3: {  	s11 =	simm.s32 $0x1;
	s12 =	simm.s32 $0x1400;
	s13 =	simm.s32 $0x2800  }
0x4: {  	s14 =	simm.s32 $0x3C00;
	s4 =	sand.u32 $0x1, s1;
	s31 =	sshll.u32 s0, $0x1  }
0x5: {  	s15 =	simm.s32 $0x7800;
	s16 =	simm.s32 $0x5000;
	s1 =	sor.u32 s4, s31  }
0x6: {  	s17 =	simm.s32 $0x6400;
	s4 =	ssub.s32 $0x2, s4;
	s6 =	smul.u32 $0x1400, s1  }
0x7: {  	s18 =	simm.s32 $0x0;
	[smem:$0x7FF] =	sst s3;
	s7 =	sshrl.u32 s4, $0x1  }
0x8: {  	s1 =	rddreg [dreg:$0x2];
	s10 =	ssub.s32 s4, s7;
	s6 =	sshrl.u32 s6, $0x3  }
0x9: {  	_ =	strace $0x80000050;
	s10 =	smax.u32 s10, $0x1;
	s9 =	sadd.s32 s6, s5  }
0xa: {  	s4 =	sadd.s32 $0x16400, s9;
	s5 =	sadd.s32 $0x34400, s9;
	s6 =	sadd.s32 $0xC400, s9  }
0xb: {  	s7 =	sadd.s32 $0x11400, s9;
	s8 =	sadd.s32 $0x7400, s9;
	s9 =	sadd.s32 $0x2400, s9  }
.LBB2_1:
0xc: {  	[tilespmem:s3], [sflag:$0x1] =	stream.linear.gather [hbm4b:s4+s3], $0x1400, $0x38;
	[tilespmem:$0x7810] =	vst v63  }
0xd: {  	_ =	swait.ge [sflag:s11], $0x1400  }
0xe: {  	[sflag:s11] =	ssyncset.done $0x0  }
0xf: {  	[sflag:s11] =	ssyncadd.s32 $0xFFFFEC00  }
0x10: {  	[tilespmem:s12], [sflag:$0x1] =	stream.linear.gather [hbm4b:s5+s3], $0x1400, $0x38;
	[tilespmem:$0x7810] =	vst v63  }
0x11: {  	_ =	swait.ge [sflag:s11], $0x1400  }
0x12: {  	[sflag:s11] =	ssyncset.done $0x0  }
0x13: {  	[sflag:s11] =	ssyncadd.s32 $0xFFFFEC00  }
0x14: {  	[tilespmem:s13], [sflag:$0x1] =	stream.linear.gather [hbm4b:s6+s3], $0x1400, $0x38;
	[tilespmem:$0x7810] =	vst v63  }
0x15: {  	_ =	swait.ge [sflag:s11], $0x1400  }
0x16: {  	[sflag:s11] =	ssyncset.done $0x0  }
0x17: {  	[sflag:s11] =	ssyncadd.s32 $0xFFFFEC00  }
0x18: {  	[tilespmem:s14], [sflag:$0x1] =	stream.linear.gather [hbm4b:s7+s3], $0x1400, $0x38;
	[tilespmem:$0x7810] =	vst v63  }
0x19: {  	_ =	swait.ge [sflag:s11], $0x1400  }
0x1a: {  	[sflag:s11] =	ssyncset.done $0x0  }
0x1b: {  	[sflag:s11] =	ssyncadd.s32 $0xFFFFEC00  }
0x1c: {  	[tilespmem:s15], [sflag:$0x1] =	stream.linear.gather [hbm4b:s2+s3], $0x10, $0x38;
	[tilespmem:$0x7810] =	vst v63  }
0x1d: {  	_ =	swait.ge [sflag:s11], $0x10  }
0x1e: {  	[sflag:s11] =	ssyncset.done $0x0  }
0x1f: {  	s19 =	simm.s32 $0x0;
	[sflag:s11] =	ssyncadd.s32 $0xFFFFFFF0  }
0x20: {  	v0 =	vld [tilespmem:s19+$0x2800]  }
0x21: {  	v1 =	vld [tilespmem:s19+$0x3C00];
	_ =	sdelay $0x1  }
0x22: {  	v2 =	vld [tilespmem:s19+$0x0];
	_ =	sdelay $0x1  }
0x23: {  	v3 =	vld [tilespmem:s19+$0x1400]  }
0x24: {  	v0 =	vadd.f32 v1, v0  }
0x25: {  	v1 =	vld [tilespmem:$0x7800]  }
0x26: {  	v0 =	vadd.f32 v2, v0;
	_ =	sdelay $0x1  }
0x27: {  	v0 =	vmul.f32 v0, v3;
	_ =	sdelay $0x1  }
0x28: {  	v1 =	vadd.f32 v0, v1;
	_ =	sdelay $0x1  }
0x29: {  	(xrf0) =	vmax.scan.msk.f32 $0xffff, v1;
	_ =	sdelay $0x5  }
0x2a: {  	v0, _, _ =	vpop (xrf0)  }
0x2b: {  	v0 =	vbroadcast v0, $0xF;
	_ =	sdelay $0x1  }
0x2c: {  	v0 =	vsub.f32 v1, v0;
	_ =	sdelay $0x1  }
0x2d: {  	v0 =	vmul.f32 $1.442695020e+00, v0;
	_ =	sdelay $0x1  }
0x2e: {  	(erf) = vpow2.f32 v0;
	_ =	sdelay $0x8  }
0x2f: {  	v0 =	vpop (erf)  }
0x30: {  	(xrf2) =	vadd.scan.msk.f32 $0xffff, v0;
	_ =	sdelay $0x9  }
0x31: {  	v2, _, _ =	vpop (xrf2)  }
0x32: {  	v2 =	vbroadcast v2, $0xF;
	_ =	sdelay $0x1  }
0x33: {  	(erf) = vrcp.f32 v2;
	_ =	sdelay $0x4  }
0x34: {  	s21 =	simm.s32 $0x10;
	[tilespmem:s19+$0x5000] =	vst v1  }
0x35: {  	s20 =	simm.s32 $0x80;
	v1 =	vld [tilespmem:s21+$0x2800]  }
.LBB2_2:
0x36: {  	p0 =	sne.s32 s20, $0x4FC0;
	v2 =	vld [tilespmem:s21+$0x3C00];
	_ =	sdelay $0x1  }
0x37: {  	v3 =	vld [tilespmem:s21+$0x0];
	v4 =	vpop (erf)  }
0x38: {  	v0 =	vmul.f32 v4, v0  }
0x39: {  	v4 =	vld [tilespmem:s21+$0x1400]  }
0x3a: {  	v1 =	vadd.f32 v2, v1;
	[tilespmem:s19+$0x6400] =	vst v0;
	s19 =	smov.u32 s21  }
0x3b: {  	v0 =	vld [tilespmem:$0x7800]  }
0x3c: {  	v1 =	vadd.f32 v3, v1;
	_ =	sdelay $0x1  }
0x3d: {  	v1 =	vmul.f32 v1, v4;
	_ =	sdelay $0x1  }
0x3e: {  	v0 =	vadd.f32 v1, v0;
	_ =	sdelay $0x1  }
0x3f: {  	[tilespmem:s19+$0x5000] =	vst v0;
	(xrf0) =	vmax.scan.msk.f32 $0xffff, v0;
	_ =	sdelay $0x5  }
0x40: {  	v1, _, _ =	vpop (xrf0)  }
0x41: {  	v1 =	vbroadcast v1, $0xF;
	_ =	sdelay $0x1  }
0x42: {  	v0 =	vsub.f32 v0, v1;
	_ =	sdelay $0x1  }
0x43: {  	v0 =	vmul.f32 $1.442695020e+00, v0;
	_ =	sdelay $0x1  }
0x44: {  	(erf) = vpow2.f32 v0;
	_ =	sdelay $0x8  }
0x45: {  	v0 =	vpop (erf)  }
0x46: {  	(xrf2) =	vadd.scan.msk.f32 $0xffff, v0;
	_ =	sdelay $0x9  }
0x47: {  	v1, _, _ =	vpop (xrf2)  }
0x48: {  	v1 =	vbroadcast v1, $0xF;
	_ =	sdelay $0x1  }
0x49: {  	(erf) = vrcp.f32 v1;
	_ =	sdelay $0x1  }
.Ltmp0:
0x4a: {  	(pc) =	sbr.rel @p0 .LBB2_2-.Ltmp0, $3  }
0x4b: {  	_ =	sdelay $0x1  }
0x4c: {  	s21 =	sshra.s32 s20, $0x2  }
0x4d: {  	s20 =	sadd.s32 $0x40, s20;
	v1 =	vld [tilespmem:s21+$0x2800]  }
0x4e: {  	v2 =	vld [tilespmem:s21+$0x3C00];
	_ =	sdelay $0x1  }
0x4f: {  	v3 =	vld [tilespmem:s21+$0x0];
	v4 =	vpop (erf)  }
0x50: {  	v0 =	vmul.f32 v4, v0  }
0x51: {  	v61 =	vld [tilespmem:s21+$0x1400]  }
0x52: {  	v1 =	vadd.f32 v2, v1;
	[tilespmem:s19+$0x6400] =	vst v0  }
0x53: {  	v0 =	vld [tilespmem:$0x7800]  }
0x54: {  	v1 =	vadd.f32 v3, v1;
	_ =	sdelay $0x1  }
0x55: {  	v1 =	vmul.f32 v1, v61;
	_ =	sdelay $0x1  }
0x56: {  	v0 =	vadd.f32 v1, v0;
	_ =	sdelay $0x1  }
0x57: {  	(xrf0) =	vmax.scan.msk.f32 $0xffff, v0;
	_ =	sdelay $0x5  }
0x58: {  	v62, _, _ =	vpop (xrf0)  }
0x59: {  	v1 =	vbroadcast v62, $0xF;
	_ =	sdelay $0x1  }
0x5a: {  	v1 =	vsub.f32 v0, v1;
	_ =	sdelay $0x1  }
0x5b: {  	v1 =	vmul.f32 $1.442695020e+00, v1;
	_ =	sdelay $0x1  }
0x5c: {  	(erf) = vpow2.f32 v1;
	_ =	sdelay $0x8  }
0x5d: {  	v1 =	vpop (erf)  }
0x5e: {  	(xrf2) =	vadd.scan.msk.f32 $0xffff, v1;
	_ =	sdelay $0x9  }
0x5f: {  	v63, _, _ =	vpop (xrf2)  }
0x60: {  	v2 =	vbroadcast v63, $0xF;
	_ =	sdelay $0x1  }
0x61: {  	(erf) = vrcp.f32 v2;
	_ =	sdelay $0x8  }
0x62: {  	v2 =	vpop (erf)  }
0x63: {  	v1 =	vmul.f32 v2, v1  }
0x64: {  	[tilespmem:s21+$0x5000] =	vst v0  }
0x65: {  	[tilespmem:s21+$0x6400] =	vst v1  }
0x66: {  	[hbm4b:s8+s3] =	stream.linear.scatter [tilespmem:s16], [sflag:$0x1], $0x1400, $0x38;
	[tilespmem:$0x7810] =	vst v63  }
0x67: {  	s18 =	sadd.s32 $0x1, s18;
	_ =	swait.ge [sflag:s11], $0x1400  }
0x68: {  	p0 =	sne.s32 s18, s10;
	[sflag:s11] =	ssyncset.done $0x0  }
.Ltmp1:
0x69: {  	[sflag:s11] =	ssyncadd.s32 $0xFFFFEC00;
	(pc) =	sbr.rel @p0 .LBB2_1-.Ltmp1, $4  }
0x6a: {  	[hbm4b:s9+s3] =	stream.linear.scatter [tilespmem:s17], [sflag:$0x1], $0x1400, $0x38;
	[tilespmem:$0x7810] =	vst v63  }
0x6b: {  	_ =	swait.ge [sflag:s11], $0x1400  }
0x6c: {  	[sflag:s11] =	ssyncset.done $0x0  }
0x6d: {  	[sflag:s11] =	ssyncadd.s32 $0xFFFFEC00  }
0x6e: {  	_ =	sfence.sel $0x180000  }
0x6f: {  	[bflag:$0x0] =	sbarrier.arrive $0xFFFF  }
0x70: {  	p0 =	sne.s32 s0, $0x0;
	_ =	strace $0x90000050  }
0x71: {  	s0 =	sadd.s32 @!p0 $0x100000, s1;
	[bflag:$0x2] =	sbarrier.arrive $0xFFFF  }
0x72: {  	[sflag:s0] =	ssyncadd.tile.s32 @!p0 $0x1;
	_ =	shalt  }
.Lfunc_end2:
_tile_overlayer_lowered:
.L_overlay_start_2:
0x73: {  	(tag) =	ssettag $0x2  }
0x74: {  	s0 =	rddreg [dreg:$0x0];
	s2 =	stileid.u32  }
0x75: {  	s1 =	rddreg [dreg:$0x1];
	p0 =	sne.s32 s2, $0x0  }
0x76: {  	s3 =	rddreg [dreg:$0x2];
	[bflag:$0x3] =	sbarrier.arrive $0xFFFF;
	s2 =	simm.s32 @!p0 $0x1C01  }
0x77: {  	[timem:s3], [sflag:s2] =	dma.local @!p0 [hbm:s0], s1  }
0x78: {  	s0 =	simm.s32 @!p0 $0x1  }
0x79: {  	_ =	swait.ge @!p0 [sflag:s0], s1  }
0x7a: {  	s1 =	ssub.s32 @!p0 $0x0, s1;
	[sflag:s0] =	ssyncset.done @!p0 $0x0  }
0x7b: {  	[sflag:s0] =	ssyncadd.s32 @!p0 s1  }
0x7c: {  	[bflag:$0x3] =	sbarrier.arrive $0xFFFF  }
0x7d: {  	_ =	shalt  }

// kernel: kernel.7.cloned.1.call-start
scs
__scs_entry_jumppad:
0x0: {  	(pc) =	sbr.rel $0x88, $3  }
0x1: {  	(tag) =	ssettag $0x0;
	lr =	simm.s32 $0x1  }
0x2: {  	[smem:$0x3F9B] =	sst lr;
	_ =	strace $0xD0000000  }
0x3: {  	_ = 	snop  }
0x4: {  	_ = 	snop  }
0x5: {  	_ = 	snop  }
0x6: {  	_ = 	snop  }
0x7: {  	_ = 	snop  }
__scs_overlays_trampoline_lowered:
0x8: {  	[smem:$0x3FAA] =	sst s0  }
0x9: {  	[smem:$0x3FAB] =	sst s1  }
0xa: {  	[smem:$0x3FAC] =	sst s2  }
0xb: {  	[smem:$0x3FAD] =	sst s3  }
0xc: {  	[smem:$0x3FAE] =	sst s4  }
0xd: {  	[smem:$0x3FAF] =	sst s5  }
0xe: {  	[smem:$0x3FB0] =	sst s6  }
0xf: {  	[smem:$0x3FB1] =	sst s7  }
0x10: {  	[smem:$0x3FB2] =	sst s8  }
0x11: {  	[smem:$0x3FB3] =	sst s9;
	s0 =	simm.s32 @!p0 $0x0  }
0x12: {  	s1 =	sld [smem:$0x3F99];
	s0 =	simm.s32 @p0 $0x1  }
0x13: {  	[smem:$0x3FB4] =	sst s0;
	s0 =	simm.s32 @!p1 $0x0  }
0x14: {  	s2 =	sld [smem:$0x3F98];
	s0 =	simm.s32 @p1 $0x1  }
0x15: {  	[smem:$0x3FB5] =	sst s0;
	s0 =	simm.s32 @!p2 $0x0  }
0x16: {  	s3 =	sld [smem:$0x3FDB];
	s0 =	simm.s32 @p2 $0x1  }
0x17: {  	s4 =	simm.s32 $0x1BF5;
	[smem:$0x3FB7] =	sst s0  }
0x18: {  	s0 =	sld [smem:$0x3F9A];
	_ =	swait.ge [sflag:s4], $0x0  }
0x19: {  	s7 =	sld [smem:$0x3F9B]  }
0x1a: {  	s8 =	sadd.s32 $0xFFFFE003, lr  }
0x1b: {  	s9 =	sadd.s32 $0xFFFFFEF7, lr;
	s5 =	simm.s32 $0xFFFFFFFF;
	p2 =	slt.u32 s8, $0xFFFFF086  }
0x1c: {  	p1 =	slt.u32 s9, $0xF7A;
	s5 =	simm.s32 @!p2 $0x0  }
0x1d: {  	s5 =	simm.s32 @p1 $0x1;
	p0 =	seq.s32 s7, s2  }
0x1e: {  	s7 =	smul.u32 @!p0 $0xF7A, s2;
	p2 =	seq.s32 @!p0 s5, $0x0  }
0x1f: {  	s9 =	smul.u32 $0xF7A, s1;
	s8 =	simm.s32 @!p0 $0x1BF5;
	p2 =	por !p2, p0  }
0x20: {  	[sflag:s8] =	ssyncset.s32 @!p0 $0xFFFFF086;
	s6 =	sadd.s32 @!p0 s3, s7;
	s7 =	simm.s32 @!p0 $0x108  }
0x21: {  	s3 =	sadd.s32 s3, s9;
	s6 =	sadd.s32 @!p0 $0x88, s6;
	s7 =	simm.s32 @p2 $0x1082  }
0x22: {  	[simem:s7], [sflag:s8] =	dma.local @!p0 [hbm:s6], $0xF7A  }
0x23: {  	s9 =	sor.u32 $0xD0000000, s2;
	s6 =	simm.s32 $0x108;
	_ =	swait.ge @!p0 [sflag:s8], $0x0  }
0x24: {  	s3 =	sadd.s32 $0x88, s3;
	s6 =	simm.s32 @!p1 $0x1082;
	[sflag:s4] =	ssyncset.s32 $0xFFFFF086  }
0x25: {  	[simem:s6], [sflag:s4] =	dma.local [hbm:s3], $0xF7A  }
0x26: {  	[smem:$0x3F9B] =	sst s1;
	(tag) =	ssettag s2;
	_ =	strace s9  }
0x27: {  	s1 =	sld [smem:$0x3FAB]  }
0x28: {  	s2 =	sld [smem:$0x3FAC]  }
0x29: {  	s4 =	sld [smem:$0x3FAE]  }
0x2a: {  	p0 =	seq.s32 s5, $0x0;
	s5 =	sld [smem:$0x3FAF]  }
0x2b: {  	s6 =	sld [smem:$0x3FB0]  }
0x2c: {  	s7 =	sld [smem:$0x3FB1]  }
0x2d: {  	s3 =	simm.s32 $0x108;
	s8 =	sld [smem:$0x3FB2]  }
0x2e: {  	s3 =	simm.s32 @!p0 $0x1082;
	s9 =	sld [smem:$0x3FB3]  }
0x2f: {  	lr =	sadd.s32 s0, s3;
	s0 =	sld [smem:$0x3FAA]  }
0x30: {  	s3 =	sld [smem:$0x3FAD]  }
0x31: {  	[smem:$0x3FB6] =	sst s10  }
0x32: {  	s10 =	sld [smem:$0x3FB4];
	_ =	sdelay $0x3  }
0x33: {  	p0 =	seq.s32 s10, $0x1;
	s10 =	sld [smem:$0x3FB6];
	_ =	sdelay $0x3  }
0x34: {  	[smem:$0x3FB6] =	sst s10  }
0x35: {  	s10 =	sld [smem:$0x3FB5];
	_ =	sdelay $0x3  }
0x36: {  	p1 =	seq.s32 s10, $0x1;
	s10 =	sld [smem:$0x3FB6];
	_ =	sdelay $0x3  }
0x37: {  	[smem:$0x3FB6] =	sst s10  }
0x38: {  	s10 =	sld [smem:$0x3FB7]  }
0x39: {  	_ = 	snop;
	(pc) =	sbr.ind lr, $3  }
0x3a: {  	_ = 	snop  }
0x3b: {  	_ = 	snop  }
0x3c: {  	p2 =	seq.s32 s10, $0x1;
	s10 =	sld [smem:$0x3FB6]  }
0x3d: {  	_ =	shalt  }
0x3e: {  	_ =	shalt  }
0x3f: {  	_ =	shalt  }
0x40: {  	_ =	shalt  }
0x41: {  	_ =	shalt  }
0x42: {  	_ =	shalt  }
0x43: {  	_ =	shalt  }
0x44: {  	_ =	shalt  }
0x45: {  	_ =	shalt  }
0x46: {  	_ =	shalt  }
0x47: {  	_ =	shalt  }
0x48: {  	_ =	shalt  }
0x49: {  	_ =	shalt  }
0x4a: {  	_ =	shalt  }
0x4b: {  	_ =	shalt  }
0x4c: {  	_ =	shalt  }
0x4d: {  	_ =	shalt  }
0x4e: {  	_ =	shalt  }
0x4f: {  	_ =	shalt  }
0x50: {  	_ =	shalt  }
0x51: {  	_ =	shalt  }
0x52: {  	_ =	shalt  }
0x53: {  	_ =	shalt  }
0x54: {  	_ =	shalt  }
0x55: {  	_ =	shalt  }
0x56: {  	_ =	shalt  }
0x57: {  	_ =	shalt  }
0x58: {  	_ =	shalt  }
0x59: {  	_ =	shalt  }
0x5a: {  	_ =	shalt  }
0x5b: {  	_ =	shalt  }
0x5c: {  	_ =	shalt  }
0x5d: {  	_ =	shalt  }
0x5e: {  	_ =	shalt  }
0x5f: {  	_ =	shalt  }
0x60: {  	_ =	shalt  }
0x61: {  	_ =	shalt  }
0x62: {  	_ =	shalt  }
0x63: {  	_ =	shalt  }
0x64: {  	_ =	shalt  }
0x65: {  	_ =	shalt  }
0x66: {  	_ =	shalt  }
0x67: {  	_ =	shalt  }
0x68: {  	_ =	shalt  }
0x69: {  	_ =	shalt  }
0x6a: {  	_ =	shalt  }
0x6b: {  	_ =	shalt  }
0x6c: {  	_ =	shalt  }
0x6d: {  	_ =	shalt  }
0x6e: {  	_ =	shalt  }
0x6f: {  	_ =	shalt  }
0x70: {  	_ =	shalt  }
0x71: {  	_ =	shalt  }
0x72: {  	_ =	shalt  }
0x73: {  	_ =	shalt  }
0x74: {  	_ =	shalt  }
0x75: {  	_ =	shalt  }
0x76: {  	_ =	shalt  }
0x77: {  	_ =	shalt  }
0x78: {  	_ =	shalt  }
0x79: {  	_ =	shalt  }
0x7a: {  	_ =	shalt  }
0x7b: {  	_ =	shalt  }
0x7c: {  	_ =	shalt  }
0x7d: {  	_ =	shalt  }
0x7e: {  	_ =	shalt  }
0x7f: {  	_ =	shalt  }
0x80: {  	_ =	shalt  }
0x81: {  	_ =	shalt  }
0x82: {  	_ =	shalt  }
0x83: {  	_ =	shalt  }
0x84: {  	_ =	shalt  }
0x85: {  	_ =	shalt  }
0x86: {  	_ =	shalt  }
0x87: {  	_ =	shalt  }
.Lfunc_end0:
.L_simem_size_0:
called_computation_lowered:
.L_overlay_start_0:
0x88: {  	s2 =	sld [smem:$0x3FD9]  }
0x89: {  	s3 =	sld [smem:$0x3FFE];
	_ =	sdelay $0x1  }
0x8a: {  	s1 =	srdreg.scid  }
0x8b: {  	s0 =	sand.u32 $0x1, s1  }
0x8c: {  	s16 =	sshll.u32 s0, $0xA;
	s2 =	sadd.s32 s3, s2  }
0x8d: {  	s2 =	sadd.s32 s2, s16  }
0x8e: {  	[smem:$0x3FC2] =	sst s2  }
0x8f: {  	_ = 	snop  }
0x90: {  	(tm) =	ssettm $0x1  }
0x91: {  	s17 =	sld [smem:$0x3FFB];
	_ =	sdelay $0x3  }
0x92: {  	_ =	strace s17  }
0x93: {  	s2 =	sld [smem:$0x3FFC];
	_ =	sdelay $0x3  }
0x94: {  	_ =	strace s2  }
0x95: {  	s2 =	sld [smem:$0x3FFD];
	_ =	sdelay $0x3  }
0x96: {  	_ =	strace s2  }
0x97: {  	_ =	strace $0x8FFFFFFF  }
0x98: {  	s18 =	sld [smem:$0x3FDB];
	_ =	sdelay $0x1  }
0x99: {  	s19 =	simm.s32 $_scs_section_size  }
0x9a: {  	s4 =	simm.s32 $_size__tile_overlayer_lowered;
	s5 =	simm.s32 $_tile_overlayer_lowered  }
0x9b: {  	s22 =	simm.s32 $0x1BFF;
	s21 =	sshll.u32 s5, $0x1;
	s2 =	sadd.s32 s19, s18  }
0x9c: {  	s6 =	simm.s32 $0x0;
	s20 =	sshll.u32 s4, $0x1;
	s4 =	sadd.s32 s21, s2  }
0x9d: {  	[timem:s6], [sflag:s22] =	dma.local [hbm:s4], s20  }
0x9e: {  	_ =	swait.ge [sflag:s22], s20  }
0x9f: {  	s3 =	ssub.s32 $0x0, s20;
	[sflag:s22] =	ssyncset.done $0x0  }
0xa0: {  	[sflag:s22] =	ssyncadd.s32 s3;
	_ =	sdelay $0x1  }
0xa1: {  	s23 =	simm.s32 $0x1B8B  }
0xa2: {  	_ =	swait.ge [sflag:s23], $0x1  }
0xa3: {  	[sflag:s23] =	ssyncset.done $0x0  }
0xa4: {  	s25 =	simm.s32 $0x1B8E;
	s24 =	sld [smem:$0x3FFE];
	[sflag:s23] =	ssyncadd.s32 $0xFFFFFFFF  }
0xa5: {  	s26 =	simm.s32 $execute0_lowered;
	[smem:$0x3FD2] =	sst s25  }
0xa6: {  	s4 =	sshll.u32 s26, $0x1;
	_ =	strace $0x80000046;
	[dreg:$0x1] =	wrdreg $0xFFFFFFFF  }
0xa7: {  	s28 =	simm.s32 $_size_execute0_lowered;
	s2 =	sadd.s32 s2, s4;
	[dreg:$0x0] =	wrdreg $0x0  }
0xa8: {  	s4 =	sshll.u32 s28, $0x1;
	[dreg:$0x2] =	wrdreg s2  }
0xa9: {  	[dreg:$0x3] =	wrdreg s4  }
0xaa: {  	[dreg:$0x4] =	wrdreg $0xC0  }
0xab: {  	_ =	task [dreg:s6], $0x5FFFF  }
0xac: {  	[dreg:$0x1] =	wrdreg $0xFFFFFFFF  }
0xad: {  	[dreg:$0x0] =	wrdreg $0x60  }
0xae: {  	[dreg:$0x2] =	wrdreg s24  }
0xaf: {  	[dreg:$0x3] =	wrdreg $0x58000  }
0xb0: {  	[dreg:$0x4] =	wrdreg $0x9  }
0xb1: {  	_ =	task.clear_ibuf [dreg:s6], $0x5FFFF;
	_ =	strace $0x90000046  }
0xb2: {  	s29 =	simm.s32 $0x9;
	_ =	strace $0x80000048  }
0xb3: {  	_ =	swait.ge [sflag:s29], $0x1  }
0xb4: {  	[sflag:s29] =	ssyncadd.s32 $0xFFFFFFFF  }
0xb5: {  	_ =	strace $0x90000048  }
0xb6: {  	_ =	sfence  }
0xb7: {  	s30 =	sld [smem:$0x0];
	_ =	sdelay $0x2  }
0xb8: {  	s31 =	sshll.u32 s1, $0xD;
	s1 =	sshrl.u32 s1, $0x2  }
0xb9: {  	s3 =	sand.u32 $0x4000, s31;
	s1 =	sadd.s32 s1, s30  }
0xba: {  	s0 =	sor.u32 s3, s0;
	s1 =	sshll.u32 s1, $0x11  }
0xbb: {  	s0 =	sor.u32 s1, s0  }
0xbc: {  	s0 =	sadd.s32 $0x8F2B, s0  }
0xbd: {  	[sflag:s0] =	ssyncadd.remote.s32 $0x1  }
0xbe: {  	_ =	sfence.sel $0xFFFF  }
0xbf: {  	[dreg:$0x0] =	wrdreg $0xFFFFFFFF;
	(pc) =	sbr.abs _section_cstart, $3  }
0xc0: {  	[dreg:$0x1] =	wrdreg $0xFFFFFFFF  }
0xc1: {  	_ =	task.clear_ibuf [dreg:s6], $0x2FFFF;
	_ =	strace $0x9FFFFFFF  }
0xc2: {  	(tm) =	ssettm $0x7FFFFFFF  }
0xc3: {  	_ =	shalt  }
tec
execute0_lowered:
.L_overlay_start_1:
0x0: {  	(tag) =	ssettag $0x1  }
0x1: {  	s4 =	rddreg [dreg:$0x0]  }
0x2: {  	s2 =	rddreg [dreg:$0x1];
	s3 =	srdreg.scid  }
0x3: {  	s1 =	stileid.u32;
	s0 =	rddreg [dreg:$0x2];
	s10 =	simm.s32 $0x80  }
0x4: {  	s11 =	simm.s32 $0x2800;
	s5 =	sand.u32 $0x1, s3;
	s6 =	smul.u32 $0x2800, s1  }
0x5: {  	s3 =	simm.s32 $0x0;
	s7 =	sshll.u32 s1, $0x1;
	s8 =	smul.u32 $0x28000, s5  }
0x6: {  	s12 =	simm.s32 $0x0;
	[smem:$0x7FF] =	sst s3;
	s7 =	sor.u32 s5, s7  }
0x7: {  	s5 =	ssub.s32 $0x2, s5;
	s7 =	smul.u32 $0x500, s7;
	s8 =	sadd.s32 s6, s8  }
0x8: {  	_ =	strace $0x80000047;
	s9 =	sshrl.u32 s5, $0x1;
	s8 =	sshrl.u32 s8, $0x3  }
0x9: {  	s9 =	ssub.s32 s5, s9;
	s7 =	sadd.s32 s7, s4;
	s8 =	sadd.s32 s8, s4  }
0xa: {  	s4 =	sadd.s32 s6, s2;
	s5 =	sadd.s32 $0x2400, s7;
	s7 =	smax.u32 s9, $0x1  }
0xb: {  	v0 =	vimm.f32 $0.0e+00;
	v1 =	vimm.f32 $1.000000000e+00;
	s9 =	simm.s32 $0x1;
	s6 =	sadd.s32 $0xC400, s8;
	s8 =	simm.s32 $0x3000  }
.LBB2_1:
0xc: {  	s13 =	simm.s32 $0x40;
	s14 =	simm.s32 $0x0  }
.LBB2_2:
0xd: {  	p0 =	sne.s32 s13, $0x9FC0;
	[tilespmem:s14+$0x3000] =	vst v0;
	s14 =	smov.u32 s13;
	s13 =	sadd.s32 $0x40, s13  }
.Ltmp0:
0xe: {  	(pc) =	sbr.rel @p0 .LBB2_2-.Ltmp0, $2  }
0xf: {  	_ =	sdelay $0x2  }
0x10: {  	s14 =	sshra.s32 s14, $0x2  }
0x11: {  	[tilespmem:s14+$0x3000] =	vst v0  }
0x12: {  	[spmem:s4] =	stream.linear.scatter [tilespmem:s8], [sflag:$0x1], $0x2800, $0x38;
	[tilespmem:$0x8000] =	vst v63  }
0x13: {  	_ =	swait.ge [sflag:s9], $0x2800  }
0x14: {  	[sflag:s9] =	ssyncset.done $0x0  }
0x15: {  	[sflag:s9] =	ssyncadd.s32 $0xFFFFD800  }
0x16: {  	s13 =	simm.s32 $0x0;
	[bflag:$0x0] =	sbarrier.arrive $0xFFFF  }
0x17: {  	[tilespmem:s13], [sflag:$0x1] =	stream.linear.gather [hbm4b:s5+s13], $0x2800, $0x38;
	[tilespmem:$0x8000] =	vst v63  }
0x18: {  	_ =	swait.ge [sflag:s9], $0x2800  }
0x19: {  	[sflag:s9] =	ssyncset.done $0x0  }
0x1a: {  	s14 =	simm.s32 $0x0;
	s13 =	simm.s32 $0x40;
	[sflag:s9] =	ssyncadd.s32 $0xFFFFD800  }
.LBB2_4:
0x1b: {  	p0 =	sne.s32 s13, $0x1FC0;
	[tilespmem:s14+$0x2800] =	vst v1;
	s14 =	smov.u32 s13;
	s13 =	sadd.s32 $0x40, s13  }
.Ltmp1:
0x1c: {  	(pc) =	sbr.rel @p0 .LBB2_4-.Ltmp1, $2  }
0x1d: {  	_ =	sdelay $0x2  }
0x1e: {  	s14 =	sshra.s32 s14, $0x2  }
0x1f: {  	[tilespmem:s14+$0x2800] =	vst v1;
	s13 =	simm.s32 $0x0  }
0x20: {  	[spmem:s2] =	stream.indirect.scatter.add.f32 [tilespmem:s11], [sflag:$0x1], $0x10, s13, s10, $0xb8;
	[tilespmem:$0x8000] =	vst v63  }
0x21: {  	_ =	swait.ge [sflag:s9], $0x800  }
0x22: {  	s13 =	simm.s32 $0x200;
	[sflag:s9] =	ssyncset.done $0x0  }
.LBB2_6:
0x23: {  	s14 =	sshra.s32 s13, $0x2;
	[sflag:s9] =	ssyncadd.s32 $0xFFFFF800;
	p0 =	sne.s32 s13, $0x9E00  }
0x24: {  	[spmem:s2] =	stream.indirect.scatter.add.f32 [tilespmem:s11], [sflag:$0x1], $0x10, s14, s10, $0xb8;
	[tilespmem:$0x8000] =	vst v63  }
.Ltmp2:
0x25: {  	_ = 	snop;
	(pc) =	sbr.rel @p0 .LBB2_6-.Ltmp2, $4  }
0x26: {  	_ = 	snop  }
0x27: {  	s13 =	sadd.s32 $0x200, s13  }
0x28: {  	_ =	swait.ge [sflag:s9], $0x800  }
0x29: {  	[sflag:s9] =	ssyncset.done $0x0  }
0x2a: {  	[sflag:s9] =	ssyncadd.s32 $0xFFFFF800  }
0x2b: {  	[bflag:$0x0] =	sbarrier.arrive $0xFFFF  }
0x2c: {  	[tilespmem:s8], [sflag:$0x1] =	stream.linear.gather [spmem:s4], $0x2800, $0x38;
	[tilespmem:$0x8000] =	vst v63  }
0x2d: {  	s12 =	sadd.s32 $0x1, s12;
	_ =	swait.ge [sflag:s9], $0x2800  }
0x2e: {  	p0 =	sne.s32 s12, s7;
	[sflag:s9] =	ssyncset.done $0x0  }
.Ltmp3:
0x2f: {  	[sflag:s9] =	ssyncadd.s32 $0xFFFFD800;
	(pc) =	sbr.rel @p0 .LBB2_1-.Ltmp3, $4  }
0x30: {  	[hbm4b:s6+s3] =	stream.linear.scatter [tilespmem:s8], [sflag:$0x1], $0x2800, $0x38;
	[tilespmem:$0x8000] =	vst v63  }
0x31: {  	_ =	swait.ge [sflag:s9], $0x2800  }
0x32: {  	[sflag:s9] =	ssyncset.done $0x0  }
0x33: {  	[sflag:s9] =	ssyncadd.s32 $0xFFFFD800  }
0x34: {  	_ =	sfence.sel $0x180000  }
0x35: {  	[bflag:$0x0] =	sbarrier.arrive $0xFFFF  }
0x36: {  	p0 =	sne.s32 s1, $0x0;
	_ =	strace $0x90000047  }
0x37: {  	s0 =	sadd.s32 @!p0 $0x100000, s0;
	[bflag:$0x2] =	sbarrier.arrive $0xFFFF  }
0x38: {  	[sflag:s0] =	ssyncadd.tile.s32 @!p0 $0x1;
	_ =	shalt  }
.Lfunc_end2:
_tile_overlayer_lowered:
.L_overlay_start_2:
0x39: {  	(tag) =	ssettag $0x2  }
0x3a: {  	s0 =	rddreg [dreg:$0x0];
	s2 =	stileid.u32  }
0x3b: {  	s1 =	rddreg [dreg:$0x1];
	p0 =	sne.s32 s2, $0x0  }
0x3c: {  	s3 =	rddreg [dreg:$0x2];
	[bflag:$0x3] =	sbarrier.arrive $0xFFFF;
	s2 =	simm.s32 @!p0 $0x1C01  }
0x3d: {  	[timem:s3], [sflag:s2] =	dma.local @!p0 [hbm:s0], s1  }
0x3e: {  	s0 =	simm.s32 @!p0 $0x1  }
0x3f: {  	_ =	swait.ge @!p0 [sflag:s0], s1  }
0x40: {  	s1 =	ssub.s32 @!p0 $0x0, s1;
	[sflag:s0] =	ssyncset.done @!p0 $0x0  }
0x41: {  	[sflag:s0] =	ssyncadd.s32 @!p0 s1  }
0x42: {  	[bflag:$0x3] =	sbarrier.arrive $0xFFFF  }
0x43: {  	_ =	shalt  }

</sc_bundles>
